<compile_context>
chip_gen: v7x
topology: tpu7x:2x2x1
jax: 0.10.2.dev20260603
libtpu: 0.0.44.dev20260713+nightly
codegen_flags: <defaults>
</compile_context>

<pallas_src>
import functools

import jax
import jax.numpy as jnp
from jax import lax
from jax.experimental import pallas as pl
from jax.experimental.pallas import tpu as pltpu
from jax.experimental.pallas import tpu_sc as plsc

D_MODEL = 128
N_SITES = 512
ROW_LEN = 3 * N_SITES
L = 16
CHUNK = 128
NCHUNK = N_SITES // CHUNK


def _make_sc_kernel(batch: int):
    info = plsc.get_sparse_core_info()
    nc, ns = info.num_cores, info.num_subcores
    nw = nc * ns
    assert batch % nw == 0
    rows_per_w = batch // nw

    mesh = plsc.VectorSubcoreMesh(core_axis_name="c", subcore_axis_name="s")

    @functools.partial(
        pl.kernel,
        mesh=mesh,
        out_type=jax.ShapeDtypeStruct((batch * N_SITES, D_MODEL), jnp.float32),
        scratch_types=[
            pltpu.VMEM((ROW_LEN,), jnp.int32),
            pltpu.VMEM((NCHUNK, CHUNK), jnp.int32),
            pltpu.VMEM((NCHUNK, CHUNK, D_MODEL), jnp.float32),
            pltpu.VMEM_SHARED((8, D_MODEL), jnp.float32),
            pltpu.SemaphoreType.DMA,
        ]
        + [pltpu.SemaphoreType.DMA for _ in range(NCHUNK)]
        + [pltpu.SemaphoreType.DMA for _ in range(NCHUNK)],
    )
    def body(n_hbm, emb_hbm, out_hbm, nrow_v, tok_v, rows_v, emb_v, nsem, *sems):
        gsem = sems[:NCHUNK]
        wsem = sems[NCHUNK:]
        wid = lax.axis_index("s") * nc + lax.axis_index("c")
        row0 = wid * rows_per_w

        @pl.when(lax.axis_index("s") == 0)
        def _():
            pltpu.sync_copy(emb_hbm, emb_v)

        def stage_and_pack(row):
            pltpu.async_copy(
                n_hbm.at[pl.ds(row * ROW_LEN, ROW_LEN)], nrow_v, nsem
            ).wait()
            for c in range(NCHUNK):
                for j in range(CHUNK // L):
                    o = c * CHUNK + j * L
                    down = nrow_v[pl.ds(o, L)]
                    up = nrow_v[pl.ds(N_SITES + o, L)]
                    sp = nrow_v[pl.ds(2 * N_SITES + o, L)]
                    tok_v[c, pl.ds(j * L, L)] = (
                        up + 2 * down + 4 * ((sp + 1) >> 1)
                    )

        stage_and_pack(row0)
        plsc.subcore_barrier()
        for c in range(NCHUNK):
            pltpu.async_copy(emb_v.at[tok_v.at[c]], rows_v.at[c], gsem[c])

        def round_body(r, carry):
            row = row0 + r
            for c in range(NCHUNK):
                pltpu.make_async_copy(
                    emb_v.at[tok_v.at[c]], rows_v.at[c], gsem[c]
                ).wait()
                pltpu.async_copy(
                    rows_v.at[c],
                    out_hbm.at[pl.ds(row * N_SITES + c * CHUNK, CHUNK)],
                    wsem[c],
                )

            @pl.when(r + 1 < rows_per_w)
            def _():
                stage_and_pack(row + 1)
                for c in range(NCHUNK):
                    pltpu.make_async_copy(
                        rows_v.at[c],
                        out_hbm.at[pl.ds(row * N_SITES + c * CHUNK, CHUNK)],
                        wsem[c],
                    ).wait()
                    pltpu.async_copy(
                        emb_v.at[tok_v.at[c]], rows_v.at[c], gsem[c]
                    )

            return carry

        lax.fori_loop(0, rows_per_w, round_body, 0)

        last = row0 + rows_per_w - 1
        for c in range(NCHUNK):
            pltpu.make_async_copy(
                rows_v.at[c],
                out_hbm.at[pl.ds(last * N_SITES + c * CHUNK, CHUNK)],
                wsem[c],
            ).wait()

    return body


def kernel(n_flat, embedding):
    n = jnp.asarray(n_flat)
    if n.ndim == 1:
        n = n[None, :]
    batch = n.shape[0]
    body = _make_sc_kernel(batch)
    out = body(n.reshape(-1), embedding)
    return out.reshape(batch, N_SITES, D_MODEL)

# --- scband reference (transcript-rebuilt; emitter-appended) ---
"""Pipeline reference for scband-embed-59854664237215 (READ-ONLY COPY).

The authoritative reference and input builder live on the scoring server;
editing this copy changes nothing except your own understanding.
"""

import jax, jax.numpy as jnp
import numpy as np

D_MODEL = 128
N_SITES = 512
N_BANDS = 3
NUM_EMB = 2 ** N_BANDS

def setup_inputs(seed: int = 0) -> dict:
    key = jax.random.key(seed)
    k1, k2 = jax.random.split(key)
    n_flat = jax.random.randint(k1, (1024, 3 * N_SITES), 0, 2).astype(jnp.int32)
    # xavier_uniform init for the embedding table [2**n_bands, d_model]
    a = float(np.sqrt(6.0 / (NUM_EMB + D_MODEL)))
    embedding = jax.random.uniform(k2, (NUM_EMB, D_MODEL), minval=-a, maxval=a, dtype=jnp.float32)
    return {"n_flat": n_flat, "embedding": embedding}

def reference(n_flat, embedding):
    n = jnp.asarray(n_flat)
    if n.ndim == 1:
        n = n[None, :]
    down = n[:, :N_SITES]
    up = n[:, N_SITES:2 * N_SITES]
    spins = (n[:, 2 * N_SITES:] + 1) // 2
    bits = jnp.stack([up, down, spins], axis=-1)
    weights = (2 ** jnp.arange(N_BANDS)).astype(jnp.int32)
    tokens = jnp.sum(bits * weights, axis=-1).astype(jnp.int32)
    embedded = jnp.take(embedding, tokens, axis=0)
    return embedded

if __name__ == "__main__":
    import jax
    _d = setup_inputs()
    print(jax.jit(kernel)(*tuple(_d.values())))

</pallas_src>

<mosaic_0001>
#map = affine_map<(d0, d1) -> (0)>
#map1 = affine_map<(d0, d1) -> (0, 0)>
module attributes {stable_mosaic.version = 14 : i64} {
  func.func @body(%arg0: i32, %arg1: i32, %arg2: memref<1572864xi32, #tpu.memory_space<hbm>>, %arg3: memref<8x128xf32, #tpu.memory_space<hbm>>, %arg4: memref<524288x128xf32, #tpu.memory_space<hbm>>, %arg5: memref<1536xi32, #tpu.memory_space<vmem>>, %arg6: memref<4x128xi32, #tpu.memory_space<vmem>>, %arg7: memref<4x128x128xf32, #tpu.memory_space<vmem>>, %arg8: memref<8x128xf32, #tpu.memory_space<vmem_shared>>, %arg9: memref<!tpu.dma_semaphore, #tpu.memory_space<semaphore_mem>>, %arg10: memref<!tpu.dma_semaphore, #tpu.memory_space<semaphore_mem>>, %arg11: memref<!tpu.dma_semaphore, #tpu.memory_space<semaphore_mem>>, %arg12: memref<!tpu.dma_semaphore, #tpu.memory_space<semaphore_mem>>, %arg13: memref<!tpu.dma_semaphore, #tpu.memory_space<semaphore_mem>>, %arg14: memref<!tpu.dma_semaphore, #tpu.memory_space<semaphore_mem>>, %arg15: memref<!tpu.dma_semaphore, #tpu.memory_space<semaphore_mem>>, %arg16: memref<!tpu.dma_semaphore, #tpu.memory_space<semaphore_mem>>, %arg17: memref<!tpu.dma_semaphore, #tpu.memory_space<semaphore_mem>>) attributes {dimension_semantics = [#tpu.dimension_semantics<core_parallel>, #tpu.dimension_semantics<subcore_parallel>], iteration_bounds = array<i64: 2, 16>, scalar_prefetch = 0 : i64, scratch_operands = 13 : i64, tpu.core_type = #tpu.core_type<sc_vector_subcore>, window_params = [{transform_indices = #map}, {transform_indices = #map1}, {transform_indices = #map1}]} {
    %mul3A = arith.constant 2 : i32
    %mul3A_0 = arith.muli %arg1, %mul3A : i32
    %add3A = arith.addi %mul3A_0, %arg0 : i32
    %mul3A_1 = arith.constant 32 : i32
    %mul3A_2 = arith.muli %add3A, %mul3A_1 : i32
    %eq3A = arith.constant 0 : i32
    %eq3A_3 = arith.cmpi eq, %arg1, %eq3A : i32
    %convert_element_type3A = arith.extui %eq3A_3 : i1 to i32
    %cond3A = arith.constant 0 : i32
    %cond3A_4 = arith.cmpi ne, %convert_element_type3A, %cond3A : i32
    scf.if %cond3A_4 {
      "tpu.region"() ({
        %run_scoped3A = tpu.sem_alloc : memref<!tpu.dma_semaphore, #tpu.memory_space<semaphore_mem>>
        tpu.enqueue_dma source(%arg3 : memref<8x128xf32, #tpu.memory_space<hbm>>) target(%arg8 : memref<8x128xf32, #tpu.memory_space<vmem_shared>>) target_semaphore(%run_scoped3A : memref<!tpu.dma_semaphore, #tpu.memory_space<semaphore_mem>>)
        tpu.wait_dma2 semaphore(%run_scoped3A : memref<!tpu.dma_semaphore, #tpu.memory_space<semaphore_mem>>) src(%arg3 : memref<8x128xf32, #tpu.memory_space<hbm>>) dst(%arg8 : memref<8x128xf32, #tpu.memory_space<vmem_shared>>)
        tpu.yield
      }) : () -> ()
    } else {
    }
    %mul3A_5 = arith.constant 1536 : i32
    %mul3A_6 = arith.muli %mul3A_2, %mul3A_5 : i32
    %dma_start3A = tpu.memref_slice %arg2[%mul3A_6] : memref<1572864xi32, #tpu.memory_space<hbm>> -> memref<1536xi32, #tpu.memory_space<hbm>>
    %dma_start3A_7 = tpu.memref_slice %arg2[%mul3A_6] : memref<1572864xi32, #tpu.memory_space<hbm>> -> memref<1536xi32, #tpu.memory_space<hbm>>
    tpu.enqueue_dma source(%dma_start3A_7 : memref<1536xi32, #tpu.memory_space<hbm>>) target(%arg5 : memref<1536xi32, #tpu.memory_space<vmem>>) target_semaphore(%arg9 : memref<!tpu.dma_semaphore, #tpu.memory_space<semaphore_mem>>)
    %dma_wait3A = tpu.memref_slice %arg2[%mul3A_6] : memref<1572864xi32, #tpu.memory_space<hbm>> -> memref<1536xi32, #tpu.memory_space<hbm>>
    %dma_wait3A_8 = tpu.memref_slice %arg2[%mul3A_6] : memref<1572864xi32, #tpu.memory_space<hbm>> -> memref<1536xi32, #tpu.memory_space<hbm>>
    tpu.wait_dma2 semaphore(%arg9 : memref<!tpu.dma_semaphore, #tpu.memory_space<semaphore_mem>>) src(%dma_wait3A_8 : memref<1536xi32, #tpu.memory_space<hbm>>) dst(%arg5 : memref<1536xi32, #tpu.memory_space<vmem>>)
    %get3A = arith.constant 0 : index
    %get3A_9 = tpu.vector_load %arg5[%get3A] {strides = array<i32>} : memref<1536xi32, #tpu.memory_space<vmem>>, vector<16xi32>,
    %get3A_10 = vector.shape_cast %get3A_9 : vector<16xi32> to vector<16xi32>
    %get3A_11 = arith.constant 512 : index
    %get3A_12 = tpu.vector_load %arg5[%get3A_11] {strides = array<i32>} : memref<1536xi32, #tpu.memory_space<vmem>>, vector<16xi32>,
    %get3A_13 = vector.shape_cast %get3A_12 : vector<16xi32> to vector<16xi32>
    %get3A_14 = arith.constant 1024 : index
    %get3A_15 = tpu.vector_load %arg5[%get3A_14] {strides = array<i32>} : memref<1536xi32, #tpu.memory_space<vmem>>, vector<16xi32>,
    %get3A_16 = vector.shape_cast %get3A_15 : vector<16xi32> to vector<16xi32>
    %mul3A_17 = arith.constant 2 : i32
    %mul3A_18 = vector.broadcast %mul3A_17 : i32 to vector<16xi32>
    %mul3A_19 = arith.muli %mul3A_18, %get3A_10 : vector<16xi32>
    %add3A_20 = arith.addi %get3A_13, %mul3A_19 : vector<16xi32>
    %add3A_21 = arith.constant 1 : i32
    %add3A_22 = vector.broadcast %add3A_21 : i32 to vector<16xi32>
    %add3A_23 = arith.addi %get3A_16, %add3A_22 : vector<16xi32>
    %shift_right_arithmetic3A = arith.constant 1 : i32
    %shift_right_arithmetic3A_24 = vector.broadcast %shift_right_arithmetic3A : i32 to vector<16xi32>
    %shift_right_arithmetic3A_25 = arith.shrsi %add3A_23, %shift_right_arithmetic3A_24 : vector<16xi32>
    %mul3A_26 = arith.constant 4 : i32
    %mul3A_27 = vector.broadcast %mul3A_26 : i32 to vector<16xi32>
    %mul3A_28 = arith.muli %mul3A_27, %shift_right_arithmetic3A_25 : vector<16xi32>
    %add3A_29 = arith.addi %add3A_20, %mul3A_28 : vector<16xi32>
    %swap3A = arith.constant 0 : i32
    %swap3A_30 = arith.index_cast %swap3A : i32 to index
    %swap3A_31 = arith.constant 0 : index
    %swap3A_32 = tpu.vector_load %arg6[%swap3A_30, %swap3A_31] {strides = array<i32>} : memref<4x128xi32, #tpu.memory_space<vmem>>, vector<1x16xi32>,
    %swap3A_33 = vector.shape_cast %swap3A_32 : vector<1x16xi32> to vector<16xi32>
    %swap3A_34 = vector.shape_cast %add3A_29 : vector<16xi32> to vector<1x16xi32>
    tpu.vector_store %arg6[%swap3A_30, %swap3A_31], %swap3A_34 {strides = array<i32>} : memref<4x128xi32, #tpu.memory_space<vmem>>, vector<1x16xi32>,
    %get3A_35 = arith.constant 16 : index
    %get3A_36 = tpu.vector_load %arg5[%get3A_35] {strides = array<i32>} : memref<1536xi32, #tpu.memory_space<vmem>>, vector<16xi32>,
    %get3A_37 = vector.shape_cast %get3A_36 : vector<16xi32> to vector<16xi32>
    %get3A_38 = arith.constant 528 : index
    %get3A_39 = tpu.vector_load %arg5[%get3A_38] {strides = array<i32>} : memref<1536xi32, #tpu.memory_space<vmem>>, vector<16xi32>,
    %get3A_40 = vector.shape_cast %get3A_39 : vector<16xi32> to vector<16xi32>
    %get3A_41 = arith.constant 1040 : index
    %get3A_42 = tpu.vector_load %arg5[%get3A_41] {strides = array<i32>} : memref<1536xi32, #tpu.memory_space<vmem>>, vector<16xi32>,
    %get3A_43 = vector.shape_cast %get3A_42 : vector<16xi32> to vector<16xi32>
    %mul3A_44 = arith.constant 2 : i32
    %mul3A_45 = vector.broadcast %mul3A_44 : i32 to vector<16xi32>
    %mul3A_46 = arith.muli %mul3A_45, %get3A_37 : vector<16xi32>
    %add3A_47 = arith.addi %get3A_40, %mul3A_46 : vector<16xi32>
    %add3A_48 = arith.constant 1 : i32
    %add3A_49 = vector.broadcast %add3A_48 : i32 to vector<16xi32>
    %add3A_50 = arith.addi %get3A_43, %add3A_49 : vector<16xi32>
    %shift_right_arithmetic3A_51 = arith.constant 1 : i32
    %shift_right_arithmetic3A_52 = vector.broadcast %shift_right_arithmetic3A_51 : i32 to vector<16xi32>
    %shift_right_arithmetic3A_53 = arith.shrsi %add3A_50, %shift_right_arithmetic3A_52 : vector<16xi32>
    %mul3A_54 = arith.constant 4 : i32
    %mul3A_55 = vector.broadcast %mul3A_54 : i32 to vector<16xi32>
    %mul3A_56 = arith.muli %mul3A_55, %shift_right_arithmetic3A_53 : vector<16xi32>
    %add3A_57 = arith.addi %add3A_47, %mul3A_56 : vector<16xi32>
    %swap3A_58 = arith.constant 0 : i32
    %swap3A_59 = arith.index_cast %swap3A_58 : i32 to index
    %swap3A_60 = arith.constant 16 : index
    %swap3A_61 = tpu.vector_load %arg6[%swap3A_59, %swap3A_60] {strides = array<i32>} : memref<4x128xi32, #tpu.memory_space<vmem>>, vector<1x16xi32>,
    %swap3A_62 = vector.shape_cast %swap3A_61 : vector<1x16xi32> to vector<16xi32>
    %swap3A_63 = vector.shape_cast %add3A_57 : vector<16xi32> to vector<1x16xi32>
    tpu.vector_store %arg6[%swap3A_59, %swap3A_60], %swap3A_63 {strides = array<i32>} : memref<4x128xi32, #tpu.memory_space<vmem>>, vector<1x16xi32>,
    %get3A_64 = arith.constant 32 : index
    %get3A_65 = tpu.vector_load %arg5[%get3A_64] {strides = array<i32>} : memref<1536xi32, #tpu.memory_space<vmem>>, vector<16xi32>,
    %get3A_66 = vector.shape_cast %get3A_65 : vector<16xi32> to vector<16xi32>
    %get3A_67 = arith.constant 544 : index
    %get3A_68 = tpu.vector_load %arg5[%get3A_67] {strides = array<i32>} : memref<1536xi32, #tpu.memory_space<vmem>>, vector<16xi32>,
    %get3A_69 = vector.shape_cast %get3A_68 : vector<16xi32> to vector<16xi32>
    %get3A_70 = arith.constant 1056 : index
    %get3A_71 = tpu.vector_load %arg5[%get3A_70] {strides = array<i32>} : memref<1536xi32, #tpu.memory_space<vmem>>, vector<16xi32>,
    %get3A_72 = vector.shape_cast %get3A_71 : vector<16xi32> to vector<16xi32>
    %mul3A_73 = arith.constant 2 : i32
    %mul3A_74 = vector.broadcast %mul3A_73 : i32 to vector<16xi32>
    %mul3A_75 = arith.muli %mul3A_74, %get3A_66 : vector<16xi32>
    %add3A_76 = arith.addi %get3A_69, %mul3A_75 : vector<16xi32>
    %add3A_77 = arith.constant 1 : i32
    %add3A_78 = vector.broadcast %add3A_77 : i32 to vector<16xi32>
    %add3A_79 = arith.addi %get3A_72, %add3A_78 : vector<16xi32>
    %shift_right_arithmetic3A_80 = arith.constant 1 : i32
    %shift_right_arithmetic3A_81 = vector.broadcast %shift_right_arithmetic3A_80 : i32 to vector<16xi32>
    %shift_right_arithmetic3A_82 = arith.shrsi %add3A_79, %shift_right_arithmetic3A_81 : vector<16xi32>
    %mul3A_83 = arith.constant 4 : i32
    %mul3A_84 = vector.broadcast %mul3A_83 : i32 to vector<16xi32>
    %mul3A_85 = arith.muli %mul3A_84, %shift_right_arithmetic3A_82 : vector<16xi32>
    %add3A_86 = arith.addi %add3A_76, %mul3A_85 : vector<16xi32>
    %swap3A_87 = arith.constant 0 : i32
    %swap3A_88 = arith.index_cast %swap3A_87 : i32 to index
    %swap3A_89 = arith.constant 32 : index
    %swap3A_90 = tpu.vector_load %arg6[%swap3A_88, %swap3A_89] {strides = array<i32>} : memref<4x128xi32, #tpu.memory_space<vmem>>, vector<1x16xi32>,
    %swap3A_91 = vector.shape_cast %swap3A_90 : vector<1x16xi32> to vector<16xi32>
    %swap3A_92 = vector.shape_cast %add3A_86 : vector<16xi32> to vector<1x16xi32>
    tpu.vector_store %arg6[%swap3A_88, %swap3A_89], %swap3A_92 {strides = array<i32>} : memref<4x128xi32, #tpu.memory_space<vmem>>, vector<1x16xi32>,
    %get3A_93 = arith.constant 48 : index
    %get3A_94 = tpu.vector_load %arg5[%get3A_93] {strides = array<i32>} : memref<1536xi32, #tpu.memory_space<vmem>>, vector<16xi32>,
    %get3A_95 = vector.shape_cast %get3A_94 : vector<16xi32> to vector<16xi32>
    %get3A_96 = arith.constant 560 : index
    %get3A_97 = tpu.vector_load %arg5[%get3A_96] {strides = array<i32>} : memref<1536xi32, #tpu.memory_space<vmem>>, vector<16xi32>,
    %get3A_98 = vector.shape_cast %get3A_97 : vector<16xi32> to vector<16xi32>
    %get3A_99 = arith.constant 1072 : index
    %get3A_100 = tpu.vector_load %arg5[%get3A_99] {strides = array<i32>} : memref<1536xi32, #tpu.memory_space<vmem>>, vector<16xi32>,
    %get3A_101 = vector.shape_cast %get3A_100 : vector<16xi32> to vector<16xi32>
    %mul3A_102 = arith.constant 2 : i32
    %mul3A_103 = vector.broadcast %mul3A_102 : i32 to vector<16xi32>
    %mul3A_104 = arith.muli %mul3A_103, %get3A_95 : vector<16xi32>
    %add3A_105 = arith.addi %get3A_98, %mul3A_104 : vector<16xi32>
    %add3A_106 = arith.constant 1 : i32
    %add3A_107 = vector.broadcast %add3A_106 : i32 to vector<16xi32>
    %add3A_108 = arith.addi %get3A_101, %add3A_107 : vector<16xi32>
    %shift_right_arithmetic3A_109 = arith.constant 1 : i32
    %shift_right_arithmetic3A_110 = vector.broadcast %shift_right_arithmetic3A_109 : i32 to vector<16xi32>
    %shift_right_arithmetic3A_111 = arith.shrsi %add3A_108, %shift_right_arithmetic3A_110 : vector<16xi32>
    %mul3A_112 = arith.constant 4 : i32
    %mul3A_113 = vector.broadcast %mul3A_112 : i32 to vector<16xi32>
    %mul3A_114 = arith.muli %mul3A_113, %shift_right_arithmetic3A_111 : vector<16xi32>
    %add3A_115 = arith.addi %add3A_105, %mul3A_114 : vector<16xi32>
    %swap3A_116 = arith.constant 0 : i32
    %swap3A_117 = arith.index_cast %swap3A_116 : i32 to index
    %swap3A_118 = arith.constant 48 : index
    %swap3A_119 = tpu.vector_load %arg6[%swap3A_117, %swap3A_118] {strides = array<i32>} : memref<4x128xi32, #tpu.memory_space<vmem>>, vector<1x16xi32>,
    %swap3A_120 = vector.shape_cast %swap3A_119 : vector<1x16xi32> to vector<16xi32>
    %swap3A_121 = vector.shape_cast %add3A_115 : vector<16xi32> to vector<1x16xi32>
    tpu.vector_store %arg6[%swap3A_117, %swap3A_118], %swap3A_121 {strides = array<i32>} : memref<4x128xi32, #tpu.memory_space<vmem>>, vector<1x16xi32>,
    %get3A_122 = arith.constant 64 : index
    %get3A_123 = tpu.vector_load %arg5[%get3A_122] {strides = array<i32>} : memref<1536xi32, #tpu.memory_space<vmem>>, vector<16xi32>,
    %get3A_124 = vector.shape_cast %get3A_123 : vector<16xi32> to vector<16xi32>
    %get3A_125 = arith.constant 576 : index
    %get3A_126 = tpu.vector_load %arg5[%get3A_125] {strides = array<i32>} : memref<1536xi32, #tpu.memory_space<vmem>>, vector<16xi32>,
    %get3A_127 = vector.shape_cast %get3A_126 : vector<16xi32> to vector<16xi32>
    %get3A_128 = arith.constant 1088 : index
    %get3A_129 = tpu.vector_load %arg5[%get3A_128] {strides = array<i32>} : memref<1536xi32, #tpu.memory_space<vmem>>, vector<16xi32>,
    %get3A_130 = vector.shape_cast %get3A_129 : vector<16xi32> to vector<16xi32>
    %mul3A_131 = arith.constant 2 : i32
    %mul3A_132 = vector.broadcast %mul3A_131 : i32 to vector<16xi32>
    %mul3A_133 = arith.muli %mul3A_132, %get3A_124 : vector<16xi32>
    %add3A_134 = arith.addi %get3A_127, %mul3A_133 : vector<16xi32>
    %add3A_135 = arith.constant 1 : i32
    %add3A_136 = vector.broadcast %add3A_135 : i32 to vector<16xi32>
    %add3A_137 = arith.addi %get3A_130, %add3A_136 : vector<16xi32>
    %shift_right_arithmetic3A_138 = arith.constant 1 : i32
    %shift_right_arithmetic3A_139 = vector.broadcast %shift_right_arithmetic3A_138 : i32 to vector<16xi32>
    %shift_right_arithmetic3A_140 = arith.shrsi %add3A_137, %shift_right_arithmetic3A_139 : vector<16xi32>
    %mul3A_141 = arith.constant 4 : i32
    %mul3A_142 = vector.broadcast %mul3A_141 : i32 to vector<16xi32>
    %mul3A_143 = arith.muli %mul3A_142, %shift_right_arithmetic3A_140 : vector<16xi32>
    %add3A_144 = arith.addi %add3A_134, %mul3A_143 : vector<16xi32>
    %swap3A_145 = arith.constant 0 : i32
    %swap3A_146 = arith.index_cast %swap3A_145 : i32 to index
    %swap3A_147 = arith.constant 64 : index
    %swap3A_148 = tpu.vector_load %arg6[%swap3A_146, %swap3A_147] {strides = array<i32>} : memref<4x128xi32, #tpu.memory_space<vmem>>, vector<1x16xi32>,
    %swap3A_149 = vector.shape_cast %swap3A_148 : vector<1x16xi32> to vector<16xi32>
    %swap3A_150 = vector.shape_cast %add3A_144 : vector<16xi32> to vector<1x16xi32>
    tpu.vector_store %arg6[%swap3A_146, %swap3A_147], %swap3A_150 {strides = array<i32>} : memref<4x128xi32, #tpu.memory_space<vmem>>, vector<1x16xi32>,
    %get3A_151 = arith.constant 80 : index
    %get3A_152 = tpu.vector_load %arg5[%get3A_151] {strides = array<i32>} : memref<1536xi32, #tpu.memory_space<vmem>>, vector<16xi32>,
    %get3A_153 = vector.shape_cast %get3A_152 : vector<16xi32> to vector<16xi32>
    %get3A_154 = arith.constant 592 : index
    %get3A_155 = tpu.vector_load %arg5[%get3A_154] {strides = array<i32>} : memref<1536xi32, #tpu.memory_space<vmem>>, vector<16xi32>,
    %get3A_156 = vector.shape_cast %get3A_155 : vector<16xi32> to vector<16xi32>
    %get3A_157 = arith.constant 1104 : index
    %get3A_158 = tpu.vector_load %arg5[%get3A_157] {strides = array<i32>} : memref<1536xi32, #tpu.memory_space<vmem>>, vector<16xi32>,
    %get3A_159 = vector.shape_cast %get3A_158 : vector<16xi32> to vector<16xi32>
    %mul3A_160 = arith.constant 2 : i32
    %mul3A_161 = vector.broadcast %mul3A_160 : i32 to vector<16xi32>
    %mul3A_162 = arith.muli %mul3A_161, %get3A_153 : vector<16xi32>
    %add3A_163 = arith.addi %get3A_156, %mul3A_162 : vector<16xi32>
    %add3A_164 = arith.constant 1 : i32
    %add3A_165 = vector.broadcast %add3A_164 : i32 to vector<16xi32>
    %add3A_166 = arith.addi %get3A_159, %add3A_165 : vector<16xi32>
    %shift_right_arithmetic3A_167 = arith.constant 1 : i32
    %shift_right_arithmetic3A_168 = vector.broadcast %shift_right_arithmetic3A_167 : i32 to vector<16xi32>
    %shift_right_arithmetic3A_169 = arith.shrsi %add3A_166, %shift_right_arithmetic3A_168 : vector<16xi32>
    %mul3A_170 = arith.constant 4 : i32
    %mul3A_171 = vector.broadcast %mul3A_170 : i32 to vector<16xi32>
    %mul3A_172 = arith.muli %mul3A_171, %shift_right_arithmetic3A_169 : vector<16xi32>
    %add3A_173 = arith.addi %add3A_163, %mul3A_172 : vector<16xi32>
    %swap3A_174 = arith.constant 0 : i32
    %swap3A_175 = arith.index_cast %swap3A_174 : i32 to index
    %swap3A_176 = arith.constant 80 : index
    %swap3A_177 = tpu.vector_load %arg6[%swap3A_175, %swap3A_176] {strides = array<i32>} : memref<4x128xi32, #tpu.memory_space<vmem>>, vector<1x16xi32>,
    %swap3A_178 = vector.shape_cast %swap3A_177 : vector<1x16xi32> to vector<16xi32>
    %swap3A_179 = vector.shape_cast %add3A_173 : vector<16xi32> to vector<1x16xi32>
    tpu.vector_store %arg6[%swap3A_175, %swap3A_176], %swap3A_179 {strides = array<i32>} : memref<4x128xi32, #tpu.memory_space<vmem>>, vector<1x16xi32>,
    %get3A_180 = arith.constant 96 : index
    %get3A_181 = tpu.vector_load %arg5[%get3A_180] {strides = array<i32>} : memref<1536xi32, #tpu.memory_space<vmem>>, vector<16xi32>,
    %get3A_182 = vector.shape_cast %get3A_181 : vector<16xi32> to vector<16xi32>
    %get3A_183 = arith.constant 608 : index
    %get3A_184 = tpu.vector_load %arg5[%get3A_183] {strides = array<i32>} : memref<1536xi32, #tpu.memory_space<vmem>>, vector<16xi32>,
    %get3A_185 = vector.shape_cast %get3A_184 : vector<16xi32> to vector<16xi32>
    %get3A_186 = arith.constant 1120 : index
    %get3A_187 = tpu.vector_load %arg5[%get3A_186] {strides = array<i32>} : memref<1536xi32, #tpu.memory_space<vmem>>, vector<16xi32>,
    %get3A_188 = vector.shape_cast %get3A_187 : vector<16xi32> to vector<16xi32>
    %mul3A_189 = arith.constant 2 : i32
    %mul3A_190 = vector.broadcast %mul3A_189 : i32 to vector<16xi32>
    %mul3A_191 = arith.muli %mul3A_190, %get3A_182 : vector<16xi32>
    %add3A_192 = arith.addi %get3A_185, %mul3A_191 : vector<16xi32>
    %add3A_193 = arith.constant 1 : i32
    %add3A_194 = vector.broadcast %add3A_193 : i32 to vector<16xi32>
    %add3A_195 = arith.addi %get3A_188, %add3A_194 : vector<16xi32>
    %shift_right_arithmetic3A_196 = arith.constant 1 : i32
    %shift_right_arithmetic3A_197 = vector.broadcast %shift_right_arithmetic3A_196 : i32 to vector<16xi32>
    %shift_right_arithmetic3A_198 = arith.shrsi %add3A_195, %shift_right_arithmetic3A_197 : vector<16xi32>
    %mul3A_199 = arith.constant 4 : i32
    %mul3A_200 = vector.broadcast %mul3A_199 : i32 to vector<16xi32>
    %mul3A_201 = arith.muli %mul3A_200, %shift_right_arithmetic3A_198 : vector<16xi32>
    %add3A_202 = arith.addi %add3A_192, %mul3A_201 : vector<16xi32>
    %swap3A_203 = arith.constant 0 : i32
    %swap3A_204 = arith.index_cast %swap3A_203 : i32 to index
    %swap3A_205 = arith.constant 96 : index
    %swap3A_206 = tpu.vector_load %arg6[%swap3A_204, %swap3A_205] {strides = array<i32>} : memref<4x128xi32, #tpu.memory_space<vmem>>, vector<1x16xi32>,
    %swap3A_207 = vector.shape_cast %swap3A_206 : vector<1x16xi32> to vector<16xi32>
    %swap3A_208 = vector.shape_cast %add3A_202 : vector<16xi32> to vector<1x16xi32>
    tpu.vector_store %arg6[%swap3A_204, %swap3A_205], %swap3A_208 {strides = array<i32>} : memref<4x128xi32, #tpu.memory_space<vmem>>, vector<1x16xi32>,
    %get3A_209 = arith.constant 112 : index
    %get3A_210 = tpu.vector_load %arg5[%get3A_209] {strides = array<i32>} : memref<1536xi32, #tpu.memory_space<vmem>>, vector<16xi32>,
    %get3A_211 = vector.shape_cast %get3A_210 : vector<16xi32> to vector<16xi32>
    %get3A_212 = arith.constant 624 : index
    %get3A_213 = tpu.vector_load %arg5[%get3A_212] {strides = array<i32>} : memref<1536xi32, #tpu.memory_space<vmem>>, vector<16xi32>,
    %get3A_214 = vector.shape_cast %get3A_213 : vector<16xi32> to vector<16xi32>
    %get3A_215 = arith.constant 1136 : index
    %get3A_216 = tpu.vector_load %arg5[%get3A_215] {strides = array<i32>} : memref<1536xi32, #tpu.memory_space<vmem>>, vector<16xi32>,
    %get3A_217 = vector.shape_cast %get3A_216 : vector<16xi32> to vector<16xi32>
    %mul3A_218 = arith.constant 2 : i32
    %mul3A_219 = vector.broadcast %mul3A_218 : i32 to vector<16xi32>
    %mul3A_220 = arith.muli %mul3A_219, %get3A_211 : vector<16xi32>
    %add3A_221 = arith.addi %get3A_214, %mul3A_220 : vector<16xi32>
    %add3A_222 = arith.constant 1 : i32
    %add3A_223 = vector.broadcast %add3A_222 : i32 to vector<16xi32>
    %add3A_224 = arith.addi %get3A_217, %add3A_223 : vector<16xi32>
    %shift_right_arithmetic3A_225 = arith.constant 1 : i32
    %shift_right_arithmetic3A_226 = vector.broadcast %shift_right_arithmetic3A_225 : i32 to vector<16xi32>
    %shift_right_arithmetic3A_227 = arith.shrsi %add3A_224, %shift_right_arithmetic3A_226 : vector<16xi32>
    %mul3A_228 = arith.constant 4 : i32
    %mul3A_229 = vector.broadcast %mul3A_228 : i32 to vector<16xi32>
    %mul3A_230 = arith.muli %mul3A_229, %shift_right_arithmetic3A_227 : vector<16xi32>
    %add3A_231 = arith.addi %add3A_221, %mul3A_230 : vector<16xi32>
    %swap3A_232 = arith.constant 0 : i32
    %swap3A_233 = arith.index_cast %swap3A_232 : i32 to index
    %swap3A_234 = arith.constant 112 : index
    %swap3A_235 = tpu.vector_load %arg6[%swap3A_233, %swap3A_234] {strides = array<i32>} : memref<4x128xi32, #tpu.memory_space<vmem>>, vector<1x16xi32>,
    %swap3A_236 = vector.shape_cast %swap3A_235 : vector<1x16xi32> to vector<16xi32>
    %swap3A_237 = vector.shape_cast %add3A_231 : vector<16xi32> to vector<1x16xi32>
    tpu.vector_store %arg6[%swap3A_233, %swap3A_234], %swap3A_237 {strides = array<i32>} : memref<4x128xi32, #tpu.memory_space<vmem>>, vector<1x16xi32>,
    %get3A_238 = arith.constant 128 : index
    %get3A_239 = tpu.vector_load %arg5[%get3A_238] {strides = array<i32>} : memref<1536xi32, #tpu.memory_space<vmem>>, vector<16xi32>,
    %get3A_240 = vector.shape_cast %get3A_239 : vector<16xi32> to vector<16xi32>
    %get3A_241 = arith.constant 640 : index
    %get3A_242 = tpu.vector_load %arg5[%get3A_241] {strides = array<i32>} : memref<1536xi32, #tpu.memory_space<vmem>>, vector<16xi32>,
    %get3A_243 = vector.shape_cast %get3A_242 : vector<16xi32> to vector<16xi32>
    %get3A_244 = arith.constant 1152 : index
    %get3A_245 = tpu.vector_load %arg5[%get3A_244] {strides = array<i32>} : memref<1536xi32, #tpu.memory_space<vmem>>, vector<16xi32>,
    %get3A_246 = vector.shape_cast %get3A_245 : vector<16xi32> to vector<16xi32>
    %mul3A_247 = arith.constant 2 : i32
    %mul3A_248 = vector.broadcast %mul3A_247 : i32 to vector<16xi32>
    %mul3A_249 = arith.muli %mul3A_248, %get3A_240 : vector<16xi32>
    %add3A_250 = arith.addi %get3A_243, %mul3A_249 : vector<16xi32>
    %add3A_251 = arith.constant 1 : i32
    %add3A_252 = vector.broadcast %add3A_251 : i32 to vector<16xi32>
    %add3A_253 = arith.addi %get3A_246, %add3A_252 : vector<16xi32>
    %shift_right_arithmetic3A_254 = arith.constant 1 : i32
    %shift_right_arithmetic3A_255 = vector.broadcast %shift_right_arithmetic3A_254 : i32 to vector<16xi32>
    %shift_right_arithmetic3A_256 = arith.shrsi %add3A_253, %shift_right_arithmetic3A_255 : vector<16xi32>
    %mul3A_257 = arith.constant 4 : i32
    %mul3A_258 = vector.broadcast %mul3A_257 : i32 to vector<16xi32>
    %mul3A_259 = arith.muli %mul3A_258, %shift_right_arithmetic3A_256 : vector<16xi32>
    %add3A_260 = arith.addi %add3A_250, %mul3A_259 : vector<16xi32>
    %swap3A_261 = arith.constant 1 : i32
    %swap3A_262 = arith.index_cast %swap3A_261 : i32 to index
    %swap3A_263 = arith.constant 0 : index
    %swap3A_264 = tpu.vector_load %arg6[%swap3A_262, %swap3A_263] {strides = array<i32>} : memref<4x128xi32, #tpu.memory_space<vmem>>, vector<1x16xi32>,
    %swap3A_265 = vector.shape_cast %swap3A_264 : vector<1x16xi32> to vector<16xi32>
    %swap3A_266 = vector.shape_cast %add3A_260 : vector<16xi32> to vector<1x16xi32>
    tpu.vector_store %arg6[%swap3A_262, %swap3A_263], %swap3A_266 {strides = array<i32>} : memref<4x128xi32, #tpu.memory_space<vmem>>, vector<1x16xi32>,
    %get3A_267 = arith.constant 144 : index
    %get3A_268 = tpu.vector_load %arg5[%get3A_267] {strides = array<i32>} : memref<1536xi32, #tpu.memory_space<vmem>>, vector<16xi32>,
    %get3A_269 = vector.shape_cast %get3A_268 : vector<16xi32> to vector<16xi32>
    %get3A_270 = arith.constant 656 : index
    %get3A_271 = tpu.vector_load %arg5[%get3A_270] {strides = array<i32>} : memref<1536xi32, #tpu.memory_space<vmem>>, vector<16xi32>,
    %get3A_272 = vector.shape_cast %get3A_271 : vector<16xi32> to vector<16xi32>
    %get3A_273 = arith.constant 1168 : index
    %get3A_274 = tpu.vector_load %arg5[%get3A_273] {strides = array<i32>} : memref<1536xi32, #tpu.memory_space<vmem>>, vector<16xi32>,
    %get3A_275 = vector.shape_cast %get3A_274 : vector<16xi32> to vector<16xi32>
    %mul3A_276 = arith.constant 2 : i32
    %mul3A_277 = vector.broadcast %mul3A_276 : i32 to vector<16xi32>
    %mul3A_278 = arith.muli %mul3A_277, %get3A_269 : vector<16xi32>
    %add3A_279 = arith.addi %get3A_272, %mul3A_278 : vector<16xi32>
    %add3A_280 = arith.constant 1 : i32
    %add3A_281 = vector.broadcast %add3A_280 : i32 to vector<16xi32>
    %add3A_282 = arith.addi %get3A_275, %add3A_281 : vector<16xi32>
    %shift_right_arithmetic3A_283 = arith.constant 1 : i32
    %shift_right_arithmetic3A_284 = vector.broadcast %shift_right_arithmetic3A_283 : i32 to vector<16xi32>
    %shift_right_arithmetic3A_285 = arith.shrsi %add3A_282, %shift_right_arithmetic3A_284 : vector<16xi32>
    %mul3A_286 = arith.constant 4 : i32
    %mul3A_287 = vector.broadcast %mul3A_286 : i32 to vector<16xi32>
    %mul3A_288 = arith.muli %mul3A_287, %shift_right_arithmetic3A_285 : vector<16xi32>
    %add3A_289 = arith.addi %add3A_279, %mul3A_288 : vector<16xi32>
    %swap3A_290 = arith.constant 1 : i32
    %swap3A_291 = arith.index_cast %swap3A_290 : i32 to index
    %swap3A_292 = arith.constant 16 : index
    %swap3A_293 = tpu.vector_load %arg6[%swap3A_291, %swap3A_292] {strides = array<i32>} : memref<4x128xi32, #tpu.memory_space<vmem>>, vector<1x16xi32>,
    %swap3A_294 = vector.shape_cast %swap3A_293 : vector<1x16xi32> to vector<16xi32>
    %swap3A_295 = vector.shape_cast %add3A_289 : vector<16xi32> to vector<1x16xi32>
    tpu.vector_store %arg6[%swap3A_291, %swap3A_292], %swap3A_295 {strides = array<i32>} : memref<4x128xi32, #tpu.memory_space<vmem>>, vector<1x16xi32>,
    %get3A_296 = arith.constant 160 : index
    %get3A_297 = tpu.vector_load %arg5[%get3A_296] {strides = array<i32>} : memref<1536xi32, #tpu.memory_space<vmem>>, vector<16xi32>,
    %get3A_298 = vector.shape_cast %get3A_297 : vector<16xi32> to vector<16xi32>
    %get3A_299 = arith.constant 672 : index
    %get3A_300 = tpu.vector_load %arg5[%get3A_299] {strides = array<i32>} : memref<1536xi32, #tpu.memory_space<vmem>>, vector<16xi32>,
    %get3A_301 = vector.shape_cast %get3A_300 : vector<16xi32> to vector<16xi32>
    %get3A_302 = arith.constant 1184 : index
    %get3A_303 = tpu.vector_load %arg5[%get3A_302] {strides = array<i32>} : memref<1536xi32, #tpu.memory_space<vmem>>, vector<16xi32>,
    %get3A_304 = vector.shape_cast %get3A_303 : vector<16xi32> to vector<16xi32>
    %mul3A_305 = arith.constant 2 : i32
    %mul3A_306 = vector.broadcast %mul3A_305 : i32 to vector<16xi32>
    %mul3A_307 = arith.muli %mul3A_306, %get3A_298 : vector<16xi32>
    %add3A_308 = arith.addi %get3A_301, %mul3A_307 : vector<16xi32>
    %add3A_309 = arith.constant 1 : i32
    %add3A_310 = vector.broadcast %add3A_309 : i32 to vector<16xi32>
    %add3A_311 = arith.addi %get3A_304, %add3A_310 : vector<16xi32>
    %shift_right_arithmetic3A_312 = arith.constant 1 : i32
    %shift_right_arithmetic3A_313 = vector.broadcast %shift_right_arithmetic3A_312 : i32 to vector<16xi32>
    %shift_right_arithmetic3A_314 = arith.shrsi %add3A_311, %shift_right_arithmetic3A_313 : vector<16xi32>
    %mul3A_315 = arith.constant 4 : i32
    %mul3A_316 = vector.broadcast %mul3A_315 : i32 to vector<16xi32>
    %mul3A_317 = arith.muli %mul3A_316, %shift_right_arithmetic3A_314 : vector<16xi32>
    %add3A_318 = arith.addi %add3A_308, %mul3A_317 : vector<16xi32>
    %swap3A_319 = arith.constant 1 : i32
    %swap3A_320 = arith.index_cast %swap3A_319 : i32 to index
    %swap3A_321 = arith.constant 32 : index
    %swap3A_322 = tpu.vector_load %arg6[%swap3A_320, %swap3A_321] {strides = array<i32>} : memref<4x128xi32, #tpu.memory_space<vmem>>, vector<1x16xi32>,
    %swap3A_323 = vector.shape_cast %swap3A_322 : vector<1x16xi32> to vector<16xi32>
    %swap3A_324 = vector.shape_cast %add3A_318 : vector<16xi32> to vector<1x16xi32>
    tpu.vector_store %arg6[%swap3A_320, %swap3A_321], %swap3A_324 {strides = array<i32>} : memref<4x128xi32, #tpu.memory_space<vmem>>, vector<1x16xi32>,
    %get3A_325 = arith.constant 176 : index
    %get3A_326 = tpu.vector_load %arg5[%get3A_325] {strides = array<i32>} : memref<1536xi32, #tpu.memory_space<vmem>>, vector<16xi32>,
    %get3A_327 = vector.shape_cast %get3A_326 : vector<16xi32> to vector<16xi32>
    %get3A_328 = arith.constant 688 : index
    %get3A_329 = tpu.vector_load %arg5[%get3A_328] {strides = array<i32>} : memref<1536xi32, #tpu.memory_space<vmem>>, vector<16xi32>,
    %get3A_330 = vector.shape_cast %get3A_329 : vector<16xi32> to vector<16xi32>
    %get3A_331 = arith.constant 1200 : index
    %get3A_332 = tpu.vector_load %arg5[%get3A_331] {strides = array<i32>} : memref<1536xi32, #tpu.memory_space<vmem>>, vector<16xi32>,
    %get3A_333 = vector.shape_cast %get3A_332 : vector<16xi32> to vector<16xi32>
    %mul3A_334 = arith.constant 2 : i32
    %mul3A_335 = vector.broadcast %mul3A_334 : i32 to vector<16xi32>
    %mul3A_336 = arith.muli %mul3A_335, %get3A_327 : vector<16xi32>
    %add3A_337 = arith.addi %get3A_330, %mul3A_336 : vector<16xi32>
    %add3A_338 = arith.constant 1 : i32
    %add3A_339 = vector.broadcast %add3A_338 : i32 to vector<16xi32>
    %add3A_340 = arith.addi %get3A_333, %add3A_339 : vector<16xi32>
    %shift_right_arithmetic3A_341 = arith.constant 1 : i32
    %shift_right_arithmetic3A_342 = vector.broadcast %shift_right_arithmetic3A_341 : i32 to vector<16xi32>
    %shift_right_arithmetic3A_343 = arith.shrsi %add3A_340, %shift_right_arithmetic3A_342 : vector<16xi32>
    %mul3A_344 = arith.constant 4 : i32
    %mul3A_345 = vector.broadcast %mul3A_344 : i32 to vector<16xi32>
    %mul3A_346 = arith.muli %mul3A_345, %shift_right_arithmetic3A_343 : vector<16xi32>
    %add3A_347 = arith.addi %add3A_337, %mul3A_346 : vector<16xi32>
    %swap3A_348 = arith.constant 1 : i32
    %swap3A_349 = arith.index_cast %swap3A_348 : i32 to index
    %swap3A_350 = arith.constant 48 : index
    %swap3A_351 = tpu.vector_load %arg6[%swap3A_349, %swap3A_350] {strides = array<i32>} : memref<4x128xi32, #tpu.memory_space<vmem>>, vector<1x16xi32>,
    %swap3A_352 = vector.shape_cast %swap3A_351 : vector<1x16xi32> to vector<16xi32>
    %swap3A_353 = vector.shape_cast %add3A_347 : vector<16xi32> to vector<1x16xi32>
    tpu.vector_store %arg6[%swap3A_349, %swap3A_350], %swap3A_353 {strides = array<i32>} : memref<4x128xi32, #tpu.memory_space<vmem>>, vector<1x16xi32>,
    %get3A_354 = arith.constant 192 : index
    %get3A_355 = tpu.vector_load %arg5[%get3A_354] {strides = array<i32>} : memref<1536xi32, #tpu.memory_space<vmem>>, vector<16xi32>,
    %get3A_356 = vector.shape_cast %get3A_355 : vector<16xi32> to vector<16xi32>
    %get3A_357 = arith.constant 704 : index
    %get3A_358 = tpu.vector_load %arg5[%get3A_357] {strides = array<i32>} : memref<1536xi32, #tpu.memory_space<vmem>>, vector<16xi32>,
    %get3A_359 = vector.shape_cast %get3A_358 : vector<16xi32> to vector<16xi32>
    %get3A_360 = arith.constant 1216 : index
    %get3A_361 = tpu.vector_load %arg5[%get3A_360] {strides = array<i32>} : memref<1536xi32, #tpu.memory_space<vmem>>, vector<16xi32>,
    %get3A_362 = vector.shape_cast %get3A_361 : vector<16xi32> to vector<16xi32>
    %mul3A_363 = arith.constant 2 : i32
    %mul3A_364 = vector.broadcast %mul3A_363 : i32 to vector<16xi32>
    %mul3A_365 = arith.muli %mul3A_364, %get3A_356 : vector<16xi32>
    %add3A_366 = arith.addi %get3A_359, %mul3A_365 : vector<16xi32>
    %add3A_367 = arith.constant 1 : i32
    %add3A_368 = vector.broadcast %add3A_367 : i32 to vector<16xi32>
    %add3A_369 = arith.addi %get3A_362, %add3A_368 : vector<16xi32>
    %shift_right_arithmetic3A_370 = arith.constant 1 : i32
    %shift_right_arithmetic3A_371 = vector.broadcast %shift_right_arithmetic3A_370 : i32 to vector<16xi32>
    %shift_right_arithmetic3A_372 = arith.shrsi %add3A_369, %shift_right_arithmetic3A_371 : vector<16xi32>
    %mul3A_373 = arith.constant 4 : i32
    %mul3A_374 = vector.broadcast %mul3A_373 : i32 to vector<16xi32>
    %mul3A_375 = arith.muli %mul3A_374, %shift_right_arithmetic3A_372 : vector<16xi32>
    %add3A_376 = arith.addi %add3A_366, %mul3A_375 : vector<16xi32>
    %swap3A_377 = arith.constant 1 : i32
    %swap3A_378 = arith.index_cast %swap3A_377 : i32 to index
    %swap3A_379 = arith.constant 64 : index
    %swap3A_380 = tpu.vector_load %arg6[%swap3A_378, %swap3A_379] {strides = array<i32>} : memref<4x128xi32, #tpu.memory_space<vmem>>, vector<1x16xi32>,
    %swap3A_381 = vector.shape_cast %swap3A_380 : vector<1x16xi32> to vector<16xi32>
    %swap3A_382 = vector.shape_cast %add3A_376 : vector<16xi32> to vector<1x16xi32>
    tpu.vector_store %arg6[%swap3A_378, %swap3A_379], %swap3A_382 {strides = array<i32>} : memref<4x128xi32, #tpu.memory_space<vmem>>, vector<1x16xi32>,
    %get3A_383 = arith.constant 208 : index
    %get3A_384 = tpu.vector_load %arg5[%get3A_383] {strides = array<i32>} : memref<1536xi32, #tpu.memory_space<vmem>>, vector<16xi32>,
    %get3A_385 = vector.shape_cast %get3A_384 : vector<16xi32> to vector<16xi32>
    %get3A_386 = arith.constant 720 : index
    %get3A_387 = tpu.vector_load %arg5[%get3A_386] {strides = array<i32>} : memref<1536xi32, #tpu.memory_space<vmem>>, vector<16xi32>,
    %get3A_388 = vector.shape_cast %get3A_387 : vector<16xi32> to vector<16xi32>
    %get3A_389 = arith.constant 1232 : index
    %get3A_390 = tpu.vector_load %arg5[%get3A_389] {strides = array<i32>} : memref<1536xi32, #tpu.memory_space<vmem>>, vector<16xi32>,
    %get3A_391 = vector.shape_cast %get3A_390 : vector<16xi32> to vector<16xi32>
    %mul3A_392 = arith.constant 2 : i32
    %mul3A_393 = vector.broadcast %mul3A_392 : i32 to vector<16xi32>
    %mul3A_394 = arith.muli %mul3A_393, %get3A_385 : vector<16xi32>
    %add3A_395 = arith.addi %get3A_388, %mul3A_394 : vector<16xi32>
    %add3A_396 = arith.constant 1 : i32
    %add3A_397 = vector.broadcast %add3A_396 : i32 to vector<16xi32>
    %add3A_398 = arith.addi %get3A_391, %add3A_397 : vector<16xi32>
    %shift_right_arithmetic3A_399 = arith.constant 1 : i32
    %shift_right_arithmetic3A_400 = vector.broadcast %shift_right_arithmetic3A_399 : i32 to vector<16xi32>
    %shift_right_arithmetic3A_401 = arith.shrsi %add3A_398, %shift_right_arithmetic3A_400 : vector<16xi32>
    %mul3A_402 = arith.constant 4 : i32
    %mul3A_403 = vector.broadcast %mul3A_402 : i32 to vector<16xi32>
    %mul3A_404 = arith.muli %mul3A_403, %shift_right_arithmetic3A_401 : vector<16xi32>
    %add3A_405 = arith.addi %add3A_395, %mul3A_404 : vector<16xi32>
    %swap3A_406 = arith.constant 1 : i32
    %swap3A_407 = arith.index_cast %swap3A_406 : i32 to index
    %swap3A_408 = arith.constant 80 : index
    %swap3A_409 = tpu.vector_load %arg6[%swap3A_407, %swap3A_408] {strides = array<i32>} : memref<4x128xi32, #tpu.memory_space<vmem>>, vector<1x16xi32>,
    %swap3A_410 = vector.shape_cast %swap3A_409 : vector<1x16xi32> to vector<16xi32>
    %swap3A_411 = vector.shape_cast %add3A_405 : vector<16xi32> to vector<1x16xi32>
    tpu.vector_store %arg6[%swap3A_407, %swap3A_408], %swap3A_411 {strides = array<i32>} : memref<4x128xi32, #tpu.memory_space<vmem>>, vector<1x16xi32>,
    %get3A_412 = arith.constant 224 : index
    %get3A_413 = tpu.vector_load %arg5[%get3A_412] {strides = array<i32>} : memref<1536xi32, #tpu.memory_space<vmem>>, vector<16xi32>,
    %get3A_414 = vector.shape_cast %get3A_413 : vector<16xi32> to vector<16xi32>
    %get3A_415 = arith.constant 736 : index
    %get3A_416 = tpu.vector_load %arg5[%get3A_415] {strides = array<i32>} : memref<1536xi32, #tpu.memory_space<vmem>>, vector<16xi32>,
    %get3A_417 = vector.shape_cast %get3A_416 : vector<16xi32> to vector<16xi32>
    %get3A_418 = arith.constant 1248 : index
    %get3A_419 = tpu.vector_load %arg5[%get3A_418] {strides = array<i32>} : memref<1536xi32, #tpu.memory_space<vmem>>, vector<16xi32>,
    %get3A_420 = vector.shape_cast %get3A_419 : vector<16xi32> to vector<16xi32>
    %mul3A_421 = arith.constant 2 : i32
    %mul3A_422 = vector.broadcast %mul3A_421 : i32 to vector<16xi32>
    %mul3A_423 = arith.muli %mul3A_422, %get3A_414 : vector<16xi32>
    %add3A_424 = arith.addi %get3A_417, %mul3A_423 : vector<16xi32>
    %add3A_425 = arith.constant 1 : i32
    %add3A_426 = vector.broadcast %add3A_425 : i32 to vector<16xi32>
    %add3A_427 = arith.addi %get3A_420, %add3A_426 : vector<16xi32>
    %shift_right_arithmetic3A_428 = arith.constant 1 : i32
    %shift_right_arithmetic3A_429 = vector.broadcast %shift_right_arithmetic3A_428 : i32 to vector<16xi32>
    %shift_right_arithmetic3A_430 = arith.shrsi %add3A_427, %shift_right_arithmetic3A_429 : vector<16xi32>
    %mul3A_431 = arith.constant 4 : i32
    %mul3A_432 = vector.broadcast %mul3A_431 : i32 to vector<16xi32>
    %mul3A_433 = arith.muli %mul3A_432, %shift_right_arithmetic3A_430 : vector<16xi32>
    %add3A_434 = arith.addi %add3A_424, %mul3A_433 : vector<16xi32>
    %swap3A_435 = arith.constant 1 : i32
    %swap3A_436 = arith.index_cast %swap3A_435 : i32 to index
    %swap3A_437 = arith.constant 96 : index
    %swap3A_438 = tpu.vector_load %arg6[%swap3A_436, %swap3A_437] {strides = array<i32>} : memref<4x128xi32, #tpu.memory_space<vmem>>, vector<1x16xi32>,
    %swap3A_439 = vector.shape_cast %swap3A_438 : vector<1x16xi32> to vector<16xi32>
    %swap3A_440 = vector.shape_cast %add3A_434 : vector<16xi32> to vector<1x16xi32>
    tpu.vector_store %arg6[%swap3A_436, %swap3A_437], %swap3A_440 {strides = array<i32>} : memref<4x128xi32, #tpu.memory_space<vmem>>, vector<1x16xi32>,
    %get3A_441 = arith.constant 240 : index
    %get3A_442 = tpu.vector_load %arg5[%get3A_441] {strides = array<i32>} : memref<1536xi32, #tpu.memory_space<vmem>>, vector<16xi32>,
    %get3A_443 = vector.shape_cast %get3A_442 : vector<16xi32> to vector<16xi32>
    %get3A_444 = arith.constant 752 : index
    %get3A_445 = tpu.vector_load %arg5[%get3A_444] {strides = array<i32>} : memref<1536xi32, #tpu.memory_space<vmem>>, vector<16xi32>,
    %get3A_446 = vector.shape_cast %get3A_445 : vector<16xi32> to vector<16xi32>
    %get3A_447 = arith.constant 1264 : index
    %get3A_448 = tpu.vector_load %arg5[%get3A_447] {strides = array<i32>} : memref<1536xi32, #tpu.memory_space<vmem>>, vector<16xi32>,
    %get3A_449 = vector.shape_cast %get3A_448 : vector<16xi32> to vector<16xi32>
    %mul3A_450 = arith.constant 2 : i32
    %mul3A_451 = vector.broadcast %mul3A_450 : i32 to vector<16xi32>
    %mul3A_452 = arith.muli %mul3A_451, %get3A_443 : vector<16xi32>
    %add3A_453 = arith.addi %get3A_446, %mul3A_452 : vector<16xi32>
    %add3A_454 = arith.constant 1 : i32
    %add3A_455 = vector.broadcast %add3A_454 : i32 to vector<16xi32>
    %add3A_456 = arith.addi %get3A_449, %add3A_455 : vector<16xi32>
    %shift_right_arithmetic3A_457 = arith.constant 1 : i32
    %shift_right_arithmetic3A_458 = vector.broadcast %shift_right_arithmetic3A_457 : i32 to vector<16xi32>
    %shift_right_arithmetic3A_459 = arith.shrsi %add3A_456, %shift_right_arithmetic3A_458 : vector<16xi32>
    %mul3A_460 = arith.constant 4 : i32
    %mul3A_461 = vector.broadcast %mul3A_460 : i32 to vector<16xi32>
    %mul3A_462 = arith.muli %mul3A_461, %shift_right_arithmetic3A_459 : vector<16xi32>
    %add3A_463 = arith.addi %add3A_453, %mul3A_462 : vector<16xi32>
    %swap3A_464 = arith.constant 1 : i32
    %swap3A_465 = arith.index_cast %swap3A_464 : i32 to index
    %swap3A_466 = arith.constant 112 : index
    %swap3A_467 = tpu.vector_load %arg6[%swap3A_465, %swap3A_466] {strides = array<i32>} : memref<4x128xi32, #tpu.memory_space<vmem>>, vector<1x16xi32>,
    %swap3A_468 = vector.shape_cast %swap3A_467 : vector<1x16xi32> to vector<16xi32>
    %swap3A_469 = vector.shape_cast %add3A_463 : vector<16xi32> to vector<1x16xi32>
    tpu.vector_store %arg6[%swap3A_465, %swap3A_466], %swap3A_469 {strides = array<i32>} : memref<4x128xi32, #tpu.memory_space<vmem>>, vector<1x16xi32>,
    %get3A_470 = arith.constant 256 : index
    %get3A_471 = tpu.vector_load %arg5[%get3A_470] {strides = array<i32>} : memref<1536xi32, #tpu.memory_space<vmem>>, vector<16xi32>,
    %get3A_472 = vector.shape_cast %get3A_471 : vector<16xi32> to vector<16xi32>
    %get3A_473 = arith.constant 768 : index
    %get3A_474 = tpu.vector_load %arg5[%get3A_473] {strides = array<i32>} : memref<1536xi32, #tpu.memory_space<vmem>>, vector<16xi32>,
    %get3A_475 = vector.shape_cast %get3A_474 : vector<16xi32> to vector<16xi32>
    %get3A_476 = arith.constant 1280 : index
    %get3A_477 = tpu.vector_load %arg5[%get3A_476] {strides = array<i32>} : memref<1536xi32, #tpu.memory_space<vmem>>, vector<16xi32>,
    %get3A_478 = vector.shape_cast %get3A_477 : vector<16xi32> to vector<16xi32>
    %mul3A_479 = arith.constant 2 : i32
    %mul3A_480 = vector.broadcast %mul3A_479 : i32 to vector<16xi32>
    %mul3A_481 = arith.muli %mul3A_480, %get3A_472 : vector<16xi32>
    %add3A_482 = arith.addi %get3A_475, %mul3A_481 : vector<16xi32>
    %add3A_483 = arith.constant 1 : i32
    %add3A_484 = vector.broadcast %add3A_483 : i32 to vector<16xi32>
    %add3A_485 = arith.addi %get3A_478, %add3A_484 : vector<16xi32>
    %shift_right_arithmetic3A_486 = arith.constant 1 : i32
    %shift_right_arithmetic3A_487 = vector.broadcast %shift_right_arithmetic3A_486 : i32 to vector<16xi32>
    %shift_right_arithmetic3A_488 = arith.shrsi %add3A_485, %shift_right_arithmetic3A_487 : vector<16xi32>
    %mul3A_489 = arith.constant 4 : i32
    %mul3A_490 = vector.broadcast %mul3A_489 : i32 to vector<16xi32>
    %mul3A_491 = arith.muli %mul3A_490, %shift_right_arithmetic3A_488 : vector<16xi32>
    %add3A_492 = arith.addi %add3A_482, %mul3A_491 : vector<16xi32>
    %swap3A_493 = arith.constant 2 : i32
    %swap3A_494 = arith.index_cast %swap3A_493 : i32 to index
    %swap3A_495 = arith.constant 0 : index
    %swap3A_496 = tpu.vector_load %arg6[%swap3A_494, %swap3A_495] {strides = array<i32>} : memref<4x128xi32, #tpu.memory_space<vmem>>, vector<1x16xi32>,
    %swap3A_497 = vector.shape_cast %swap3A_496 : vector<1x16xi32> to vector<16xi32>
    %swap3A_498 = vector.shape_cast %add3A_492 : vector<16xi32> to vector<1x16xi32>
    tpu.vector_store %arg6[%swap3A_494, %swap3A_495], %swap3A_498 {strides = array<i32>} : memref<4x128xi32, #tpu.memory_space<vmem>>, vector<1x16xi32>,
    %get3A_499 = arith.constant 272 : index
    %get3A_500 = tpu.vector_load %arg5[%get3A_499] {strides = array<i32>} : memref<1536xi32, #tpu.memory_space<vmem>>, vector<16xi32>,
    %get3A_501 = vector.shape_cast %get3A_500 : vector<16xi32> to vector<16xi32>
    %get3A_502 = arith.constant 784 : index
    %get3A_503 = tpu.vector_load %arg5[%get3A_502] {strides = array<i32>} : memref<1536xi32, #tpu.memory_space<vmem>>, vector<16xi32>,
    %get3A_504 = vector.shape_cast %get3A_503 : vector<16xi32> to vector<16xi32>
    %get3A_505 = arith.constant 1296 : index
    %get3A_506 = tpu.vector_load %arg5[%get3A_505] {strides = array<i32>} : memref<1536xi32, #tpu.memory_space<vmem>>, vector<16xi32>,
    %get3A_507 = vector.shape_cast %get3A_506 : vector<16xi32> to vector<16xi32>
    %mul3A_508 = arith.constant 2 : i32
    %mul3A_509 = vector.broadcast %mul3A_508 : i32 to vector<16xi32>
    %mul3A_510 = arith.muli %mul3A_509, %get3A_501 : vector<16xi32>
    %add3A_511 = arith.addi %get3A_504, %mul3A_510 : vector<16xi32>
    %add3A_512 = arith.constant 1 : i32
    %add3A_513 = vector.broadcast %add3A_512 : i32 to vector<16xi32>
    %add3A_514 = arith.addi %get3A_507, %add3A_513 : vector<16xi32>
    %shift_right_arithmetic3A_515 = arith.constant 1 : i32
    %shift_right_arithmetic3A_516 = vector.broadcast %shift_right_arithmetic3A_515 : i32 to vector<16xi32>
    %shift_right_arithmetic3A_517 = arith.shrsi %add3A_514, %shift_right_arithmetic3A_516 : vector<16xi32>
    %mul3A_518 = arith.constant 4 : i32
    %mul3A_519 = vector.broadcast %mul3A_518 : i32 to vector<16xi32>
    %mul3A_520 = arith.muli %mul3A_519, %shift_right_arithmetic3A_517 : vector<16xi32>
    %add3A_521 = arith.addi %add3A_511, %mul3A_520 : vector<16xi32>
    %swap3A_522 = arith.constant 2 : i32
    %swap3A_523 = arith.index_cast %swap3A_522 : i32 to index
    %swap3A_524 = arith.constant 16 : index
    %swap3A_525 = tpu.vector_load %arg6[%swap3A_523, %swap3A_524] {strides = array<i32>} : memref<4x128xi32, #tpu.memory_space<vmem>>, vector<1x16xi32>,
    %swap3A_526 = vector.shape_cast %swap3A_525 : vector<1x16xi32> to vector<16xi32>
    %swap3A_527 = vector.shape_cast %add3A_521 : vector<16xi32> to vector<1x16xi32>
    tpu.vector_store %arg6[%swap3A_523, %swap3A_524], %swap3A_527 {strides = array<i32>} : memref<4x128xi32, #tpu.memory_space<vmem>>, vector<1x16xi32>,
    %get3A_528 = arith.constant 288 : index
    %get3A_529 = tpu.vector_load %arg5[%get3A_528] {strides = array<i32>} : memref<1536xi32, #tpu.memory_space<vmem>>, vector<16xi32>,
    %get3A_530 = vector.shape_cast %get3A_529 : vector<16xi32> to vector<16xi32>
    %get3A_531 = arith.constant 800 : index
    %get3A_532 = tpu.vector_load %arg5[%get3A_531] {strides = array<i32>} : memref<1536xi32, #tpu.memory_space<vmem>>, vector<16xi32>,
    %get3A_533 = vector.shape_cast %get3A_532 : vector<16xi32> to vector<16xi32>
    %get3A_534 = arith.constant 1312 : index
    %get3A_535 = tpu.vector_load %arg5[%get3A_534] {strides = array<i32>} : memref<1536xi32, #tpu.memory_space<vmem>>, vector<16xi32>,
    %get3A_536 = vector.shape_cast %get3A_535 : vector<16xi32> to vector<16xi32>
    %mul3A_537 = arith.constant 2 : i32
    %mul3A_538 = vector.broadcast %mul3A_537 : i32 to vector<16xi32>
    %mul3A_539 = arith.muli %mul3A_538, %get3A_530 : vector<16xi32>
    %add3A_540 = arith.addi %get3A_533, %mul3A_539 : vector<16xi32>
    %add3A_541 = arith.constant 1 : i32
    %add3A_542 = vector.broadcast %add3A_541 : i32 to vector<16xi32>
    %add3A_543 = arith.addi %get3A_536, %add3A_542 : vector<16xi32>
    %shift_right_arithmetic3A_544 = arith.constant 1 : i32
    %shift_right_arithmetic3A_545 = vector.broadcast %shift_right_arithmetic3A_544 : i32 to vector<16xi32>
    %shift_right_arithmetic3A_546 = arith.shrsi %add3A_543, %shift_right_arithmetic3A_545 : vector<16xi32>
    %mul3A_547 = arith.constant 4 : i32
    %mul3A_548 = vector.broadcast %mul3A_547 : i32 to vector<16xi32>
    %mul3A_549 = arith.muli %mul3A_548, %shift_right_arithmetic3A_546 : vector<16xi32>
    %add3A_550 = arith.addi %add3A_540, %mul3A_549 : vector<16xi32>
    %swap3A_551 = arith.constant 2 : i32
    %swap3A_552 = arith.index_cast %swap3A_551 : i32 to index
    %swap3A_553 = arith.constant 32 : index
    %swap3A_554 = tpu.vector_load %arg6[%swap3A_552, %swap3A_553] {strides = array<i32>} : memref<4x128xi32, #tpu.memory_space<vmem>>, vector<1x16xi32>,
    %swap3A_555 = vector.shape_cast %swap3A_554 : vector<1x16xi32> to vector<16xi32>
    %swap3A_556 = vector.shape_cast %add3A_550 : vector<16xi32> to vector<1x16xi32>
    tpu.vector_store %arg6[%swap3A_552, %swap3A_553], %swap3A_556 {strides = array<i32>} : memref<4x128xi32, #tpu.memory_space<vmem>>, vector<1x16xi32>,
    %get3A_557 = arith.constant 304 : index
    %get3A_558 = tpu.vector_load %arg5[%get3A_557] {strides = array<i32>} : memref<1536xi32, #tpu.memory_space<vmem>>, vector<16xi32>,
    %get3A_559 = vector.shape_cast %get3A_558 : vector<16xi32> to vector<16xi32>
    %get3A_560 = arith.constant 816 : index
    %get3A_561 = tpu.vector_load %arg5[%get3A_560] {strides = array<i32>} : memref<1536xi32, #tpu.memory_space<vmem>>, vector<16xi32>,
    %get3A_562 = vector.shape_cast %get3A_561 : vector<16xi32> to vector<16xi32>
    %get3A_563 = arith.constant 1328 : index
    %get3A_564 = tpu.vector_load %arg5[%get3A_563] {strides = array<i32>} : memref<1536xi32, #tpu.memory_space<vmem>>, vector<16xi32>,
    %get3A_565 = vector.shape_cast %get3A_564 : vector<16xi32> to vector<16xi32>
    %mul3A_566 = arith.constant 2 : i32
    %mul3A_567 = vector.broadcast %mul3A_566 : i32 to vector<16xi32>
    %mul3A_568 = arith.muli %mul3A_567, %get3A_559 : vector<16xi32>
    %add3A_569 = arith.addi %get3A_562, %mul3A_568 : vector<16xi32>
    %add3A_570 = arith.constant 1 : i32
    %add3A_571 = vector.broadcast %add3A_570 : i32 to vector<16xi32>
    %add3A_572 = arith.addi %get3A_565, %add3A_571 : vector<16xi32>
    %shift_right_arithmetic3A_573 = arith.constant 1 : i32
    %shift_right_arithmetic3A_574 = vector.broadcast %shift_right_arithmetic3A_573 : i32 to vector<16xi32>
    %shift_right_arithmetic3A_575 = arith.shrsi %add3A_572, %shift_right_arithmetic3A_574 : vector<16xi32>
    %mul3A_576 = arith.constant 4 : i32
    %mul3A_577 = vector.broadcast %mul3A_576 : i32 to vector<16xi32>
    %mul3A_578 = arith.muli %mul3A_577, %shift_right_arithmetic3A_575 : vector<16xi32>
    %add3A_579 = arith.addi %add3A_569, %mul3A_578 : vector<16xi32>
    %swap3A_580 = arith.constant 2 : i32
    %swap3A_581 = arith.index_cast %swap3A_580 : i32 to index
    %swap3A_582 = arith.constant 48 : index
    %swap3A_583 = tpu.vector_load %arg6[%swap3A_581, %swap3A_582] {strides = array<i32>} : memref<4x128xi32, #tpu.memory_space<vmem>>, vector<1x16xi32>,
    %swap3A_584 = vector.shape_cast %swap3A_583 : vector<1x16xi32> to vector<16xi32>
    %swap3A_585 = vector.shape_cast %add3A_579 : vector<16xi32> to vector<1x16xi32>
    tpu.vector_store %arg6[%swap3A_581, %swap3A_582], %swap3A_585 {strides = array<i32>} : memref<4x128xi32, #tpu.memory_space<vmem>>, vector<1x16xi32>,
    %get3A_586 = arith.constant 320 : index
    %get3A_587 = tpu.vector_load %arg5[%get3A_586] {strides = array<i32>} : memref<1536xi32, #tpu.memory_space<vmem>>, vector<16xi32>,
    %get3A_588 = vector.shape_cast %get3A_587 : vector<16xi32> to vector<16xi32>
    %get3A_589 = arith.constant 832 : index
    %get3A_590 = tpu.vector_load %arg5[%get3A_589] {strides = array<i32>} : memref<1536xi32, #tpu.memory_space<vmem>>, vector<16xi32>,
    %get3A_591 = vector.shape_cast %get3A_590 : vector<16xi32> to vector<16xi32>
    %get3A_592 = arith.constant 1344 : index
    %get3A_593 = tpu.vector_load %arg5[%get3A_592] {strides = array<i32>} : memref<1536xi32, #tpu.memory_space<vmem>>, vector<16xi32>,
    %get3A_594 = vector.shape_cast %get3A_593 : vector<16xi32> to vector<16xi32>
    %mul3A_595 = arith.constant 2 : i32
    %mul3A_596 = vector.broadcast %mul3A_595 : i32 to vector<16xi32>
    %mul3A_597 = arith.muli %mul3A_596, %get3A_588 : vector<16xi32>
    %add3A_598 = arith.addi %get3A_591, %mul3A_597 : vector<16xi32>
    %add3A_599 = arith.constant 1 : i32
    %add3A_600 = vector.broadcast %add3A_599 : i32 to vector<16xi32>
    %add3A_601 = arith.addi %get3A_594, %add3A_600 : vector<16xi32>
    %shift_right_arithmetic3A_602 = arith.constant 1 : i32
    %shift_right_arithmetic3A_603 = vector.broadcast %shift_right_arithmetic3A_602 : i32 to vector<16xi32>
    %shift_right_arithmetic3A_604 = arith.shrsi %add3A_601, %shift_right_arithmetic3A_603 : vector<16xi32>
    %mul3A_605 = arith.constant 4 : i32
    %mul3A_606 = vector.broadcast %mul3A_605 : i32 to vector<16xi32>
    %mul3A_607 = arith.muli %mul3A_606, %shift_right_arithmetic3A_604 : vector<16xi32>
    %add3A_608 = arith.addi %add3A_598, %mul3A_607 : vector<16xi32>
    %swap3A_609 = arith.constant 2 : i32
    %swap3A_610 = arith.index_cast %swap3A_609 : i32 to index
    %swap3A_611 = arith.constant 64 : index
    %swap3A_612 = tpu.vector_load %arg6[%swap3A_610, %swap3A_611] {strides = array<i32>} : memref<4x128xi32, #tpu.memory_space<vmem>>, vector<1x16xi32>,
    %swap3A_613 = vector.shape_cast %swap3A_612 : vector<1x16xi32> to vector<16xi32>
    %swap3A_614 = vector.shape_cast %add3A_608 : vector<16xi32> to vector<1x16xi32>
    tpu.vector_store %arg6[%swap3A_610, %swap3A_611], %swap3A_614 {strides = array<i32>} : memref<4x128xi32, #tpu.memory_space<vmem>>, vector<1x16xi32>,
    %get3A_615 = arith.constant 336 : index
    %get3A_616 = tpu.vector_load %arg5[%get3A_615] {strides = array<i32>} : memref<1536xi32, #tpu.memory_space<vmem>>, vector<16xi32>,
    %get3A_617 = vector.shape_cast %get3A_616 : vector<16xi32> to vector<16xi32>
    %get3A_618 = arith.constant 848 : index
    %get3A_619 = tpu.vector_load %arg5[%get3A_618] {strides = array<i32>} : memref<1536xi32, #tpu.memory_space<vmem>>, vector<16xi32>,
    %get3A_620 = vector.shape_cast %get3A_619 : vector<16xi32> to vector<16xi32>
    %get3A_621 = arith.constant 1360 : index
    %get3A_622 = tpu.vector_load %arg5[%get3A_621] {strides = array<i32>} : memref<1536xi32, #tpu.memory_space<vmem>>, vector<16xi32>,
    %get3A_623 = vector.shape_cast %get3A_622 : vector<16xi32> to vector<16xi32>
    %mul3A_624 = arith.constant 2 : i32
    %mul3A_625 = vector.broadcast %mul3A_624 : i32 to vector<16xi32>
    %mul3A_626 = arith.muli %mul3A_625, %get3A_617 : vector<16xi32>
    %add3A_627 = arith.addi %get3A_620, %mul3A_626 : vector<16xi32>
    %add3A_628 = arith.constant 1 : i32
    %add3A_629 = vector.broadcast %add3A_628 : i32 to vector<16xi32>
    %add3A_630 = arith.addi %get3A_623, %add3A_629 : vector<16xi32>
    %shift_right_arithmetic3A_631 = arith.constant 1 : i32
    %shift_right_arithmetic3A_632 = vector.broadcast %shift_right_arithmetic3A_631 : i32 to vector<16xi32>
    %shift_right_arithmetic3A_633 = arith.shrsi %add3A_630, %shift_right_arithmetic3A_632 : vector<16xi32>
    %mul3A_634 = arith.constant 4 : i32
    %mul3A_635 = vector.broadcast %mul3A_634 : i32 to vector<16xi32>
    %mul3A_636 = arith.muli %mul3A_635, %shift_right_arithmetic3A_633 : vector<16xi32>
    %add3A_637 = arith.addi %add3A_627, %mul3A_636 : vector<16xi32>
    %swap3A_638 = arith.constant 2 : i32
    %swap3A_639 = arith.index_cast %swap3A_638 : i32 to index
    %swap3A_640 = arith.constant 80 : index
    %swap3A_641 = tpu.vector_load %arg6[%swap3A_639, %swap3A_640] {strides = array<i32>} : memref<4x128xi32, #tpu.memory_space<vmem>>, vector<1x16xi32>,
    %swap3A_642 = vector.shape_cast %swap3A_641 : vector<1x16xi32> to vector<16xi32>
    %swap3A_643 = vector.shape_cast %add3A_637 : vector<16xi32> to vector<1x16xi32>
    tpu.vector_store %arg6[%swap3A_639, %swap3A_640], %swap3A_643 {strides = array<i32>} : memref<4x128xi32, #tpu.memory_space<vmem>>, vector<1x16xi32>,
    %get3A_644 = arith.constant 352 : index
    %get3A_645 = tpu.vector_load %arg5[%get3A_644] {strides = array<i32>} : memref<1536xi32, #tpu.memory_space<vmem>>, vector<16xi32>,
    %get3A_646 = vector.shape_cast %get3A_645 : vector<16xi32> to vector<16xi32>
    %get3A_647 = arith.constant 864 : index
    %get3A_648 = tpu.vector_load %arg5[%get3A_647] {strides = array<i32>} : memref<1536xi32, #tpu.memory_space<vmem>>, vector<16xi32>,
    %get3A_649 = vector.shape_cast %get3A_648 : vector<16xi32> to vector<16xi32>
    %get3A_650 = arith.constant 1376 : index
    %get3A_651 = tpu.vector_load %arg5[%get3A_650] {strides = array<i32>} : memref<1536xi32, #tpu.memory_space<vmem>>, vector<16xi32>,
    %get3A_652 = vector.shape_cast %get3A_651 : vector<16xi32> to vector<16xi32>
    %mul3A_653 = arith.constant 2 : i32
    %mul3A_654 = vector.broadcast %mul3A_653 : i32 to vector<16xi32>
    %mul3A_655 = arith.muli %mul3A_654, %get3A_646 : vector<16xi32>
    %add3A_656 = arith.addi %get3A_649, %mul3A_655 : vector<16xi32>
    %add3A_657 = arith.constant 1 : i32
    %add3A_658 = vector.broadcast %add3A_657 : i32 to vector<16xi32>
    %add3A_659 = arith.addi %get3A_652, %add3A_658 : vector<16xi32>
    %shift_right_arithmetic3A_660 = arith.constant 1 : i32
    %shift_right_arithmetic3A_661 = vector.broadcast %shift_right_arithmetic3A_660 : i32 to vector<16xi32>
    %shift_right_arithmetic3A_662 = arith.shrsi %add3A_659, %shift_right_arithmetic3A_661 : vector<16xi32>
    %mul3A_663 = arith.constant 4 : i32
    %mul3A_664 = vector.broadcast %mul3A_663 : i32 to vector<16xi32>
    %mul3A_665 = arith.muli %mul3A_664, %shift_right_arithmetic3A_662 : vector<16xi32>
    %add3A_666 = arith.addi %add3A_656, %mul3A_665 : vector<16xi32>
    %swap3A_667 = arith.constant 2 : i32
    %swap3A_668 = arith.index_cast %swap3A_667 : i32 to index
    %swap3A_669 = arith.constant 96 : index
    %swap3A_670 = tpu.vector_load %arg6[%swap3A_668, %swap3A_669] {strides = array<i32>} : memref<4x128xi32, #tpu.memory_space<vmem>>, vector<1x16xi32>,
    %swap3A_671 = vector.shape_cast %swap3A_670 : vector<1x16xi32> to vector<16xi32>
    %swap3A_672 = vector.shape_cast %add3A_666 : vector<16xi32> to vector<1x16xi32>
    tpu.vector_store %arg6[%swap3A_668, %swap3A_669], %swap3A_672 {strides = array<i32>} : memref<4x128xi32, #tpu.memory_space<vmem>>, vector<1x16xi32>,
    %get3A_673 = arith.constant 368 : index
    %get3A_674 = tpu.vector_load %arg5[%get3A_673] {strides = array<i32>} : memref<1536xi32, #tpu.memory_space<vmem>>, vector<16xi32>,
    %get3A_675 = vector.shape_cast %get3A_674 : vector<16xi32> to vector<16xi32>
    %get3A_676 = arith.constant 880 : index
    %get3A_677 = tpu.vector_load %arg5[%get3A_676] {strides = array<i32>} : memref<1536xi32, #tpu.memory_space<vmem>>, vector<16xi32>,
    %get3A_678 = vector.shape_cast %get3A_677 : vector<16xi32> to vector<16xi32>
    %get3A_679 = arith.constant 1392 : index
    %get3A_680 = tpu.vector_load %arg5[%get3A_679] {strides = array<i32>} : memref<1536xi32, #tpu.memory_space<vmem>>, vector<16xi32>,
    %get3A_681 = vector.shape_cast %get3A_680 : vector<16xi32> to vector<16xi32>
    %mul3A_682 = arith.constant 2 : i32
    %mul3A_683 = vector.broadcast %mul3A_682 : i32 to vector<16xi32>
    %mul3A_684 = arith.muli %mul3A_683, %get3A_675 : vector<16xi32>
    %add3A_685 = arith.addi %get3A_678, %mul3A_684 : vector<16xi32>
    %add3A_686 = arith.constant 1 : i32
    %add3A_687 = vector.broadcast %add3A_686 : i32 to vector<16xi32>
    %add3A_688 = arith.addi %get3A_681, %add3A_687 : vector<16xi32>
    %shift_right_arithmetic3A_689 = arith.constant 1 : i32
    %shift_right_arithmetic3A_690 = vector.broadcast %shift_right_arithmetic3A_689 : i32 to vector<16xi32>
    %shift_right_arithmetic3A_691 = arith.shrsi %add3A_688, %shift_right_arithmetic3A_690 : vector<16xi32>
    %mul3A_692 = arith.constant 4 : i32
    %mul3A_693 = vector.broadcast %mul3A_692 : i32 to vector<16xi32>
    %mul3A_694 = arith.muli %mul3A_693, %shift_right_arithmetic3A_691 : vector<16xi32>
    %add3A_695 = arith.addi %add3A_685, %mul3A_694 : vector<16xi32>
    %swap3A_696 = arith.constant 2 : i32
    %swap3A_697 = arith.index_cast %swap3A_696 : i32 to index
    %swap3A_698 = arith.constant 112 : index
    %swap3A_699 = tpu.vector_load %arg6[%swap3A_697, %swap3A_698] {strides = array<i32>} : memref<4x128xi32, #tpu.memory_space<vmem>>, vector<1x16xi32>,
    %swap3A_700 = vector.shape_cast %swap3A_699 : vector<1x16xi32> to vector<16xi32>
    %swap3A_701 = vector.shape_cast %add3A_695 : vector<16xi32> to vector<1x16xi32>
    tpu.vector_store %arg6[%swap3A_697, %swap3A_698], %swap3A_701 {strides = array<i32>} : memref<4x128xi32, #tpu.memory_space<vmem>>, vector<1x16xi32>,
    %get3A_702 = arith.constant 384 : index
    %get3A_703 = tpu.vector_load %arg5[%get3A_702] {strides = array<i32>} : memref<1536xi32, #tpu.memory_space<vmem>>, vector<16xi32>,
    %get3A_704 = vector.shape_cast %get3A_703 : vector<16xi32> to vector<16xi32>
    %get3A_705 = arith.constant 896 : index
    %get3A_706 = tpu.vector_load %arg5[%get3A_705] {strides = array<i32>} : memref<1536xi32, #tpu.memory_space<vmem>>, vector<16xi32>,
    %get3A_707 = vector.shape_cast %get3A_706 : vector<16xi32> to vector<16xi32>
    %get3A_708 = arith.constant 1408 : index
    %get3A_709 = tpu.vector_load %arg5[%get3A_708] {strides = array<i32>} : memref<1536xi32, #tpu.memory_space<vmem>>, vector<16xi32>,
    %get3A_710 = vector.shape_cast %get3A_709 : vector<16xi32> to vector<16xi32>
    %mul3A_711 = arith.constant 2 : i32
    %mul3A_712 = vector.broadcast %mul3A_711 : i32 to vector<16xi32>
    %mul3A_713 = arith.muli %mul3A_712, %get3A_704 : vector<16xi32>
    %add3A_714 = arith.addi %get3A_707, %mul3A_713 : vector<16xi32>
    %add3A_715 = arith.constant 1 : i32
    %add3A_716 = vector.broadcast %add3A_715 : i32 to vector<16xi32>
    %add3A_717 = arith.addi %get3A_710, %add3A_716 : vector<16xi32>
    %shift_right_arithmetic3A_718 = arith.constant 1 : i32
    %shift_right_arithmetic3A_719 = vector.broadcast %shift_right_arithmetic3A_718 : i32 to vector<16xi32>
    %shift_right_arithmetic3A_720 = arith.shrsi %add3A_717, %shift_right_arithmetic3A_719 : vector<16xi32>
    %mul3A_721 = arith.constant 4 : i32
    %mul3A_722 = vector.broadcast %mul3A_721 : i32 to vector<16xi32>
    %mul3A_723 = arith.muli %mul3A_722, %shift_right_arithmetic3A_720 : vector<16xi32>
    %add3A_724 = arith.addi %add3A_714, %mul3A_723 : vector<16xi32>
    %swap3A_725 = arith.constant 3 : i32
    %swap3A_726 = arith.index_cast %swap3A_725 : i32 to index
    %swap3A_727 = arith.constant 0 : index
    %swap3A_728 = tpu.vector_load %arg6[%swap3A_726, %swap3A_727] {strides = array<i32>} : memref<4x128xi32, #tpu.memory_space<vmem>>, vector<1x16xi32>,
    %swap3A_729 = vector.shape_cast %swap3A_728 : vector<1x16xi32> to vector<16xi32>
    %swap3A_730 = vector.shape_cast %add3A_724 : vector<16xi32> to vector<1x16xi32>
    tpu.vector_store %arg6[%swap3A_726, %swap3A_727], %swap3A_730 {strides = array<i32>} : memref<4x128xi32, #tpu.memory_space<vmem>>, vector<1x16xi32>,
    %get3A_731 = arith.constant 400 : index
    %get3A_732 = tpu.vector_load %arg5[%get3A_731] {strides = array<i32>} : memref<1536xi32, #tpu.memory_space<vmem>>, vector<16xi32>,
    %get3A_733 = vector.shape_cast %get3A_732 : vector<16xi32> to vector<16xi32>
    %get3A_734 = arith.constant 912 : index
    %get3A_735 = tpu.vector_load %arg5[%get3A_734] {strides = array<i32>} : memref<1536xi32, #tpu.memory_space<vmem>>, vector<16xi32>,
    %get3A_736 = vector.shape_cast %get3A_735 : vector<16xi32> to vector<16xi32>
    %get3A_737 = arith.constant 1424 : index
    %get3A_738 = tpu.vector_load %arg5[%get3A_737] {strides = array<i32>} : memref<1536xi32, #tpu.memory_space<vmem>>, vector<16xi32>,
    %get3A_739 = vector.shape_cast %get3A_738 : vector<16xi32> to vector<16xi32>
    %mul3A_740 = arith.constant 2 : i32
    %mul3A_741 = vector.broadcast %mul3A_740 : i32 to vector<16xi32>
    %mul3A_742 = arith.muli %mul3A_741, %get3A_733 : vector<16xi32>
    %add3A_743 = arith.addi %get3A_736, %mul3A_742 : vector<16xi32>
    %add3A_744 = arith.constant 1 : i32
    %add3A_745 = vector.broadcast %add3A_744 : i32 to vector<16xi32>
    %add3A_746 = arith.addi %get3A_739, %add3A_745 : vector<16xi32>
    %shift_right_arithmetic3A_747 = arith.constant 1 : i32
    %shift_right_arithmetic3A_748 = vector.broadcast %shift_right_arithmetic3A_747 : i32 to vector<16xi32>
    %shift_right_arithmetic3A_749 = arith.shrsi %add3A_746, %shift_right_arithmetic3A_748 : vector<16xi32>
    %mul3A_750 = arith.constant 4 : i32
    %mul3A_751 = vector.broadcast %mul3A_750 : i32 to vector<16xi32>
    %mul3A_752 = arith.muli %mul3A_751, %shift_right_arithmetic3A_749 : vector<16xi32>
    %add3A_753 = arith.addi %add3A_743, %mul3A_752 : vector<16xi32>
    %swap3A_754 = arith.constant 3 : i32
    %swap3A_755 = arith.index_cast %swap3A_754 : i32 to index
    %swap3A_756 = arith.constant 16 : index
    %swap3A_757 = tpu.vector_load %arg6[%swap3A_755, %swap3A_756] {strides = array<i32>} : memref<4x128xi32, #tpu.memory_space<vmem>>, vector<1x16xi32>,
    %swap3A_758 = vector.shape_cast %swap3A_757 : vector<1x16xi32> to vector<16xi32>
    %swap3A_759 = vector.shape_cast %add3A_753 : vector<16xi32> to vector<1x16xi32>
    tpu.vector_store %arg6[%swap3A_755, %swap3A_756], %swap3A_759 {strides = array<i32>} : memref<4x128xi32, #tpu.memory_space<vmem>>, vector<1x16xi32>,
    %get3A_760 = arith.constant 416 : index
    %get3A_761 = tpu.vector_load %arg5[%get3A_760] {strides = array<i32>} : memref<1536xi32, #tpu.memory_space<vmem>>, vector<16xi32>,
    %get3A_762 = vector.shape_cast %get3A_761 : vector<16xi32> to vector<16xi32>
    %get3A_763 = arith.constant 928 : index
    %get3A_764 = tpu.vector_load %arg5[%get3A_763] {strides = array<i32>} : memref<1536xi32, #tpu.memory_space<vmem>>, vector<16xi32>,
    %get3A_765 = vector.shape_cast %get3A_764 : vector<16xi32> to vector<16xi32>
    %get3A_766 = arith.constant 1440 : index
    %get3A_767 = tpu.vector_load %arg5[%get3A_766] {strides = array<i32>} : memref<1536xi32, #tpu.memory_space<vmem>>, vector<16xi32>,
    %get3A_768 = vector.shape_cast %get3A_767 : vector<16xi32> to vector<16xi32>
    %mul3A_769 = arith.constant 2 : i32
    %mul3A_770 = vector.broadcast %mul3A_769 : i32 to vector<16xi32>
    %mul3A_771 = arith.muli %mul3A_770, %get3A_762 : vector<16xi32>
    %add3A_772 = arith.addi %get3A_765, %mul3A_771 : vector<16xi32>
    %add3A_773 = arith.constant 1 : i32
    %add3A_774 = vector.broadcast %add3A_773 : i32 to vector<16xi32>
    %add3A_775 = arith.addi %get3A_768, %add3A_774 : vector<16xi32>
    %shift_right_arithmetic3A_776 = arith.constant 1 : i32
    %shift_right_arithmetic3A_777 = vector.broadcast %shift_right_arithmetic3A_776 : i32 to vector<16xi32>
    %shift_right_arithmetic3A_778 = arith.shrsi %add3A_775, %shift_right_arithmetic3A_777 : vector<16xi32>
    %mul3A_779 = arith.constant 4 : i32
    %mul3A_780 = vector.broadcast %mul3A_779 : i32 to vector<16xi32>
    %mul3A_781 = arith.muli %mul3A_780, %shift_right_arithmetic3A_778 : vector<16xi32>
    %add3A_782 = arith.addi %add3A_772, %mul3A_781 : vector<16xi32>
    %swap3A_783 = arith.constant 3 : i32
    %swap3A_784 = arith.index_cast %swap3A_783 : i32 to index
    %swap3A_785 = arith.constant 32 : index
    %swap3A_786 = tpu.vector_load %arg6[%swap3A_784, %swap3A_785] {strides = array<i32>} : memref<4x128xi32, #tpu.memory_space<vmem>>, vector<1x16xi32>,
    %swap3A_787 = vector.shape_cast %swap3A_786 : vector<1x16xi32> to vector<16xi32>
    %swap3A_788 = vector.shape_cast %add3A_782 : vector<16xi32> to vector<1x16xi32>
    tpu.vector_store %arg6[%swap3A_784, %swap3A_785], %swap3A_788 {strides = array<i32>} : memref<4x128xi32, #tpu.memory_space<vmem>>, vector<1x16xi32>,
    %get3A_789 = arith.constant 432 : index
    %get3A_790 = tpu.vector_load %arg5[%get3A_789] {strides = array<i32>} : memref<1536xi32, #tpu.memory_space<vmem>>, vector<16xi32>,
    %get3A_791 = vector.shape_cast %get3A_790 : vector<16xi32> to vector<16xi32>
    %get3A_792 = arith.constant 944 : index
    %get3A_793 = tpu.vector_load %arg5[%get3A_792] {strides = array<i32>} : memref<1536xi32, #tpu.memory_space<vmem>>, vector<16xi32>,
    %get3A_794 = vector.shape_cast %get3A_793 : vector<16xi32> to vector<16xi32>
    %get3A_795 = arith.constant 1456 : index
    %get3A_796 = tpu.vector_load %arg5[%get3A_795] {strides = array<i32>} : memref<1536xi32, #tpu.memory_space<vmem>>, vector<16xi32>,
    %get3A_797 = vector.shape_cast %get3A_796 : vector<16xi32> to vector<16xi32>
    %mul3A_798 = arith.constant 2 : i32
    %mul3A_799 = vector.broadcast %mul3A_798 : i32 to vector<16xi32>
    %mul3A_800 = arith.muli %mul3A_799, %get3A_791 : vector<16xi32>
    %add3A_801 = arith.addi %get3A_794, %mul3A_800 : vector<16xi32>
    %add3A_802 = arith.constant 1 : i32
    %add3A_803 = vector.broadcast %add3A_802 : i32 to vector<16xi32>
    %add3A_804 = arith.addi %get3A_797, %add3A_803 : vector<16xi32>
    %shift_right_arithmetic3A_805 = arith.constant 1 : i32
    %shift_right_arithmetic3A_806 = vector.broadcast %shift_right_arithmetic3A_805 : i32 to vector<16xi32>
    %shift_right_arithmetic3A_807 = arith.shrsi %add3A_804, %shift_right_arithmetic3A_806 : vector<16xi32>
    %mul3A_808 = arith.constant 4 : i32
    %mul3A_809 = vector.broadcast %mul3A_808 : i32 to vector<16xi32>
    %mul3A_810 = arith.muli %mul3A_809, %shift_right_arithmetic3A_807 : vector<16xi32>
    %add3A_811 = arith.addi %add3A_801, %mul3A_810 : vector<16xi32>
    %swap3A_812 = arith.constant 3 : i32
    %swap3A_813 = arith.index_cast %swap3A_812 : i32 to index
    %swap3A_814 = arith.constant 48 : index
    %swap3A_815 = tpu.vector_load %arg6[%swap3A_813, %swap3A_814] {strides = array<i32>} : memref<4x128xi32, #tpu.memory_space<vmem>>, vector<1x16xi32>,
    %swap3A_816 = vector.shape_cast %swap3A_815 : vector<1x16xi32> to vector<16xi32>
    %swap3A_817 = vector.shape_cast %add3A_811 : vector<16xi32> to vector<1x16xi32>
    tpu.vector_store %arg6[%swap3A_813, %swap3A_814], %swap3A_817 {strides = array<i32>} : memref<4x128xi32, #tpu.memory_space<vmem>>, vector<1x16xi32>,
    %get3A_818 = arith.constant 448 : index
    %get3A_819 = tpu.vector_load %arg5[%get3A_818] {strides = array<i32>} : memref<1536xi32, #tpu.memory_space<vmem>>, vector<16xi32>,
    %get3A_820 = vector.shape_cast %get3A_819 : vector<16xi32> to vector<16xi32>
    %get3A_821 = arith.constant 960 : index
    %get3A_822 = tpu.vector_load %arg5[%get3A_821] {strides = array<i32>} : memref<1536xi32, #tpu.memory_space<vmem>>, vector<16xi32>,
    %get3A_823 = vector.shape_cast %get3A_822 : vector<16xi32> to vector<16xi32>
    %get3A_824 = arith.constant 1472 : index
    %get3A_825 = tpu.vector_load %arg5[%get3A_824] {strides = array<i32>} : memref<1536xi32, #tpu.memory_space<vmem>>, vector<16xi32>,
    %get3A_826 = vector.shape_cast %get3A_825 : vector<16xi32> to vector<16xi32>
    %mul3A_827 = arith.constant 2 : i32
    %mul3A_828 = vector.broadcast %mul3A_827 : i32 to vector<16xi32>
    %mul3A_829 = arith.muli %mul3A_828, %get3A_820 : vector<16xi32>
    %add3A_830 = arith.addi %get3A_823, %mul3A_829 : vector<16xi32>
    %add3A_831 = arith.constant 1 : i32
    %add3A_832 = vector.broadcast %add3A_831 : i32 to vector<16xi32>
    %add3A_833 = arith.addi %get3A_826, %add3A_832 : vector<16xi32>
    %shift_right_arithmetic3A_834 = arith.constant 1 : i32
    %shift_right_arithmetic3A_835 = vector.broadcast %shift_right_arithmetic3A_834 : i32 to vector<16xi32>
    %shift_right_arithmetic3A_836 = arith.shrsi %add3A_833, %shift_right_arithmetic3A_835 : vector<16xi32>
    %mul3A_837 = arith.constant 4 : i32
    %mul3A_838 = vector.broadcast %mul3A_837 : i32 to vector<16xi32>
    %mul3A_839 = arith.muli %mul3A_838, %shift_right_arithmetic3A_836 : vector<16xi32>
    %add3A_840 = arith.addi %add3A_830, %mul3A_839 : vector<16xi32>
    %swap3A_841 = arith.constant 3 : i32
    %swap3A_842 = arith.index_cast %swap3A_841 : i32 to index
    %swap3A_843 = arith.constant 64 : index
    %swap3A_844 = tpu.vector_load %arg6[%swap3A_842, %swap3A_843] {strides = array<i32>} : memref<4x128xi32, #tpu.memory_space<vmem>>, vector<1x16xi32>,
    %swap3A_845 = vector.shape_cast %swap3A_844 : vector<1x16xi32> to vector<16xi32>
    %swap3A_846 = vector.shape_cast %add3A_840 : vector<16xi32> to vector<1x16xi32>
    tpu.vector_store %arg6[%swap3A_842, %swap3A_843], %swap3A_846 {strides = array<i32>} : memref<4x128xi32, #tpu.memory_space<vmem>>, vector<1x16xi32>,
    %get3A_847 = arith.constant 464 : index
    %get3A_848 = tpu.vector_load %arg5[%get3A_847] {strides = array<i32>} : memref<1536xi32, #tpu.memory_space<vmem>>, vector<16xi32>,
    %get3A_849 = vector.shape_cast %get3A_848 : vector<16xi32> to vector<16xi32>
    %get3A_850 = arith.constant 976 : index
    %get3A_851 = tpu.vector_load %arg5[%get3A_850] {strides = array<i32>} : memref<1536xi32, #tpu.memory_space<vmem>>, vector<16xi32>,
    %get3A_852 = vector.shape_cast %get3A_851 : vector<16xi32> to vector<16xi32>
    %get3A_853 = arith.constant 1488 : index
    %get3A_854 = tpu.vector_load %arg5[%get3A_853] {strides = array<i32>} : memref<1536xi32, #tpu.memory_space<vmem>>, vector<16xi32>,
    %get3A_855 = vector.shape_cast %get3A_854 : vector<16xi32> to vector<16xi32>
    %mul3A_856 = arith.constant 2 : i32
    %mul3A_857 = vector.broadcast %mul3A_856 : i32 to vector<16xi32>
    %mul3A_858 = arith.muli %mul3A_857, %get3A_849 : vector<16xi32>
    %add3A_859 = arith.addi %get3A_852, %mul3A_858 : vector<16xi32>
    %add3A_860 = arith.constant 1 : i32
    %add3A_861 = vector.broadcast %add3A_860 : i32 to vector<16xi32>
    %add3A_862 = arith.addi %get3A_855, %add3A_861 : vector<16xi32>
    %shift_right_arithmetic3A_863 = arith.constant 1 : i32
    %shift_right_arithmetic3A_864 = vector.broadcast %shift_right_arithmetic3A_863 : i32 to vector<16xi32>
    %shift_right_arithmetic3A_865 = arith.shrsi %add3A_862, %shift_right_arithmetic3A_864 : vector<16xi32>
    %mul3A_866 = arith.constant 4 : i32
    %mul3A_867 = vector.broadcast %mul3A_866 : i32 to vector<16xi32>
    %mul3A_868 = arith.muli %mul3A_867, %shift_right_arithmetic3A_865 : vector<16xi32>
    %add3A_869 = arith.addi %add3A_859, %mul3A_868 : vector<16xi32>
    %swap3A_870 = arith.constant 3 : i32
    %swap3A_871 = arith.index_cast %swap3A_870 : i32 to index
    %swap3A_872 = arith.constant 80 : index
    %swap3A_873 = tpu.vector_load %arg6[%swap3A_871, %swap3A_872] {strides = array<i32>} : memref<4x128xi32, #tpu.memory_space<vmem>>, vector<1x16xi32>,
    %swap3A_874 = vector.shape_cast %swap3A_873 : vector<1x16xi32> to vector<16xi32>
    %swap3A_875 = vector.shape_cast %add3A_869 : vector<16xi32> to vector<1x16xi32>
    tpu.vector_store %arg6[%swap3A_871, %swap3A_872], %swap3A_875 {strides = array<i32>} : memref<4x128xi32, #tpu.memory_space<vmem>>, vector<1x16xi32>,
    %get3A_876 = arith.constant 480 : index
    %get3A_877 = tpu.vector_load %arg5[%get3A_876] {strides = array<i32>} : memref<1536xi32, #tpu.memory_space<vmem>>, vector<16xi32>,
    %get3A_878 = vector.shape_cast %get3A_877 : vector<16xi32> to vector<16xi32>
    %get3A_879 = arith.constant 992 : index
    %get3A_880 = tpu.vector_load %arg5[%get3A_879] {strides = array<i32>} : memref<1536xi32, #tpu.memory_space<vmem>>, vector<16xi32>,
    %get3A_881 = vector.shape_cast %get3A_880 : vector<16xi32> to vector<16xi32>
    %get3A_882 = arith.constant 1504 : index
    %get3A_883 = tpu.vector_load %arg5[%get3A_882] {strides = array<i32>} : memref<1536xi32, #tpu.memory_space<vmem>>, vector<16xi32>,
    %get3A_884 = vector.shape_cast %get3A_883 : vector<16xi32> to vector<16xi32>
    %mul3A_885 = arith.constant 2 : i32
    %mul3A_886 = vector.broadcast %mul3A_885 : i32 to vector<16xi32>
    %mul3A_887 = arith.muli %mul3A_886, %get3A_878 : vector<16xi32>
    %add3A_888 = arith.addi %get3A_881, %mul3A_887 : vector<16xi32>
    %add3A_889 = arith.constant 1 : i32
    %add3A_890 = vector.broadcast %add3A_889 : i32 to vector<16xi32>
    %add3A_891 = arith.addi %get3A_884, %add3A_890 : vector<16xi32>
    %shift_right_arithmetic3A_892 = arith.constant 1 : i32
    %shift_right_arithmetic3A_893 = vector.broadcast %shift_right_arithmetic3A_892 : i32 to vector<16xi32>
    %shift_right_arithmetic3A_894 = arith.shrsi %add3A_891, %shift_right_arithmetic3A_893 : vector<16xi32>
    %mul3A_895 = arith.constant 4 : i32
    %mul3A_896 = vector.broadcast %mul3A_895 : i32 to vector<16xi32>
    %mul3A_897 = arith.muli %mul3A_896, %shift_right_arithmetic3A_894 : vector<16xi32>
    %add3A_898 = arith.addi %add3A_888, %mul3A_897 : vector<16xi32>
    %swap3A_899 = arith.constant 3 : i32
    %swap3A_900 = arith.index_cast %swap3A_899 : i32 to index
    %swap3A_901 = arith.constant 96 : index
    %swap3A_902 = tpu.vector_load %arg6[%swap3A_900, %swap3A_901] {strides = array<i32>} : memref<4x128xi32, #tpu.memory_space<vmem>>, vector<1x16xi32>,
    %swap3A_903 = vector.shape_cast %swap3A_902 : vector<1x16xi32> to vector<16xi32>
    %swap3A_904 = vector.shape_cast %add3A_898 : vector<16xi32> to vector<1x16xi32>
    tpu.vector_store %arg6[%swap3A_900, %swap3A_901], %swap3A_904 {strides = array<i32>} : memref<4x128xi32, #tpu.memory_space<vmem>>, vector<1x16xi32>,
    %get3A_905 = arith.constant 496 : index
    %get3A_906 = tpu.vector_load %arg5[%get3A_905] {strides = array<i32>} : memref<1536xi32, #tpu.memory_space<vmem>>, vector<16xi32>,
    %get3A_907 = vector.shape_cast %get3A_906 : vector<16xi32> to vector<16xi32>
    %get3A_908 = arith.constant 1008 : index
    %get3A_909 = tpu.vector_load %arg5[%get3A_908] {strides = array<i32>} : memref<1536xi32, #tpu.memory_space<vmem>>, vector<16xi32>,
    %get3A_910 = vector.shape_cast %get3A_909 : vector<16xi32> to vector<16xi32>
    %get3A_911 = arith.constant 1520 : index
    %get3A_912 = tpu.vector_load %arg5[%get3A_911] {strides = array<i32>} : memref<1536xi32, #tpu.memory_space<vmem>>, vector<16xi32>,
    %get3A_913 = vector.shape_cast %get3A_912 : vector<16xi32> to vector<16xi32>
    %mul3A_914 = arith.constant 2 : i32
    %mul3A_915 = vector.broadcast %mul3A_914 : i32 to vector<16xi32>
    %mul3A_916 = arith.muli %mul3A_915, %get3A_907 : vector<16xi32>
    %add3A_917 = arith.addi %get3A_910, %mul3A_916 : vector<16xi32>
    %add3A_918 = arith.constant 1 : i32
    %add3A_919 = vector.broadcast %add3A_918 : i32 to vector<16xi32>
    %add3A_920 = arith.addi %get3A_913, %add3A_919 : vector<16xi32>
    %shift_right_arithmetic3A_921 = arith.constant 1 : i32
    %shift_right_arithmetic3A_922 = vector.broadcast %shift_right_arithmetic3A_921 : i32 to vector<16xi32>
    %shift_right_arithmetic3A_923 = arith.shrsi %add3A_920, %shift_right_arithmetic3A_922 : vector<16xi32>
    %mul3A_924 = arith.constant 4 : i32
    %mul3A_925 = vector.broadcast %mul3A_924 : i32 to vector<16xi32>
    %mul3A_926 = arith.muli %mul3A_925, %shift_right_arithmetic3A_923 : vector<16xi32>
    %add3A_927 = arith.addi %add3A_917, %mul3A_926 : vector<16xi32>
    %swap3A_928 = arith.constant 3 : i32
    %swap3A_929 = arith.index_cast %swap3A_928 : i32 to index
    %swap3A_930 = arith.constant 112 : index
    %swap3A_931 = tpu.vector_load %arg6[%swap3A_929, %swap3A_930] {strides = array<i32>} : memref<4x128xi32, #tpu.memory_space<vmem>>, vector<1x16xi32>,
    %swap3A_932 = vector.shape_cast %swap3A_931 : vector<1x16xi32> to vector<16xi32>
    %swap3A_933 = vector.shape_cast %add3A_927 : vector<16xi32> to vector<1x16xi32>
    tpu.vector_store %arg6[%swap3A_929, %swap3A_930], %swap3A_933 {strides = array<i32>} : memref<4x128xi32, #tpu.memory_space<vmem>>, vector<1x16xi32>,
    %barrier3A = arith.constant 0 : index
    tpu.barrier barrier_id(%barrier3A)
    %dma_start3A_934 = arith.constant 0 : i32
    %dma_start3A_935 = arith.constant 0 : i32
    %dma_start3A_936 = arith.constant 0 : i32
    %dma_start3A_937 = arith.constant 0 : i32
    %dma_start3A_938 = tpu.memref_slice %arg7[%dma_start3A_935, %dma_start3A_936, %dma_start3A_937] : memref<4x128x128xf32, #tpu.memory_space<vmem>> -> memref<1x128x128xf32, #tpu.memory_space<vmem>>
    %dma_start3A_939 = tpu.memref_squeeze %dma_start3A_938 : memref<1x128x128xf32, #tpu.memory_space<vmem>> -> memref<128x128xf32, #tpu.memory_space<vmem>>
    %dma_start3A_940 = arith.constant 0 : i32
    %dma_start3A_941 = tpu.memref_slice %arg6[%dma_start3A_934, %dma_start3A_940] : memref<4x128xi32, #tpu.memory_space<vmem>> -> memref<1x128xi32, #tpu.memory_space<vmem>>
    %dma_start3A_942 = tpu.memref_squeeze %dma_start3A_941 : memref<1x128xi32, #tpu.memory_space<vmem>> -> memref<128xi32, #tpu.memory_space<vmem>>
    %dma_start3A_943 = arith.constant 0 : i32
    %dma_start3A_944 = arith.constant 0 : i32
    %dma_start3A_945 = tpu.memref_slice %arg8[%dma_start3A_943, %dma_start3A_944] : memref<8x128xf32, #tpu.memory_space<vmem_shared>> -> memref<8x128xf32, #tpu.memory_space<vmem_shared>>
    tpu.enqueue_indirect_dma source(%dma_start3A_945 : memref<8x128xf32, #tpu.memory_space<vmem_shared>>) target(%dma_start3A_939 : memref<128x128xf32, #tpu.memory_space<vmem>>) offsets(%dma_start3A_942 : memref<128xi32, #tpu.memory_space<vmem>>) semaphore(%arg10 : memref<!tpu.dma_semaphore, #tpu.memory_space<semaphore_mem>>)
    %dma_start3A_946 = arith.constant 1 : i32
    %dma_start3A_947 = arith.constant 1 : i32
    %dma_start3A_948 = arith.constant 0 : i32
    %dma_start3A_949 = arith.constant 0 : i32
    %dma_start3A_950 = tpu.memref_slice %arg7[%dma_start3A_947, %dma_start3A_948, %dma_start3A_949] : memref<4x128x128xf32, #tpu.memory_space<vmem>> -> memref<1x128x128xf32, #tpu.memory_space<vmem>>
    %dma_start3A_951 = tpu.memref_squeeze %dma_start3A_950 : memref<1x128x128xf32, #tpu.memory_space<vmem>> -> memref<128x128xf32, #tpu.memory_space<vmem>>
    %dma_start3A_952 = arith.constant 0 : i32
    %dma_start3A_953 = tpu.memref_slice %arg6[%dma_start3A_946, %dma_start3A_952] : memref<4x128xi32, #tpu.memory_space<vmem>> -> memref<1x128xi32, #tpu.memory_space<vmem>>
    %dma_start3A_954 = tpu.memref_squeeze %dma_start3A_953 : memref<1x128xi32, #tpu.memory_space<vmem>> -> memref<128xi32, #tpu.memory_space<vmem>>
    %dma_start3A_955 = arith.constant 0 : i32
    %dma_start3A_956 = arith.constant 0 : i32
    %dma_start3A_957 = tpu.memref_slice %arg8[%dma_start3A_955, %dma_start3A_956] : memref<8x128xf32, #tpu.memory_space<vmem_shared>> -> memref<8x128xf32, #tpu.memory_space<vmem_shared>>
    tpu.enqueue_indirect_dma source(%dma_start3A_957 : memref<8x128xf32, #tpu.memory_space<vmem_shared>>) target(%dma_start3A_951 : memref<128x128xf32, #tpu.memory_space<vmem>>) offsets(%dma_start3A_954 : memref<128xi32, #tpu.memory_space<vmem>>) semaphore(%arg11 : memref<!tpu.dma_semaphore, #tpu.memory_space<semaphore_mem>>)
    %dma_start3A_958 = arith.constant 2 : i32
    %dma_start3A_959 = arith.constant 2 : i32
    %dma_start3A_960 = arith.constant 0 : i32
    %dma_start3A_961 = arith.constant 0 : i32
    %dma_start3A_962 = tpu.memref_slice %arg7[%dma_start3A_959, %dma_start3A_960, %dma_start3A_961] : memref<4x128x128xf32, #tpu.memory_space<vmem>> -> memref<1x128x128xf32, #tpu.memory_space<vmem>>
    %dma_start3A_963 = tpu.memref_squeeze %dma_start3A_962 : memref<1x128x128xf32, #tpu.memory_space<vmem>> -> memref<128x128xf32, #tpu.memory_space<vmem>>
    %dma_start3A_964 = arith.constant 0 : i32
    %dma_start3A_965 = tpu.memref_slice %arg6[%dma_start3A_958, %dma_start3A_964] : memref<4x128xi32, #tpu.memory_space<vmem>> -> memref<1x128xi32, #tpu.memory_space<vmem>>
    %dma_start3A_966 = tpu.memref_squeeze %dma_start3A_965 : memref<1x128xi32, #tpu.memory_space<vmem>> -> memref<128xi32, #tpu.memory_space<vmem>>
    %dma_start3A_967 = arith.constant 0 : i32
    %dma_start3A_968 = arith.constant 0 : i32
    %dma_start3A_969 = tpu.memref_slice %arg8[%dma_start3A_967, %dma_start3A_968] : memref<8x128xf32, #tpu.memory_space<vmem_shared>> -> memref<8x128xf32, #tpu.memory_space<vmem_shared>>
    tpu.enqueue_indirect_dma source(%dma_start3A_969 : memref<8x128xf32, #tpu.memory_space<vmem_shared>>) target(%dma_start3A_963 : memref<128x128xf32, #tpu.memory_space<vmem>>) offsets(%dma_start3A_966 : memref<128xi32, #tpu.memory_space<vmem>>) semaphore(%arg12 : memref<!tpu.dma_semaphore, #tpu.memory_space<semaphore_mem>>)
    %dma_start3A_970 = arith.constant 3 : i32
    %dma_start3A_971 = arith.constant 3 : i32
    %dma_start3A_972 = arith.constant 0 : i32
    %dma_start3A_973 = arith.constant 0 : i32
    %dma_start3A_974 = tpu.memref_slice %arg7[%dma_start3A_971, %dma_start3A_972, %dma_start3A_973] : memref<4x128x128xf32, #tpu.memory_space<vmem>> -> memref<1x128x128xf32, #tpu.memory_space<vmem>>
    %dma_start3A_975 = tpu.memref_squeeze %dma_start3A_974 : memref<1x128x128xf32, #tpu.memory_space<vmem>> -> memref<128x128xf32, #tpu.memory_space<vmem>>
    %dma_start3A_976 = arith.constant 0 : i32
    %dma_start3A_977 = tpu.memref_slice %arg6[%dma_start3A_970, %dma_start3A_976] : memref<4x128xi32, #tpu.memory_space<vmem>> -> memref<1x128xi32, #tpu.memory_space<vmem>>
    %dma_start3A_978 = tpu.memref_squeeze %dma_start3A_977 : memref<1x128xi32, #tpu.memory_space<vmem>> -> memref<128xi32, #tpu.memory_space<vmem>>
    %dma_start3A_979 = arith.constant 0 : i32
    %dma_start3A_980 = arith.constant 0 : i32
    %dma_start3A_981 = tpu.memref_slice %arg8[%dma_start3A_979, %dma_start3A_980] : memref<8x128xf32, #tpu.memory_space<vmem_shared>> -> memref<8x128xf32, #tpu.memory_space<vmem_shared>>
    tpu.enqueue_indirect_dma source(%dma_start3A_981 : memref<8x128xf32, #tpu.memory_space<vmem_shared>>) target(%dma_start3A_975 : memref<128x128xf32, #tpu.memory_space<vmem>>) offsets(%dma_start3A_978 : memref<128xi32, #tpu.memory_space<vmem>>) semaphore(%arg13 : memref<!tpu.dma_semaphore, #tpu.memory_space<semaphore_mem>>)
    %scan3A = arith.constant 0 : i32
    %scan3A_982 = arith.constant 0 : i32
    %scan3A_983 = arith.constant 32 : i32
    %scan3A_984 = arith.addi %scan3A_982, %scan3A_983 : i32
    %scan3A_985 = arith.constant 1 : i32
    scf.for %scan3A_1058 = %scan3A_982 to %scan3A_984 step %scan3A_985  : i32 {
      %add3A_1059 = arith.addi %mul3A_2, %scan3A_1058 : i32
      %dma_wait3A_1060 = arith.constant 0 : i32
      %dma_wait3A_1061 = arith.constant 0 : i32
      %dma_wait3A_1062 = arith.constant 0 : i32
      %dma_wait3A_1063 = arith.constant 0 : i32
      %dma_wait3A_1064 = tpu.memref_slice %arg7[%dma_wait3A_1061, %dma_wait3A_1062, %dma_wait3A_1063] : memref<4x128x128xf32, #tpu.memory_space<vmem>> -> memref<1x128x128xf32, #tpu.memory_space<vmem>>
      %dma_wait3A_1065 = tpu.memref_squeeze %dma_wait3A_1064 : memref<1x128x128xf32, #tpu.memory_space<vmem>> -> memref<128x128xf32, #tpu.memory_space<vmem>>
      %dma_wait3A_1066 = arith.constant 0 : i32
      %dma_wait3A_1067 = tpu.memref_slice %arg6[%dma_wait3A_1060, %dma_wait3A_1066] : memref<4x128xi32, #tpu.memory_space<vmem>> -> memref<1x128xi32, #tpu.memory_space<vmem>>
      %dma_wait3A_1068 = tpu.memref_squeeze %dma_wait3A_1067 : memref<1x128xi32, #tpu.memory_space<vmem>> -> memref<128xi32, #tpu.memory_space<vmem>>
      %dma_wait3A_1069 = arith.constant 0 : i32
      %dma_wait3A_1070 = arith.constant 0 : i32
      %dma_wait3A_1071 = tpu.memref_slice %arg8[%dma_wait3A_1069, %dma_wait3A_1070] : memref<8x128xf32, #tpu.memory_space<vmem_shared>> -> memref<8x128xf32, #tpu.memory_space<vmem_shared>>
      tpu.wait_indirect_dma semaphore(%arg10 : memref<!tpu.dma_semaphore, #tpu.memory_space<semaphore_mem>>) src(%dma_wait3A_1071 : memref<8x128xf32, #tpu.memory_space<vmem_shared>>) dst(%dma_wait3A_1065 : memref<128x128xf32, #tpu.memory_space<vmem>>)
      %mul3A_1072 = arith.constant 512 : i32
      %mul3A_1073 = arith.muli %add3A_1059, %mul3A_1072 : i32
      %add3A_1074 = arith.constant 0 : i32
      %add3A_1075 = arith.addi %mul3A_1073, %add3A_1074 : i32
      %dma_start3A_1076 = arith.constant 0 : i32
      %dma_start3A_1077 = arith.constant 0 : i32
      %dma_start3A_1078 = arith.constant 0 : i32
      %dma_start3A_1079 = tpu.memref_slice %arg7[%dma_start3A_1076, %dma_start3A_1077, %dma_start3A_1078] : memref<4x128x128xf32, #tpu.memory_space<vmem>> -> memref<1x128x128xf32, #tpu.memory_space<vmem>>
      %dma_start3A_1080 = tpu.memref_squeeze %dma_start3A_1079 : memref<1x128x128xf32, #tpu.memory_space<vmem>> -> memref<128x128xf32, #tpu.memory_space<vmem>>
      %dma_start3A_1081 = arith.constant 0 : i32
      %dma_start3A_1082 = tpu.memref_slice %arg4[%add3A_1075, %dma_start3A_1081] : memref<524288x128xf32, #tpu.memory_space<hbm>> -> memref<128x128xf32, #tpu.memory_space<hbm>>
      %dma_start3A_1083 = arith.constant 0 : i32
      %dma_start3A_1084 = tpu.memref_slice %arg4[%add3A_1075, %dma_start3A_1083] : memref<524288x128xf32, #tpu.memory_space<hbm>> -> memref<128x128xf32, #tpu.memory_space<hbm>>
      %dma_start3A_1085 = arith.constant 0 : i32
      %dma_start3A_1086 = arith.constant 0 : i32
      %dma_start3A_1087 = tpu.memref_slice %arg7[%dma_start3A_1076, %dma_start3A_1085, %dma_start3A_1086] : memref<4x128x128xf32, #tpu.memory_space<vmem>> -> memref<1x128x128xf32, #tpu.memory_space<vmem>>
      %dma_start3A_1088 = tpu.memref_squeeze %dma_start3A_1087 : memref<1x128x128xf32, #tpu.memory_space<vmem>> -> memref<128x128xf32, #tpu.memory_space<vmem>>
      tpu.enqueue_dma source(%dma_start3A_1088 : memref<128x128xf32, #tpu.memory_space<vmem>>) target(%dma_start3A_1084 : memref<128x128xf32, #tpu.memory_space<hbm>>) target_semaphore(%arg14 : memref<!tpu.dma_semaphore, #tpu.memory_space<semaphore_mem>>)
      %dma_wait3A_1089 = arith.constant 1 : i32
      %dma_wait3A_1090 = arith.constant 1 : i32
      %dma_wait3A_1091 = arith.constant 0 : i32
      %dma_wait3A_1092 = arith.constant 0 : i32
      %dma_wait3A_1093 = tpu.memref_slice %arg7[%dma_wait3A_1090, %dma_wait3A_1091, %dma_wait3A_1092] : memref<4x128x128xf32, #tpu.memory_space<vmem>> -> memref<1x128x128xf32, #tpu.memory_space<vmem>>
      %dma_wait3A_1094 = tpu.memref_squeeze %dma_wait3A_1093 : memref<1x128x128xf32, #tpu.memory_space<vmem>> -> memref<128x128xf32, #tpu.memory_space<vmem>>
      %dma_wait3A_1095 = arith.constant 0 : i32
      %dma_wait3A_1096 = tpu.memref_slice %arg6[%dma_wait3A_1089, %dma_wait3A_1095] : memref<4x128xi32, #tpu.memory_space<vmem>> -> memref<1x128xi32, #tpu.memory_space<vmem>>
      %dma_wait3A_1097 = tpu.memref_squeeze %dma_wait3A_1096 : memref<1x128xi32, #tpu.memory_space<vmem>> -> memref<128xi32, #tpu.memory_space<vmem>>
      %dma_wait3A_1098 = arith.constant 0 : i32
      %dma_wait3A_1099 = arith.constant 0 : i32
      %dma_wait3A_1100 = tpu.memref_slice %arg8[%dma_wait3A_1098, %dma_wait3A_1099] : memref<8x128xf32, #tpu.memory_space<vmem_shared>> -> memref<8x128xf32, #tpu.memory_space<vmem_shared>>
      tpu.wait_indirect_dma semaphore(%arg11 : memref<!tpu.dma_semaphore, #tpu.memory_space<semaphore_mem>>) src(%dma_wait3A_1100 : memref<8x128xf32, #tpu.memory_space<vmem_shared>>) dst(%dma_wait3A_1094 : memref<128x128xf32, #tpu.memory_space<vmem>>)
      %mul3A_1101 = arith.constant 512 : i32
      %mul3A_1102 = arith.muli %add3A_1059, %mul3A_1101 : i32
      %add3A_1103 = arith.constant 128 : i32
      %add3A_1104 = arith.addi %mul3A_1102, %add3A_1103 : i32
      %dma_start3A_1105 = arith.constant 1 : i32
      %dma_start3A_1106 = arith.constant 0 : i32
      %dma_start3A_1107 = arith.constant 0 : i32
      %dma_start3A_1108 = tpu.memref_slice %arg7[%dma_start3A_1105, %dma_start3A_1106, %dma_start3A_1107] : memref<4x128x128xf32, #tpu.memory_space<vmem>> -> memref<1x128x128xf32, #tpu.memory_space<vmem>>
      %dma_start3A_1109 = tpu.memref_squeeze %dma_start3A_1108 : memref<1x128x128xf32, #tpu.memory_space<vmem>> -> memref<128x128xf32, #tpu.memory_space<vmem>>
      %dma_start3A_1110 = arith.constant 0 : i32
      %dma_start3A_1111 = tpu.memref_slice %arg4[%add3A_1104, %dma_start3A_1110] : memref<524288x128xf32, #tpu.memory_space<hbm>> -> memref<128x128xf32, #tpu.memory_space<hbm>>
      %dma_start3A_1112 = arith.constant 0 : i32
      %dma_start3A_1113 = tpu.memref_slice %arg4[%add3A_1104, %dma_start3A_1112] : memref<524288x128xf32, #tpu.memory_space<hbm>> -> memref<128x128xf32, #tpu.memory_space<hbm>>
      %dma_start3A_1114 = arith.constant 0 : i32
      %dma_start3A_1115 = arith.constant 0 : i32
      %dma_start3A_1116 = tpu.memref_slice %arg7[%dma_start3A_1105, %dma_start3A_1114, %dma_start3A_1115] : memref<4x128x128xf32, #tpu.memory_space<vmem>> -> memref<1x128x128xf32, #tpu.memory_space<vmem>>
      %dma_start3A_1117 = tpu.memref_squeeze %dma_start3A_1116 : memref<1x128x128xf32, #tpu.memory_space<vmem>> -> memref<128x128xf32, #tpu.memory_space<vmem>>
      tpu.enqueue_dma source(%dma_start3A_1117 : memref<128x128xf32, #tpu.memory_space<vmem>>) target(%dma_start3A_1113 : memref<128x128xf32, #tpu.memory_space<hbm>>) target_semaphore(%arg15 : memref<!tpu.dma_semaphore, #tpu.memory_space<semaphore_mem>>)
      %dma_wait3A_1118 = arith.constant 2 : i32
      %dma_wait3A_1119 = arith.constant 2 : i32
      %dma_wait3A_1120 = arith.constant 0 : i32
      %dma_wait3A_1121 = arith.constant 0 : i32
      %dma_wait3A_1122 = tpu.memref_slice %arg7[%dma_wait3A_1119, %dma_wait3A_1120, %dma_wait3A_1121] : memref<4x128x128xf32, #tpu.memory_space<vmem>> -> memref<1x128x128xf32, #tpu.memory_space<vmem>>
      %dma_wait3A_1123 = tpu.memref_squeeze %dma_wait3A_1122 : memref<1x128x128xf32, #tpu.memory_space<vmem>> -> memref<128x128xf32, #tpu.memory_space<vmem>>
      %dma_wait3A_1124 = arith.constant 0 : i32
      %dma_wait3A_1125 = tpu.memref_slice %arg6[%dma_wait3A_1118, %dma_wait3A_1124] : memref<4x128xi32, #tpu.memory_space<vmem>> -> memref<1x128xi32, #tpu.memory_space<vmem>>
      %dma_wait3A_1126 = tpu.memref_squeeze %dma_wait3A_1125 : memref<1x128xi32, #tpu.memory_space<vmem>> -> memref<128xi32, #tpu.memory_space<vmem>>
      %dma_wait3A_1127 = arith.constant 0 : i32
      %dma_wait3A_1128 = arith.constant 0 : i32
      %dma_wait3A_1129 = tpu.memref_slice %arg8[%dma_wait3A_1127, %dma_wait3A_1128] : memref<8x128xf32, #tpu.memory_space<vmem_shared>> -> memref<8x128xf32, #tpu.memory_space<vmem_shared>>
      tpu.wait_indirect_dma semaphore(%arg12 : memref<!tpu.dma_semaphore, #tpu.memory_space<semaphore_mem>>) src(%dma_wait3A_1129 : memref<8x128xf32, #tpu.memory_space<vmem_shared>>) dst(%dma_wait3A_1123 : memref<128x128xf32, #tpu.memory_space<vmem>>)
      %mul3A_1130 = arith.constant 512 : i32
      %mul3A_1131 = arith.muli %add3A_1059, %mul3A_1130 : i32
      %add3A_1132 = arith.constant 256 : i32
      %add3A_1133 = arith.addi %mul3A_1131, %add3A_1132 : i32
      %dma_start3A_1134 = arith.constant 2 : i32
      %dma_start3A_1135 = arith.constant 0 : i32
      %dma_start3A_1136 = arith.constant 0 : i32
      %dma_start3A_1137 = tpu.memref_slice %arg7[%dma_start3A_1134, %dma_start3A_1135, %dma_start3A_1136] : memref<4x128x128xf32, #tpu.memory_space<vmem>> -> memref<1x128x128xf32, #tpu.memory_space<vmem>>
      %dma_start3A_1138 = tpu.memref_squeeze %dma_start3A_1137 : memref<1x128x128xf32, #tpu.memory_space<vmem>> -> memref<128x128xf32, #tpu.memory_space<vmem>>
      %dma_start3A_1139 = arith.constant 0 : i32
      %dma_start3A_1140 = tpu.memref_slice %arg4[%add3A_1133, %dma_start3A_1139] : memref<524288x128xf32, #tpu.memory_space<hbm>> -> memref<128x128xf32, #tpu.memory_space<hbm>>
      %dma_start3A_1141 = arith.constant 0 : i32
      %dma_start3A_1142 = tpu.memref_slice %arg4[%add3A_1133, %dma_start3A_1141] : memref<524288x128xf32, #tpu.memory_space<hbm>> -> memref<128x128xf32, #tpu.memory_space<hbm>>
      %dma_start3A_1143 = arith.constant 0 : i32
      %dma_start3A_1144 = arith.constant 0 : i32
      %dma_start3A_1145 = tpu.memref_slice %arg7[%dma_start3A_1134, %dma_start3A_1143, %dma_start3A_1144] : memref<4x128x128xf32, #tpu.memory_space<vmem>> -> memref<1x128x128xf32, #tpu.memory_space<vmem>>
      %dma_start3A_1146 = tpu.memref_squeeze %dma_start3A_1145 : memref<1x128x128xf32, #tpu.memory_space<vmem>> -> memref<128x128xf32, #tpu.memory_space<vmem>>
      tpu.enqueue_dma source(%dma_start3A_1146 : memref<128x128xf32, #tpu.memory_space<vmem>>) target(%dma_start3A_1142 : memref<128x128xf32, #tpu.memory_space<hbm>>) target_semaphore(%arg16 : memref<!tpu.dma_semaphore, #tpu.memory_space<semaphore_mem>>)
      %dma_wait3A_1147 = arith.constant 3 : i32
      %dma_wait3A_1148 = arith.constant 3 : i32
      %dma_wait3A_1149 = arith.constant 0 : i32
      %dma_wait3A_1150 = arith.constant 0 : i32
      %dma_wait3A_1151 = tpu.memref_slice %arg7[%dma_wait3A_1148, %dma_wait3A_1149, %dma_wait3A_1150] : memref<4x128x128xf32, #tpu.memory_space<vmem>> -> memref<1x128x128xf32, #tpu.memory_space<vmem>>
      %dma_wait3A_1152 = tpu.memref_squeeze %dma_wait3A_1151 : memref<1x128x128xf32, #tpu.memory_space<vmem>> -> memref<128x128xf32, #tpu.memory_space<vmem>>
      %dma_wait3A_1153 = arith.constant 0 : i32
      %dma_wait3A_1154 = tpu.memref_slice %arg6[%dma_wait3A_1147, %dma_wait3A_1153] : memref<4x128xi32, #tpu.memory_space<vmem>> -> memref<1x128xi32, #tpu.memory_space<vmem>>
      %dma_wait3A_1155 = tpu.memref_squeeze %dma_wait3A_1154 : memref<1x128xi32, #tpu.memory_space<vmem>> -> memref<128xi32, #tpu.memory_space<vmem>>
      %dma_wait3A_1156 = arith.constant 0 : i32
      %dma_wait3A_1157 = arith.constant 0 : i32
      %dma_wait3A_1158 = tpu.memref_slice %arg8[%dma_wait3A_1156, %dma_wait3A_1157] : memref<8x128xf32, #tpu.memory_space<vmem_shared>> -> memref<8x128xf32, #tpu.memory_space<vmem_shared>>
      tpu.wait_indirect_dma semaphore(%arg13 : memref<!tpu.dma_semaphore, #tpu.memory_space<semaphore_mem>>) src(%dma_wait3A_1158 : memref<8x128xf32, #tpu.memory_space<vmem_shared>>) dst(%dma_wait3A_1152 : memref<128x128xf32, #tpu.memory_space<vmem>>)
      %mul3A_1159 = arith.constant 512 : i32
      %mul3A_1160 = arith.muli %add3A_1059, %mul3A_1159 : i32
      %add3A_1161 = arith.constant 384 : i32
      %add3A_1162 = arith.addi %mul3A_1160, %add3A_1161 : i32
      %dma_start3A_1163 = arith.constant 3 : i32
      %dma_start3A_1164 = arith.constant 0 : i32
      %dma_start3A_1165 = arith.constant 0 : i32
      %dma_start3A_1166 = tpu.memref_slice %arg7[%dma_start3A_1163, %dma_start3A_1164, %dma_start3A_1165] : memref<4x128x128xf32, #tpu.memory_space<vmem>> -> memref<1x128x128xf32, #tpu.memory_space<vmem>>
      %dma_start3A_1167 = tpu.memref_squeeze %dma_start3A_1166 : memref<1x128x128xf32, #tpu.memory_space<vmem>> -> memref<128x128xf32, #tpu.memory_space<vmem>>
      %dma_start3A_1168 = arith.constant 0 : i32
      %dma_start3A_1169 = tpu.memref_slice %arg4[%add3A_1162, %dma_start3A_1168] : memref<524288x128xf32, #tpu.memory_space<hbm>> -> memref<128x128xf32, #tpu.memory_space<hbm>>
      %dma_start3A_1170 = arith.constant 0 : i32
      %dma_start3A_1171 = tpu.memref_slice %arg4[%add3A_1162, %dma_start3A_1170] : memref<524288x128xf32, #tpu.memory_space<hbm>> -> memref<128x128xf32, #tpu.memory_space<hbm>>
      %dma_start3A_1172 = arith.constant 0 : i32
      %dma_start3A_1173 = arith.constant 0 : i32
      %dma_start3A_1174 = tpu.memref_slice %arg7[%dma_start3A_1163, %dma_start3A_1172, %dma_start3A_1173] : memref<4x128x128xf32, #tpu.memory_space<vmem>> -> memref<1x128x128xf32, #tpu.memory_space<vmem>>
      %dma_start3A_1175 = tpu.memref_squeeze %dma_start3A_1174 : memref<1x128x128xf32, #tpu.memory_space<vmem>> -> memref<128x128xf32, #tpu.memory_space<vmem>>
      tpu.enqueue_dma source(%dma_start3A_1175 : memref<128x128xf32, #tpu.memory_space<vmem>>) target(%dma_start3A_1171 : memref<128x128xf32, #tpu.memory_space<hbm>>) target_semaphore(%arg17 : memref<!tpu.dma_semaphore, #tpu.memory_space<semaphore_mem>>)
      %add3A_1176 = arith.constant 1 : i32
      %add3A_1177 = arith.addi %scan3A_1058, %add3A_1176 : i32
      %lt3A = arith.constant 32 : i32
      %lt3A_1178 = arith.cmpi slt, %add3A_1177, %lt3A : i32
      %convert_element_type3A_1179 = arith.extui %lt3A_1178 : i1 to i32
      %cond3A_1180 = arith.constant 0 : i32
      %cond3A_1181 = arith.cmpi ne, %convert_element_type3A_1179, %cond3A_1180 : i32
      scf.if %cond3A_1181 {
        %add3A_1182 = arith.constant 1 : i32
        %add3A_1183 = arith.addi %add3A_1059, %add3A_1182 : i32
        %mul3A_1184 = arith.constant 1536 : i32
        %mul3A_1185 = arith.muli %add3A_1183, %mul3A_1184 : i32
        %dma_start3A_1186 = tpu.memref_slice %arg2[%mul3A_1185] : memref<1572864xi32, #tpu.memory_space<hbm>> -> memref<1536xi32, #tpu.memory_space<hbm>>
        %dma_start3A_1187 = tpu.memref_slice %arg2[%mul3A_1185] : memref<1572864xi32, #tpu.memory_space<hbm>> -> memref<1536xi32, #tpu.memory_space<hbm>>
        tpu.enqueue_dma source(%dma_start3A_1187 : memref<1536xi32, #tpu.memory_space<hbm>>) target(%arg5 : memref<1536xi32, #tpu.memory_space<vmem>>) target_semaphore(%arg9 : memref<!tpu.dma_semaphore, #tpu.memory_space<semaphore_mem>>)
        %dma_wait3A_1188 = tpu.memref_slice %arg2[%mul3A_1185] : memref<1572864xi32, #tpu.memory_space<hbm>> -> memref<1536xi32, #tpu.memory_space<hbm>>
        %dma_wait3A_1189 = tpu.memref_slice %arg2[%mul3A_1185] : memref<1572864xi32, #tpu.memory_space<hbm>> -> memref<1536xi32, #tpu.memory_space<hbm>>
        tpu.wait_dma2 semaphore(%arg9 : memref<!tpu.dma_semaphore, #tpu.memory_space<semaphore_mem>>) src(%dma_wait3A_1189 : memref<1536xi32, #tpu.memory_space<hbm>>) dst(%arg5 : memref<1536xi32, #tpu.memory_space<vmem>>)
        %get3A_1190 = arith.constant 0 : index
        %get3A_1191 = tpu.vector_load %arg5[%get3A_1190] {strides = array<i32>} : memref<1536xi32, #tpu.memory_space<vmem>>, vector<16xi32>,
        %get3A_1192 = vector.shape_cast %get3A_1191 : vector<16xi32> to vector<16xi32>
        %get3A_1193 = arith.constant 512 : index
        %get3A_1194 = tpu.vector_load %arg5[%get3A_1193] {strides = array<i32>} : memref<1536xi32, #tpu.memory_space<vmem>>, vector<16xi32>,
        %get3A_1195 = vector.shape_cast %get3A_1194 : vector<16xi32> to vector<16xi32>
        %get3A_1196 = arith.constant 1024 : index
        %get3A_1197 = tpu.vector_load %arg5[%get3A_1196] {strides = array<i32>} : memref<1536xi32, #tpu.memory_space<vmem>>, vector<16xi32>,
        %get3A_1198 = vector.shape_cast %get3A_1197 : vector<16xi32> to vector<16xi32>
        %mul3A_1199 = arith.constant 2 : i32
        %mul3A_1200 = vector.broadcast %mul3A_1199 : i32 to vector<16xi32>
        %mul3A_1201 = arith.muli %mul3A_1200, %get3A_1192 : vector<16xi32>
        %add3A_1202 = arith.addi %get3A_1195, %mul3A_1201 : vector<16xi32>
        %add3A_1203 = arith.constant 1 : i32
        %add3A_1204 = vector.broadcast %add3A_1203 : i32 to vector<16xi32>
        %add3A_1205 = arith.addi %get3A_1198, %add3A_1204 : vector<16xi32>
        %shift_right_arithmetic3A_1206 = arith.constant 1 : i32
        %shift_right_arithmetic3A_1207 = vector.broadcast %shift_right_arithmetic3A_1206 : i32 to vector<16xi32>
        %shift_right_arithmetic3A_1208 = arith.shrsi %add3A_1205, %shift_right_arithmetic3A_1207 : vector<16xi32>
        %mul3A_1209 = arith.constant 4 : i32
        %mul3A_1210 = vector.broadcast %mul3A_1209 : i32 to vector<16xi32>
        %mul3A_1211 = arith.muli %mul3A_1210, %shift_right_arithmetic3A_1208 : vector<16xi32>
        %add3A_1212 = arith.addi %add3A_1202, %mul3A_1211 : vector<16xi32>
        %swap3A_1213 = arith.constant 0 : i32
        %swap3A_1214 = arith.index_cast %swap3A_1213 : i32 to index
        %swap3A_1215 = arith.constant 0 : index
        %swap3A_1216 = tpu.vector_load %arg6[%swap3A_1214, %swap3A_1215] {strides = array<i32>} : memref<4x128xi32, #tpu.memory_space<vmem>>, vector<1x16xi32>,
        %swap3A_1217 = vector.shape_cast %swap3A_1216 : vector<1x16xi32> to vector<16xi32>
        %swap3A_1218 = vector.shape_cast %add3A_1212 : vector<16xi32> to vector<1x16xi32>
        tpu.vector_store %arg6[%swap3A_1214, %swap3A_1215], %swap3A_1218 {strides = array<i32>} : memref<4x128xi32, #tpu.memory_space<vmem>>, vector<1x16xi32>,
        %get3A_1219 = arith.constant 16 : index
        %get3A_1220 = tpu.vector_load %arg5[%get3A_1219] {strides = array<i32>} : memref<1536xi32, #tpu.memory_space<vmem>>, vector<16xi32>,
        %get3A_1221 = vector.shape_cast %get3A_1220 : vector<16xi32> to vector<16xi32>
        %get3A_1222 = arith.constant 528 : index
        %get3A_1223 = tpu.vector_load %arg5[%get3A_1222] {strides = array<i32>} : memref<1536xi32, #tpu.memory_space<vmem>>, vector<16xi32>,
        %get3A_1224 = vector.shape_cast %get3A_1223 : vector<16xi32> to vector<16xi32>
        %get3A_1225 = arith.constant 1040 : index
        %get3A_1226 = tpu.vector_load %arg5[%get3A_1225] {strides = array<i32>} : memref<1536xi32, #tpu.memory_space<vmem>>, vector<16xi32>,
        %get3A_1227 = vector.shape_cast %get3A_1226 : vector<16xi32> to vector<16xi32>
        %mul3A_1228 = arith.constant 2 : i32
        %mul3A_1229 = vector.broadcast %mul3A_1228 : i32 to vector<16xi32>
        %mul3A_1230 = arith.muli %mul3A_1229, %get3A_1221 : vector<16xi32>
        %add3A_1231 = arith.addi %get3A_1224, %mul3A_1230 : vector<16xi32>
        %add3A_1232 = arith.constant 1 : i32
        %add3A_1233 = vector.broadcast %add3A_1232 : i32 to vector<16xi32>
        %add3A_1234 = arith.addi %get3A_1227, %add3A_1233 : vector<16xi32>
        %shift_right_arithmetic3A_1235 = arith.constant 1 : i32
        %shift_right_arithmetic3A_1236 = vector.broadcast %shift_right_arithmetic3A_1235 : i32 to vector<16xi32>
        %shift_right_arithmetic3A_1237 = arith.shrsi %add3A_1234, %shift_right_arithmetic3A_1236 : vector<16xi32>
        %mul3A_1238 = arith.constant 4 : i32
        %mul3A_1239 = vector.broadcast %mul3A_1238 : i32 to vector<16xi32>
        %mul3A_1240 = arith.muli %mul3A_1239, %shift_right_arithmetic3A_1237 : vector<16xi32>
        %add3A_1241 = arith.addi %add3A_1231, %mul3A_1240 : vector<16xi32>
        %swap3A_1242 = arith.constant 0 : i32
        %swap3A_1243 = arith.index_cast %swap3A_1242 : i32 to index
        %swap3A_1244 = arith.constant 16 : index
        %swap3A_1245 = tpu.vector_load %arg6[%swap3A_1243, %swap3A_1244] {strides = array<i32>} : memref<4x128xi32, #tpu.memory_space<vmem>>, vector<1x16xi32>,
        %swap3A_1246 = vector.shape_cast %swap3A_1245 : vector<1x16xi32> to vector<16xi32>
        %swap3A_1247 = vector.shape_cast %add3A_1241 : vector<16xi32> to vector<1x16xi32>
        tpu.vector_store %arg6[%swap3A_1243, %swap3A_1244], %swap3A_1247 {strides = array<i32>} : memref<4x128xi32, #tpu.memory_space<vmem>>, vector<1x16xi32>,
        %get3A_1248 = arith.constant 32 : index
        %get3A_1249 = tpu.vector_load %arg5[%get3A_1248] {strides = array<i32>} : memref<1536xi32, #tpu.memory_space<vmem>>, vector<16xi32>,
        %get3A_1250 = vector.shape_cast %get3A_1249 : vector<16xi32> to vector<16xi32>
        %get3A_1251 = arith.constant 544 : index
        %get3A_1252 = tpu.vector_load %arg5[%get3A_1251] {strides = array<i32>} : memref<1536xi32, #tpu.memory_space<vmem>>, vector<16xi32>,
        %get3A_1253 = vector.shape_cast %get3A_1252 : vector<16xi32> to vector<16xi32>
        %get3A_1254 = arith.constant 1056 : index
        %get3A_1255 = tpu.vector_load %arg5[%get3A_1254] {strides = array<i32>} : memref<1536xi32, #tpu.memory_space<vmem>>, vector<16xi32>,
        %get3A_1256 = vector.shape_cast %get3A_1255 : vector<16xi32> to vector<16xi32>
        %mul3A_1257 = arith.constant 2 : i32
        %mul3A_1258 = vector.broadcast %mul3A_1257 : i32 to vector<16xi32>
        %mul3A_1259 = arith.muli %mul3A_1258, %get3A_1250 : vector<16xi32>
        %add3A_1260 = arith.addi %get3A_1253, %mul3A_1259 : vector<16xi32>
        %add3A_1261 = arith.constant 1 : i32
        %add3A_1262 = vector.broadcast %add3A_1261 : i32 to vector<16xi32>
        %add3A_1263 = arith.addi %get3A_1256, %add3A_1262 : vector<16xi32>
        %shift_right_arithmetic3A_1264 = arith.constant 1 : i32
        %shift_right_arithmetic3A_1265 = vector.broadcast %shift_right_arithmetic3A_1264 : i32 to vector<16xi32>
        %shift_right_arithmetic3A_1266 = arith.shrsi %add3A_1263, %shift_right_arithmetic3A_1265 : vector<16xi32>
        %mul3A_1267 = arith.constant 4 : i32
        %mul3A_1268 = vector.broadcast %mul3A_1267 : i32 to vector<16xi32>
        %mul3A_1269 = arith.muli %mul3A_1268, %shift_right_arithmetic3A_1266 : vector<16xi32>
        %add3A_1270 = arith.addi %add3A_1260, %mul3A_1269 : vector<16xi32>
        %swap3A_1271 = arith.constant 0 : i32
        %swap3A_1272 = arith.index_cast %swap3A_1271 : i32 to index
        %swap3A_1273 = arith.constant 32 : index
        %swap3A_1274 = tpu.vector_load %arg6[%swap3A_1272, %swap3A_1273] {strides = array<i32>} : memref<4x128xi32, #tpu.memory_space<vmem>>, vector<1x16xi32>,
        %swap3A_1275 = vector.shape_cast %swap3A_1274 : vector<1x16xi32> to vector<16xi32>
        %swap3A_1276 = vector.shape_cast %add3A_1270 : vector<16xi32> to vector<1x16xi32>
        tpu.vector_store %arg6[%swap3A_1272, %swap3A_1273], %swap3A_1276 {strides = array<i32>} : memref<4x128xi32, #tpu.memory_space<vmem>>, vector<1x16xi32>,
        %get3A_1277 = arith.constant 48 : index
        %get3A_1278 = tpu.vector_load %arg5[%get3A_1277] {strides = array<i32>} : memref<1536xi32, #tpu.memory_space<vmem>>, vector<16xi32>,
        %get3A_1279 = vector.shape_cast %get3A_1278 : vector<16xi32> to vector<16xi32>
        %get3A_1280 = arith.constant 560 : index
        %get3A_1281 = tpu.vector_load %arg5[%get3A_1280] {strides = array<i32>} : memref<1536xi32, #tpu.memory_space<vmem>>, vector<16xi32>,
        %get3A_1282 = vector.shape_cast %get3A_1281 : vector<16xi32> to vector<16xi32>
        %get3A_1283 = arith.constant 1072 : index
        %get3A_1284 = tpu.vector_load %arg5[%get3A_1283] {strides = array<i32>} : memref<1536xi32, #tpu.memory_space<vmem>>, vector<16xi32>,
        %get3A_1285 = vector.shape_cast %get3A_1284 : vector<16xi32> to vector<16xi32>
        %mul3A_1286 = arith.constant 2 : i32
        %mul3A_1287 = vector.broadcast %mul3A_1286 : i32 to vector<16xi32>
        %mul3A_1288 = arith.muli %mul3A_1287, %get3A_1279 : vector<16xi32>
        %add3A_1289 = arith.addi %get3A_1282, %mul3A_1288 : vector<16xi32>
        %add3A_1290 = arith.constant 1 : i32
        %add3A_1291 = vector.broadcast %add3A_1290 : i32 to vector<16xi32>
        %add3A_1292 = arith.addi %get3A_1285, %add3A_1291 : vector<16xi32>
        %shift_right_arithmetic3A_1293 = arith.constant 1 : i32
        %shift_right_arithmetic3A_1294 = vector.broadcast %shift_right_arithmetic3A_1293 : i32 to vector<16xi32>
        %shift_right_arithmetic3A_1295 = arith.shrsi %add3A_1292, %shift_right_arithmetic3A_1294 : vector<16xi32>
        %mul3A_1296 = arith.constant 4 : i32
        %mul3A_1297 = vector.broadcast %mul3A_1296 : i32 to vector<16xi32>
        %mul3A_1298 = arith.muli %mul3A_1297, %shift_right_arithmetic3A_1295 : vector<16xi32>
        %add3A_1299 = arith.addi %add3A_1289, %mul3A_1298 : vector<16xi32>
        %swap3A_1300 = arith.constant 0 : i32
        %swap3A_1301 = arith.index_cast %swap3A_1300 : i32 to index
        %swap3A_1302 = arith.constant 48 : index
        %swap3A_1303 = tpu.vector_load %arg6[%swap3A_1301, %swap3A_1302] {strides = array<i32>} : memref<4x128xi32, #tpu.memory_space<vmem>>, vector<1x16xi32>,
        %swap3A_1304 = vector.shape_cast %swap3A_1303 : vector<1x16xi32> to vector<16xi32>
        %swap3A_1305 = vector.shape_cast %add3A_1299 : vector<16xi32> to vector<1x16xi32>
        tpu.vector_store %arg6[%swap3A_1301, %swap3A_1302], %swap3A_1305 {strides = array<i32>} : memref<4x128xi32, #tpu.memory_space<vmem>>, vector<1x16xi32>,
        %get3A_1306 = arith.constant 64 : index
        %get3A_1307 = tpu.vector_load %arg5[%get3A_1306] {strides = array<i32>} : memref<1536xi32, #tpu.memory_space<vmem>>, vector<16xi32>,
        %get3A_1308 = vector.shape_cast %get3A_1307 : vector<16xi32> to vector<16xi32>
        %get3A_1309 = arith.constant 576 : index
        %get3A_1310 = tpu.vector_load %arg5[%get3A_1309] {strides = array<i32>} : memref<1536xi32, #tpu.memory_space<vmem>>, vector<16xi32>,
        %get3A_1311 = vector.shape_cast %get3A_1310 : vector<16xi32> to vector<16xi32>
        %get3A_1312 = arith.constant 1088 : index
        %get3A_1313 = tpu.vector_load %arg5[%get3A_1312] {strides = array<i32>} : memref<1536xi32, #tpu.memory_space<vmem>>, vector<16xi32>,
        %get3A_1314 = vector.shape_cast %get3A_1313 : vector<16xi32> to vector<16xi32>
        %mul3A_1315 = arith.constant 2 : i32
        %mul3A_1316 = vector.broadcast %mul3A_1315 : i32 to vector<16xi32>
        %mul3A_1317 = arith.muli %mul3A_1316, %get3A_1308 : vector<16xi32>
        %add3A_1318 = arith.addi %get3A_1311, %mul3A_1317 : vector<16xi32>
        %add3A_1319 = arith.constant 1 : i32
        %add3A_1320 = vector.broadcast %add3A_1319 : i32 to vector<16xi32>
        %add3A_1321 = arith.addi %get3A_1314, %add3A_1320 : vector<16xi32>
        %shift_right_arithmetic3A_1322 = arith.constant 1 : i32
        %shift_right_arithmetic3A_1323 = vector.broadcast %shift_right_arithmetic3A_1322 : i32 to vector<16xi32>
        %shift_right_arithmetic3A_1324 = arith.shrsi %add3A_1321, %shift_right_arithmetic3A_1323 : vector<16xi32>
        %mul3A_1325 = arith.constant 4 : i32
        %mul3A_1326 = vector.broadcast %mul3A_1325 : i32 to vector<16xi32>
        %mul3A_1327 = arith.muli %mul3A_1326, %shift_right_arithmetic3A_1324 : vector<16xi32>
        %add3A_1328 = arith.addi %add3A_1318, %mul3A_1327 : vector<16xi32>
        %swap3A_1329 = arith.constant 0 : i32
        %swap3A_1330 = arith.index_cast %swap3A_1329 : i32 to index
        %swap3A_1331 = arith.constant 64 : index
        %swap3A_1332 = tpu.vector_load %arg6[%swap3A_1330, %swap3A_1331] {strides = array<i32>} : memref<4x128xi32, #tpu.memory_space<vmem>>, vector<1x16xi32>,
        %swap3A_1333 = vector.shape_cast %swap3A_1332 : vector<1x16xi32> to vector<16xi32>
        %swap3A_1334 = vector.shape_cast %add3A_1328 : vector<16xi32> to vector<1x16xi32>
        tpu.vector_store %arg6[%swap3A_1330, %swap3A_1331], %swap3A_1334 {strides = array<i32>} : memref<4x128xi32, #tpu.memory_space<vmem>>, vector<1x16xi32>,
        %get3A_1335 = arith.constant 80 : index
        %get3A_1336 = tpu.vector_load %arg5[%get3A_1335] {strides = array<i32>} : memref<1536xi32, #tpu.memory_space<vmem>>, vector<16xi32>,
        %get3A_1337 = vector.shape_cast %get3A_1336 : vector<16xi32> to vector<16xi32>
        %get3A_1338 = arith.constant 592 : index
        %get3A_1339 = tpu.vector_load %arg5[%get3A_1338] {strides = array<i32>} : memref<1536xi32, #tpu.memory_space<vmem>>, vector<16xi32>,
        %get3A_1340 = vector.shape_cast %get3A_1339 : vector<16xi32> to vector<16xi32>
        %get3A_1341 = arith.constant 1104 : index
        %get3A_1342 = tpu.vector_load %arg5[%get3A_1341] {strides = array<i32>} : memref<1536xi32, #tpu.memory_space<vmem>>, vector<16xi32>,
        %get3A_1343 = vector.shape_cast %get3A_1342 : vector<16xi32> to vector<16xi32>
        %mul3A_1344 = arith.constant 2 : i32
        %mul3A_1345 = vector.broadcast %mul3A_1344 : i32 to vector<16xi32>
        %mul3A_1346 = arith.muli %mul3A_1345, %get3A_1337 : vector<16xi32>
        %add3A_1347 = arith.addi %get3A_1340, %mul3A_1346 : vector<16xi32>
        %add3A_1348 = arith.constant 1 : i32
        %add3A_1349 = vector.broadcast %add3A_1348 : i32 to vector<16xi32>
        %add3A_1350 = arith.addi %get3A_1343, %add3A_1349 : vector<16xi32>
        %shift_right_arithmetic3A_1351 = arith.constant 1 : i32
        %shift_right_arithmetic3A_1352 = vector.broadcast %shift_right_arithmetic3A_1351 : i32 to vector<16xi32>
        %shift_right_arithmetic3A_1353 = arith.shrsi %add3A_1350, %shift_right_arithmetic3A_1352 : vector<16xi32>
        %mul3A_1354 = arith.constant 4 : i32
        %mul3A_1355 = vector.broadcast %mul3A_1354 : i32 to vector<16xi32>
        %mul3A_1356 = arith.muli %mul3A_1355, %shift_right_arithmetic3A_1353 : vector<16xi32>
        %add3A_1357 = arith.addi %add3A_1347, %mul3A_1356 : vector<16xi32>
        %swap3A_1358 = arith.constant 0 : i32
        %swap3A_1359 = arith.index_cast %swap3A_1358 : i32 to index
        %swap3A_1360 = arith.constant 80 : index
        %swap3A_1361 = tpu.vector_load %arg6[%swap3A_1359, %swap3A_1360] {strides = array<i32>} : memref<4x128xi32, #tpu.memory_space<vmem>>, vector<1x16xi32>,
        %swap3A_1362 = vector.shape_cast %swap3A_1361 : vector<1x16xi32> to vector<16xi32>
        %swap3A_1363 = vector.shape_cast %add3A_1357 : vector<16xi32> to vector<1x16xi32>
        tpu.vector_store %arg6[%swap3A_1359, %swap3A_1360], %swap3A_1363 {strides = array<i32>} : memref<4x128xi32, #tpu.memory_space<vmem>>, vector<1x16xi32>,
        %get3A_1364 = arith.constant 96 : index
        %get3A_1365 = tpu.vector_load %arg5[%get3A_1364] {strides = array<i32>} : memref<1536xi32, #tpu.memory_space<vmem>>, vector<16xi32>,
        %get3A_1366 = vector.shape_cast %get3A_1365 : vector<16xi32> to vector<16xi32>
        %get3A_1367 = arith.constant 608 : index
        %get3A_1368 = tpu.vector_load %arg5[%get3A_1367] {strides = array<i32>} : memref<1536xi32, #tpu.memory_space<vmem>>, vector<16xi32>,
        %get3A_1369 = vector.shape_cast %get3A_1368 : vector<16xi32> to vector<16xi32>
        %get3A_1370 = arith.constant 1120 : index
        %get3A_1371 = tpu.vector_load %arg5[%get3A_1370] {strides = array<i32>} : memref<1536xi32, #tpu.memory_space<vmem>>, vector<16xi32>,
        %get3A_1372 = vector.shape_cast %get3A_1371 : vector<16xi32> to vector<16xi32>
        %mul3A_1373 = arith.constant 2 : i32
        %mul3A_1374 = vector.broadcast %mul3A_1373 : i32 to vector<16xi32>
        %mul3A_1375 = arith.muli %mul3A_1374, %get3A_1366 : vector<16xi32>
        %add3A_1376 = arith.addi %get3A_1369, %mul3A_1375 : vector<16xi32>
        %add3A_1377 = arith.constant 1 : i32
        %add3A_1378 = vector.broadcast %add3A_1377 : i32 to vector<16xi32>
        %add3A_1379 = arith.addi %get3A_1372, %add3A_1378 : vector<16xi32>
        %shift_right_arithmetic3A_1380 = arith.constant 1 : i32
        %shift_right_arithmetic3A_1381 = vector.broadcast %shift_right_arithmetic3A_1380 : i32 to vector<16xi32>
        %shift_right_arithmetic3A_1382 = arith.shrsi %add3A_1379, %shift_right_arithmetic3A_1381 : vector<16xi32>
        %mul3A_1383 = arith.constant 4 : i32
        %mul3A_1384 = vector.broadcast %mul3A_1383 : i32 to vector<16xi32>
        %mul3A_1385 = arith.muli %mul3A_1384, %shift_right_arithmetic3A_1382 : vector<16xi32>
        %add3A_1386 = arith.addi %add3A_1376, %mul3A_1385 : vector<16xi32>
        %swap3A_1387 = arith.constant 0 : i32
        %swap3A_1388 = arith.index_cast %swap3A_1387 : i32 to index
        %swap3A_1389 = arith.constant 96 : index
        %swap3A_1390 = tpu.vector_load %arg6[%swap3A_1388, %swap3A_1389] {strides = array<i32>} : memref<4x128xi32, #tpu.memory_space<vmem>>, vector<1x16xi32>,
        %swap3A_1391 = vector.shape_cast %swap3A_1390 : vector<1x16xi32> to vector<16xi32>
        %swap3A_1392 = vector.shape_cast %add3A_1386 : vector<16xi32> to vector<1x16xi32>
        tpu.vector_store %arg6[%swap3A_1388, %swap3A_1389], %swap3A_1392 {strides = array<i32>} : memref<4x128xi32, #tpu.memory_space<vmem>>, vector<1x16xi32>,
        %get3A_1393 = arith.constant 112 : index
        %get3A_1394 = tpu.vector_load %arg5[%get3A_1393] {strides = array<i32>} : memref<1536xi32, #tpu.memory_space<vmem>>, vector<16xi32>,
        %get3A_1395 = vector.shape_cast %get3A_1394 : vector<16xi32> to vector<16xi32>
        %get3A_1396 = arith.constant 624 : index
        %get3A_1397 = tpu.vector_load %arg5[%get3A_1396] {strides = array<i32>} : memref<1536xi32, #tpu.memory_space<vmem>>, vector<16xi32>,
        %get3A_1398 = vector.shape_cast %get3A_1397 : vector<16xi32> to vector<16xi32>
        %get3A_1399 = arith.constant 1136 : index
        %get3A_1400 = tpu.vector_load %arg5[%get3A_1399] {strides = array<i32>} : memref<1536xi32, #tpu.memory_space<vmem>>, vector<16xi32>,
        %get3A_1401 = vector.shape_cast %get3A_1400 : vector<16xi32> to vector<16xi32>
        %mul3A_1402 = arith.constant 2 : i32
        %mul3A_1403 = vector.broadcast %mul3A_1402 : i32 to vector<16xi32>
        %mul3A_1404 = arith.muli %mul3A_1403, %get3A_1395 : vector<16xi32>
        %add3A_1405 = arith.addi %get3A_1398, %mul3A_1404 : vector<16xi32>
        %add3A_1406 = arith.constant 1 : i32
        %add3A_1407 = vector.broadcast %add3A_1406 : i32 to vector<16xi32>
        %add3A_1408 = arith.addi %get3A_1401, %add3A_1407 : vector<16xi32>
        %shift_right_arithmetic3A_1409 = arith.constant 1 : i32
        %shift_right_arithmetic3A_1410 = vector.broadcast %shift_right_arithmetic3A_1409 : i32 to vector<16xi32>
        %shift_right_arithmetic3A_1411 = arith.shrsi %add3A_1408, %shift_right_arithmetic3A_1410 : vector<16xi32>
        %mul3A_1412 = arith.constant 4 : i32
        %mul3A_1413 = vector.broadcast %mul3A_1412 : i32 to vector<16xi32>
        %mul3A_1414 = arith.muli %mul3A_1413, %shift_right_arithmetic3A_1411 : vector<16xi32>
        %add3A_1415 = arith.addi %add3A_1405, %mul3A_1414 : vector<16xi32>
        %swap3A_1416 = arith.constant 0 : i32
        %swap3A_1417 = arith.index_cast %swap3A_1416 : i32 to index
        %swap3A_1418 = arith.constant 112 : index
        %swap3A_1419 = tpu.vector_load %arg6[%swap3A_1417, %swap3A_1418] {strides = array<i32>} : memref<4x128xi32, #tpu.memory_space<vmem>>, vector<1x16xi32>,
        %swap3A_1420 = vector.shape_cast %swap3A_1419 : vector<1x16xi32> to vector<16xi32>
        %swap3A_1421 = vector.shape_cast %add3A_1415 : vector<16xi32> to vector<1x16xi32>
        tpu.vector_store %arg6[%swap3A_1417, %swap3A_1418], %swap3A_1421 {strides = array<i32>} : memref<4x128xi32, #tpu.memory_space<vmem>>, vector<1x16xi32>,
        %get3A_1422 = arith.constant 128 : index
        %get3A_1423 = tpu.vector_load %arg5[%get3A_1422] {strides = array<i32>} : memref<1536xi32, #tpu.memory_space<vmem>>, vector<16xi32>,
        %get3A_1424 = vector.shape_cast %get3A_1423 : vector<16xi32> to vector<16xi32>
        %get3A_1425 = arith.constant 640 : index
        %get3A_1426 = tpu.vector_load %arg5[%get3A_1425] {strides = array<i32>} : memref<1536xi32, #tpu.memory_space<vmem>>, vector<16xi32>,
        %get3A_1427 = vector.shape_cast %get3A_1426 : vector<16xi32> to vector<16xi32>
        %get3A_1428 = arith.constant 1152 : index
        %get3A_1429 = tpu.vector_load %arg5[%get3A_1428] {strides = array<i32>} : memref<1536xi32, #tpu.memory_space<vmem>>, vector<16xi32>,
        %get3A_1430 = vector.shape_cast %get3A_1429 : vector<16xi32> to vector<16xi32>
        %mul3A_1431 = arith.constant 2 : i32
        %mul3A_1432 = vector.broadcast %mul3A_1431 : i32 to vector<16xi32>
        %mul3A_1433 = arith.muli %mul3A_1432, %get3A_1424 : vector<16xi32>
        %add3A_1434 = arith.addi %get3A_1427, %mul3A_1433 : vector<16xi32>
        %add3A_1435 = arith.constant 1 : i32
        %add3A_1436 = vector.broadcast %add3A_1435 : i32 to vector<16xi32>
        %add3A_1437 = arith.addi %get3A_1430, %add3A_1436 : vector<16xi32>
        %shift_right_arithmetic3A_1438 = arith.constant 1 : i32
        %shift_right_arithmetic3A_1439 = vector.broadcast %shift_right_arithmetic3A_1438 : i32 to vector<16xi32>
        %shift_right_arithmetic3A_1440 = arith.shrsi %add3A_1437, %shift_right_arithmetic3A_1439 : vector<16xi32>
        %mul3A_1441 = arith.constant 4 : i32
        %mul3A_1442 = vector.broadcast %mul3A_1441 : i32 to vector<16xi32>
        %mul3A_1443 = arith.muli %mul3A_1442, %shift_right_arithmetic3A_1440 : vector<16xi32>
        %add3A_1444 = arith.addi %add3A_1434, %mul3A_1443 : vector<16xi32>
        %swap3A_1445 = arith.constant 1 : i32
        %swap3A_1446 = arith.index_cast %swap3A_1445 : i32 to index
        %swap3A_1447 = arith.constant 0 : index
        %swap3A_1448 = tpu.vector_load %arg6[%swap3A_1446, %swap3A_1447] {strides = array<i32>} : memref<4x128xi32, #tpu.memory_space<vmem>>, vector<1x16xi32>,
        %swap3A_1449 = vector.shape_cast %swap3A_1448 : vector<1x16xi32> to vector<16xi32>
        %swap3A_1450 = vector.shape_cast %add3A_1444 : vector<16xi32> to vector<1x16xi32>
        tpu.vector_store %arg6[%swap3A_1446, %swap3A_1447], %swap3A_1450 {strides = array<i32>} : memref<4x128xi32, #tpu.memory_space<vmem>>, vector<1x16xi32>,
        %get3A_1451 = arith.constant 144 : index
        %get3A_1452 = tpu.vector_load %arg5[%get3A_1451] {strides = array<i32>} : memref<1536xi32, #tpu.memory_space<vmem>>, vector<16xi32>,
        %get3A_1453 = vector.shape_cast %get3A_1452 : vector<16xi32> to vector<16xi32>
        %get3A_1454 = arith.constant 656 : index
        %get3A_1455 = tpu.vector_load %arg5[%get3A_1454] {strides = array<i32>} : memref<1536xi32, #tpu.memory_space<vmem>>, vector<16xi32>,
        %get3A_1456 = vector.shape_cast %get3A_1455 : vector<16xi32> to vector<16xi32>
        %get3A_1457 = arith.constant 1168 : index
        %get3A_1458 = tpu.vector_load %arg5[%get3A_1457] {strides = array<i32>} : memref<1536xi32, #tpu.memory_space<vmem>>, vector<16xi32>,
        %get3A_1459 = vector.shape_cast %get3A_1458 : vector<16xi32> to vector<16xi32>
        %mul3A_1460 = arith.constant 2 : i32
        %mul3A_1461 = vector.broadcast %mul3A_1460 : i32 to vector<16xi32>
        %mul3A_1462 = arith.muli %mul3A_1461, %get3A_1453 : vector<16xi32>
        %add3A_1463 = arith.addi %get3A_1456, %mul3A_1462 : vector<16xi32>
        %add3A_1464 = arith.constant 1 : i32
        %add3A_1465 = vector.broadcast %add3A_1464 : i32 to vector<16xi32>
        %add3A_1466 = arith.addi %get3A_1459, %add3A_1465 : vector<16xi32>
        %shift_right_arithmetic3A_1467 = arith.constant 1 : i32
        %shift_right_arithmetic3A_1468 = vector.broadcast %shift_right_arithmetic3A_1467 : i32 to vector<16xi32>
        %shift_right_arithmetic3A_1469 = arith.shrsi %add3A_1466, %shift_right_arithmetic3A_1468 : vector<16xi32>
        %mul3A_1470 = arith.constant 4 : i32
        %mul3A_1471 = vector.broadcast %mul3A_1470 : i32 to vector<16xi32>
        %mul3A_1472 = arith.muli %mul3A_1471, %shift_right_arithmetic3A_1469 : vector<16xi32>
        %add3A_1473 = arith.addi %add3A_1463, %mul3A_1472 : vector<16xi32>
        %swap3A_1474 = arith.constant 1 : i32
        %swap3A_1475 = arith.index_cast %swap3A_1474 : i32 to index
        %swap3A_1476 = arith.constant 16 : index
        %swap3A_1477 = tpu.vector_load %arg6[%swap3A_1475, %swap3A_1476] {strides = array<i32>} : memref<4x128xi32, #tpu.memory_space<vmem>>, vector<1x16xi32>,
        %swap3A_1478 = vector.shape_cast %swap3A_1477 : vector<1x16xi32> to vector<16xi32>
        %swap3A_1479 = vector.shape_cast %add3A_1473 : vector<16xi32> to vector<1x16xi32>
        tpu.vector_store %arg6[%swap3A_1475, %swap3A_1476], %swap3A_1479 {strides = array<i32>} : memref<4x128xi32, #tpu.memory_space<vmem>>, vector<1x16xi32>,
        %get3A_1480 = arith.constant 160 : index
        %get3A_1481 = tpu.vector_load %arg5[%get3A_1480] {strides = array<i32>} : memref<1536xi32, #tpu.memory_space<vmem>>, vector<16xi32>,
        %get3A_1482 = vector.shape_cast %get3A_1481 : vector<16xi32> to vector<16xi32>
        %get3A_1483 = arith.constant 672 : index
        %get3A_1484 = tpu.vector_load %arg5[%get3A_1483] {strides = array<i32>} : memref<1536xi32, #tpu.memory_space<vmem>>, vector<16xi32>,
        %get3A_1485 = vector.shape_cast %get3A_1484 : vector<16xi32> to vector<16xi32>
        %get3A_1486 = arith.constant 1184 : index
        %get3A_1487 = tpu.vector_load %arg5[%get3A_1486] {strides = array<i32>} : memref<1536xi32, #tpu.memory_space<vmem>>, vector<16xi32>,
        %get3A_1488 = vector.shape_cast %get3A_1487 : vector<16xi32> to vector<16xi32>
        %mul3A_1489 = arith.constant 2 : i32
        %mul3A_1490 = vector.broadcast %mul3A_1489 : i32 to vector<16xi32>
        %mul3A_1491 = arith.muli %mul3A_1490, %get3A_1482 : vector<16xi32>
        %add3A_1492 = arith.addi %get3A_1485, %mul3A_1491 : vector<16xi32>
        %add3A_1493 = arith.constant 1 : i32
        %add3A_1494 = vector.broadcast %add3A_1493 : i32 to vector<16xi32>
        %add3A_1495 = arith.addi %get3A_1488, %add3A_1494 : vector<16xi32>
        %shift_right_arithmetic3A_1496 = arith.constant 1 : i32
        %shift_right_arithmetic3A_1497 = vector.broadcast %shift_right_arithmetic3A_1496 : i32 to vector<16xi32>
        %shift_right_arithmetic3A_1498 = arith.shrsi %add3A_1495, %shift_right_arithmetic3A_1497 : vector<16xi32>
        %mul3A_1499 = arith.constant 4 : i32
        %mul3A_1500 = vector.broadcast %mul3A_1499 : i32 to vector<16xi32>
        %mul3A_1501 = arith.muli %mul3A_1500, %shift_right_arithmetic3A_1498 : vector<16xi32>
        %add3A_1502 = arith.addi %add3A_1492, %mul3A_1501 : vector<16xi32>
        %swap3A_1503 = arith.constant 1 : i32
        %swap3A_1504 = arith.index_cast %swap3A_1503 : i32 to index
        %swap3A_1505 = arith.constant 32 : index
        %swap3A_1506 = tpu.vector_load %arg6[%swap3A_1504, %swap3A_1505] {strides = array<i32>} : memref<4x128xi32, #tpu.memory_space<vmem>>, vector<1x16xi32>,
        %swap3A_1507 = vector.shape_cast %swap3A_1506 : vector<1x16xi32> to vector<16xi32>
        %swap3A_1508 = vector.shape_cast %add3A_1502 : vector<16xi32> to vector<1x16xi32>
        tpu.vector_store %arg6[%swap3A_1504, %swap3A_1505], %swap3A_1508 {strides = array<i32>} : memref<4x128xi32, #tpu.memory_space<vmem>>, vector<1x16xi32>,
        %get3A_1509 = arith.constant 176 : index
        %get3A_1510 = tpu.vector_load %arg5[%get3A_1509] {strides = array<i32>} : memref<1536xi32, #tpu.memory_space<vmem>>, vector<16xi32>,
        %get3A_1511 = vector.shape_cast %get3A_1510 : vector<16xi32> to vector<16xi32>
        %get3A_1512 = arith.constant 688 : index
        %get3A_1513 = tpu.vector_load %arg5[%get3A_1512] {strides = array<i32>} : memref<1536xi32, #tpu.memory_space<vmem>>, vector<16xi32>,
        %get3A_1514 = vector.shape_cast %get3A_1513 : vector<16xi32> to vector<16xi32>
        %get3A_1515 = arith.constant 1200 : index
        %get3A_1516 = tpu.vector_load %arg5[%get3A_1515] {strides = array<i32>} : memref<1536xi32, #tpu.memory_space<vmem>>, vector<16xi32>,
        %get3A_1517 = vector.shape_cast %get3A_1516 : vector<16xi32> to vector<16xi32>
        %mul3A_1518 = arith.constant 2 : i32
        %mul3A_1519 = vector.broadcast %mul3A_1518 : i32 to vector<16xi32>
        %mul3A_1520 = arith.muli %mul3A_1519, %get3A_1511 : vector<16xi32>
        %add3A_1521 = arith.addi %get3A_1514, %mul3A_1520 : vector<16xi32>
        %add3A_1522 = arith.constant 1 : i32
        %add3A_1523 = vector.broadcast %add3A_1522 : i32 to vector<16xi32>
        %add3A_1524 = arith.addi %get3A_1517, %add3A_1523 : vector<16xi32>
        %shift_right_arithmetic3A_1525 = arith.constant 1 : i32
        %shift_right_arithmetic3A_1526 = vector.broadcast %shift_right_arithmetic3A_1525 : i32 to vector<16xi32>
        %shift_right_arithmetic3A_1527 = arith.shrsi %add3A_1524, %shift_right_arithmetic3A_1526 : vector<16xi32>
        %mul3A_1528 = arith.constant 4 : i32
        %mul3A_1529 = vector.broadcast %mul3A_1528 : i32 to vector<16xi32>
        %mul3A_1530 = arith.muli %mul3A_1529, %shift_right_arithmetic3A_1527 : vector<16xi32>
        %add3A_1531 = arith.addi %add3A_1521, %mul3A_1530 : vector<16xi32>
        %swap3A_1532 = arith.constant 1 : i32
        %swap3A_1533 = arith.index_cast %swap3A_1532 : i32 to index
        %swap3A_1534 = arith.constant 48 : index
        %swap3A_1535 = tpu.vector_load %arg6[%swap3A_1533, %swap3A_1534] {strides = array<i32>} : memref<4x128xi32, #tpu.memory_space<vmem>>, vector<1x16xi32>,
        %swap3A_1536 = vector.shape_cast %swap3A_1535 : vector<1x16xi32> to vector<16xi32>
        %swap3A_1537 = vector.shape_cast %add3A_1531 : vector<16xi32> to vector<1x16xi32>
        tpu.vector_store %arg6[%swap3A_1533, %swap3A_1534], %swap3A_1537 {strides = array<i32>} : memref<4x128xi32, #tpu.memory_space<vmem>>, vector<1x16xi32>,
        %get3A_1538 = arith.constant 192 : index
        %get3A_1539 = tpu.vector_load %arg5[%get3A_1538] {strides = array<i32>} : memref<1536xi32, #tpu.memory_space<vmem>>, vector<16xi32>,
        %get3A_1540 = vector.shape_cast %get3A_1539 : vector<16xi32> to vector<16xi32>
        %get3A_1541 = arith.constant 704 : index
        %get3A_1542 = tpu.vector_load %arg5[%get3A_1541] {strides = array<i32>} : memref<1536xi32, #tpu.memory_space<vmem>>, vector<16xi32>,
        %get3A_1543 = vector.shape_cast %get3A_1542 : vector<16xi32> to vector<16xi32>
        %get3A_1544 = arith.constant 1216 : index
        %get3A_1545 = tpu.vector_load %arg5[%get3A_1544] {strides = array<i32>} : memref<1536xi32, #tpu.memory_space<vmem>>, vector<16xi32>,
        %get3A_1546 = vector.shape_cast %get3A_1545 : vector<16xi32> to vector<16xi32>
        %mul3A_1547 = arith.constant 2 : i32
        %mul3A_1548 = vector.broadcast %mul3A_1547 : i32 to vector<16xi32>
        %mul3A_1549 = arith.muli %mul3A_1548, %get3A_1540 : vector<16xi32>
        %add3A_1550 = arith.addi %get3A_1543, %mul3A_1549 : vector<16xi32>
        %add3A_1551 = arith.constant 1 : i32
        %add3A_1552 = vector.broadcast %add3A_1551 : i32 to vector<16xi32>
        %add3A_1553 = arith.addi %get3A_1546, %add3A_1552 : vector<16xi32>
        %shift_right_arithmetic3A_1554 = arith.constant 1 : i32
        %shift_right_arithmetic3A_1555 = vector.broadcast %shift_right_arithmetic3A_1554 : i32 to vector<16xi32>
        %shift_right_arithmetic3A_1556 = arith.shrsi %add3A_1553, %shift_right_arithmetic3A_1555 : vector<16xi32>
        %mul3A_1557 = arith.constant 4 : i32
        %mul3A_1558 = vector.broadcast %mul3A_1557 : i32 to vector<16xi32>
        %mul3A_1559 = arith.muli %mul3A_1558, %shift_right_arithmetic3A_1556 : vector<16xi32>
        %add3A_1560 = arith.addi %add3A_1550, %mul3A_1559 : vector<16xi32>
        %swap3A_1561 = arith.constant 1 : i32
        %swap3A_1562 = arith.index_cast %swap3A_1561 : i32 to index
        %swap3A_1563 = arith.constant 64 : index
        %swap3A_1564 = tpu.vector_load %arg6[%swap3A_1562, %swap3A_1563] {strides = array<i32>} : memref<4x128xi32, #tpu.memory_space<vmem>>, vector<1x16xi32>,
        %swap3A_1565 = vector.shape_cast %swap3A_1564 : vector<1x16xi32> to vector<16xi32>
        %swap3A_1566 = vector.shape_cast %add3A_1560 : vector<16xi32> to vector<1x16xi32>
        tpu.vector_store %arg6[%swap3A_1562, %swap3A_1563], %swap3A_1566 {strides = array<i32>} : memref<4x128xi32, #tpu.memory_space<vmem>>, vector<1x16xi32>,
        %get3A_1567 = arith.constant 208 : index
        %get3A_1568 = tpu.vector_load %arg5[%get3A_1567] {strides = array<i32>} : memref<1536xi32, #tpu.memory_space<vmem>>, vector<16xi32>,
        %get3A_1569 = vector.shape_cast %get3A_1568 : vector<16xi32> to vector<16xi32>
        %get3A_1570 = arith.constant 720 : index
        %get3A_1571 = tpu.vector_load %arg5[%get3A_1570] {strides = array<i32>} : memref<1536xi32, #tpu.memory_space<vmem>>, vector<16xi32>,
        %get3A_1572 = vector.shape_cast %get3A_1571 : vector<16xi32> to vector<16xi32>
        %get3A_1573 = arith.constant 1232 : index
        %get3A_1574 = tpu.vector_load %arg5[%get3A_1573] {strides = array<i32>} : memref<1536xi32, #tpu.memory_space<vmem>>, vector<16xi32>,
        %get3A_1575 = vector.shape_cast %get3A_1574 : vector<16xi32> to vector<16xi32>
        %mul3A_1576 = arith.constant 2 : i32
        %mul3A_1577 = vector.broadcast %mul3A_1576 : i32 to vector<16xi32>
        %mul3A_1578 = arith.muli %mul3A_1577, %get3A_1569 : vector<16xi32>
        %add3A_1579 = arith.addi %get3A_1572, %mul3A_1578 : vector<16xi32>
        %add3A_1580 = arith.constant 1 : i32
        %add3A_1581 = vector.broadcast %add3A_1580 : i32 to vector<16xi32>
        %add3A_1582 = arith.addi %get3A_1575, %add3A_1581 : vector<16xi32>
        %shift_right_arithmetic3A_1583 = arith.constant 1 : i32
        %shift_right_arithmetic3A_1584 = vector.broadcast %shift_right_arithmetic3A_1583 : i32 to vector<16xi32>
        %shift_right_arithmetic3A_1585 = arith.shrsi %add3A_1582, %shift_right_arithmetic3A_1584 : vector<16xi32>
        %mul3A_1586 = arith.constant 4 : i32
        %mul3A_1587 = vector.broadcast %mul3A_1586 : i32 to vector<16xi32>
        %mul3A_1588 = arith.muli %mul3A_1587, %shift_right_arithmetic3A_1585 : vector<16xi32>
        %add3A_1589 = arith.addi %add3A_1579, %mul3A_1588 : vector<16xi32>
        %swap3A_1590 = arith.constant 1 : i32
        %swap3A_1591 = arith.index_cast %swap3A_1590 : i32 to index
        %swap3A_1592 = arith.constant 80 : index
        %swap3A_1593 = tpu.vector_load %arg6[%swap3A_1591, %swap3A_1592] {strides = array<i32>} : memref<4x128xi32, #tpu.memory_space<vmem>>, vector<1x16xi32>,
        %swap3A_1594 = vector.shape_cast %swap3A_1593 : vector<1x16xi32> to vector<16xi32>
        %swap3A_1595 = vector.shape_cast %add3A_1589 : vector<16xi32> to vector<1x16xi32>
        tpu.vector_store %arg6[%swap3A_1591, %swap3A_1592], %swap3A_1595 {strides = array<i32>} : memref<4x128xi32, #tpu.memory_space<vmem>>, vector<1x16xi32>,
        %get3A_1596 = arith.constant 224 : index
        %get3A_1597 = tpu.vector_load %arg5[%get3A_1596] {strides = array<i32>} : memref<1536xi32, #tpu.memory_space<vmem>>, vector<16xi32>,
        %get3A_1598 = vector.shape_cast %get3A_1597 : vector<16xi32> to vector<16xi32>
        %get3A_1599 = arith.constant 736 : index
        %get3A_1600 = tpu.vector_load %arg5[%get3A_1599] {strides = array<i32>} : memref<1536xi32, #tpu.memory_space<vmem>>, vector<16xi32>,
        %get3A_1601 = vector.shape_cast %get3A_1600 : vector<16xi32> to vector<16xi32>
        %get3A_1602 = arith.constant 1248 : index
        %get3A_1603 = tpu.vector_load %arg5[%get3A_1602] {strides = array<i32>} : memref<1536xi32, #tpu.memory_space<vmem>>, vector<16xi32>,
        %get3A_1604 = vector.shape_cast %get3A_1603 : vector<16xi32> to vector<16xi32>
        %mul3A_1605 = arith.constant 2 : i32
        %mul3A_1606 = vector.broadcast %mul3A_1605 : i32 to vector<16xi32>
        %mul3A_1607 = arith.muli %mul3A_1606, %get3A_1598 : vector<16xi32>
        %add3A_1608 = arith.addi %get3A_1601, %mul3A_1607 : vector<16xi32>
        %add3A_1609 = arith.constant 1 : i32
        %add3A_1610 = vector.broadcast %add3A_1609 : i32 to vector<16xi32>
        %add3A_1611 = arith.addi %get3A_1604, %add3A_1610 : vector<16xi32>
        %shift_right_arithmetic3A_1612 = arith.constant 1 : i32
        %shift_right_arithmetic3A_1613 = vector.broadcast %shift_right_arithmetic3A_1612 : i32 to vector<16xi32>
        %shift_right_arithmetic3A_1614 = arith.shrsi %add3A_1611, %shift_right_arithmetic3A_1613 : vector<16xi32>
        %mul3A_1615 = arith.constant 4 : i32
        %mul3A_1616 = vector.broadcast %mul3A_1615 : i32 to vector<16xi32>
        %mul3A_1617 = arith.muli %mul3A_1616, %shift_right_arithmetic3A_1614 : vector<16xi32>
        %add3A_1618 = arith.addi %add3A_1608, %mul3A_1617 : vector<16xi32>
        %swap3A_1619 = arith.constant 1 : i32
        %swap3A_1620 = arith.index_cast %swap3A_1619 : i32 to index
        %swap3A_1621 = arith.constant 96 : index
        %swap3A_1622 = tpu.vector_load %arg6[%swap3A_1620, %swap3A_1621] {strides = array<i32>} : memref<4x128xi32, #tpu.memory_space<vmem>>, vector<1x16xi32>,
        %swap3A_1623 = vector.shape_cast %swap3A_1622 : vector<1x16xi32> to vector<16xi32>
        %swap3A_1624 = vector.shape_cast %add3A_1618 : vector<16xi32> to vector<1x16xi32>
        tpu.vector_store %arg6[%swap3A_1620, %swap3A_1621], %swap3A_1624 {strides = array<i32>} : memref<4x128xi32, #tpu.memory_space<vmem>>, vector<1x16xi32>,
        %get3A_1625 = arith.constant 240 : index
        %get3A_1626 = tpu.vector_load %arg5[%get3A_1625] {strides = array<i32>} : memref<1536xi32, #tpu.memory_space<vmem>>, vector<16xi32>,
        %get3A_1627 = vector.shape_cast %get3A_1626 : vector<16xi32> to vector<16xi32>
        %get3A_1628 = arith.constant 752 : index
        %get3A_1629 = tpu.vector_load %arg5[%get3A_1628] {strides = array<i32>} : memref<1536xi32, #tpu.memory_space<vmem>>, vector<16xi32>,
        %get3A_1630 = vector.shape_cast %get3A_1629 : vector<16xi32> to vector<16xi32>
        %get3A_1631 = arith.constant 1264 : index
        %get3A_1632 = tpu.vector_load %arg5[%get3A_1631] {strides = array<i32>} : memref<1536xi32, #tpu.memory_space<vmem>>, vector<16xi32>,
        %get3A_1633 = vector.shape_cast %get3A_1632 : vector<16xi32> to vector<16xi32>
        %mul3A_1634 = arith.constant 2 : i32
        %mul3A_1635 = vector.broadcast %mul3A_1634 : i32 to vector<16xi32>
        %mul3A_1636 = arith.muli %mul3A_1635, %get3A_1627 : vector<16xi32>
        %add3A_1637 = arith.addi %get3A_1630, %mul3A_1636 : vector<16xi32>
        %add3A_1638 = arith.constant 1 : i32
        %add3A_1639 = vector.broadcast %add3A_1638 : i32 to vector<16xi32>
        %add3A_1640 = arith.addi %get3A_1633, %add3A_1639 : vector<16xi32>
        %shift_right_arithmetic3A_1641 = arith.constant 1 : i32
        %shift_right_arithmetic3A_1642 = vector.broadcast %shift_right_arithmetic3A_1641 : i32 to vector<16xi32>
        %shift_right_arithmetic3A_1643 = arith.shrsi %add3A_1640, %shift_right_arithmetic3A_1642 : vector<16xi32>
        %mul3A_1644 = arith.constant 4 : i32
        %mul3A_1645 = vector.broadcast %mul3A_1644 : i32 to vector<16xi32>
        %mul3A_1646 = arith.muli %mul3A_1645, %shift_right_arithmetic3A_1643 : vector<16xi32>
        %add3A_1647 = arith.addi %add3A_1637, %mul3A_1646 : vector<16xi32>
        %swap3A_1648 = arith.constant 1 : i32
        %swap3A_1649 = arith.index_cast %swap3A_1648 : i32 to index
        %swap3A_1650 = arith.constant 112 : index
        %swap3A_1651 = tpu.vector_load %arg6[%swap3A_1649, %swap3A_1650] {strides = array<i32>} : memref<4x128xi32, #tpu.memory_space<vmem>>, vector<1x16xi32>,
        %swap3A_1652 = vector.shape_cast %swap3A_1651 : vector<1x16xi32> to vector<16xi32>
        %swap3A_1653 = vector.shape_cast %add3A_1647 : vector<16xi32> to vector<1x16xi32>
        tpu.vector_store %arg6[%swap3A_1649, %swap3A_1650], %swap3A_1653 {strides = array<i32>} : memref<4x128xi32, #tpu.memory_space<vmem>>, vector<1x16xi32>,
        %get3A_1654 = arith.constant 256 : index
        %get3A_1655 = tpu.vector_load %arg5[%get3A_1654] {strides = array<i32>} : memref<1536xi32, #tpu.memory_space<vmem>>, vector<16xi32>,
        %get3A_1656 = vector.shape_cast %get3A_1655 : vector<16xi32> to vector<16xi32>
        %get3A_1657 = arith.constant 768 : index
        %get3A_1658 = tpu.vector_load %arg5[%get3A_1657] {strides = array<i32>} : memref<1536xi32, #tpu.memory_space<vmem>>, vector<16xi32>,
        %get3A_1659 = vector.shape_cast %get3A_1658 : vector<16xi32> to vector<16xi32>
        %get3A_1660 = arith.constant 1280 : index
        %get3A_1661 = tpu.vector_load %arg5[%get3A_1660] {strides = array<i32>} : memref<1536xi32, #tpu.memory_space<vmem>>, vector<16xi32>,
        %get3A_1662 = vector.shape_cast %get3A_1661 : vector<16xi32> to vector<16xi32>
        %mul3A_1663 = arith.constant 2 : i32
        %mul3A_1664 = vector.broadcast %mul3A_1663 : i32 to vector<16xi32>
        %mul3A_1665 = arith.muli %mul3A_1664, %get3A_1656 : vector<16xi32>
        %add3A_1666 = arith.addi %get3A_1659, %mul3A_1665 : vector<16xi32>
        %add3A_1667 = arith.constant 1 : i32
        %add3A_1668 = vector.broadcast %add3A_1667 : i32 to vector<16xi32>
        %add3A_1669 = arith.addi %get3A_1662, %add3A_1668 : vector<16xi32>
        %shift_right_arithmetic3A_1670 = arith.constant 1 : i32
        %shift_right_arithmetic3A_1671 = vector.broadcast %shift_right_arithmetic3A_1670 : i32 to vector<16xi32>
        %shift_right_arithmetic3A_1672 = arith.shrsi %add3A_1669, %shift_right_arithmetic3A_1671 : vector<16xi32>
        %mul3A_1673 = arith.constant 4 : i32
        %mul3A_1674 = vector.broadcast %mul3A_1673 : i32 to vector<16xi32>
        %mul3A_1675 = arith.muli %mul3A_1674, %shift_right_arithmetic3A_1672 : vector<16xi32>
        %add3A_1676 = arith.addi %add3A_1666, %mul3A_1675 : vector<16xi32>
        %swap3A_1677 = arith.constant 2 : i32
        %swap3A_1678 = arith.index_cast %swap3A_1677 : i32 to index
        %swap3A_1679 = arith.constant 0 : index
        %swap3A_1680 = tpu.vector_load %arg6[%swap3A_1678, %swap3A_1679] {strides = array<i32>} : memref<4x128xi32, #tpu.memory_space<vmem>>, vector<1x16xi32>,
        %swap3A_1681 = vector.shape_cast %swap3A_1680 : vector<1x16xi32> to vector<16xi32>
        %swap3A_1682 = vector.shape_cast %add3A_1676 : vector<16xi32> to vector<1x16xi32>
        tpu.vector_store %arg6[%swap3A_1678, %swap3A_1679], %swap3A_1682 {strides = array<i32>} : memref<4x128xi32, #tpu.memory_space<vmem>>, vector<1x16xi32>,
        %get3A_1683 = arith.constant 272 : index
        %get3A_1684 = tpu.vector_load %arg5[%get3A_1683] {strides = array<i32>} : memref<1536xi32, #tpu.memory_space<vmem>>, vector<16xi32>,
        %get3A_1685 = vector.shape_cast %get3A_1684 : vector<16xi32> to vector<16xi32>
        %get3A_1686 = arith.constant 784 : index
        %get3A_1687 = tpu.vector_load %arg5[%get3A_1686] {strides = array<i32>} : memref<1536xi32, #tpu.memory_space<vmem>>, vector<16xi32>,
        %get3A_1688 = vector.shape_cast %get3A_1687 : vector<16xi32> to vector<16xi32>
        %get3A_1689 = arith.constant 1296 : index
        %get3A_1690 = tpu.vector_load %arg5[%get3A_1689] {strides = array<i32>} : memref<1536xi32, #tpu.memory_space<vmem>>, vector<16xi32>,
        %get3A_1691 = vector.shape_cast %get3A_1690 : vector<16xi32> to vector<16xi32>
        %mul3A_1692 = arith.constant 2 : i32
        %mul3A_1693 = vector.broadcast %mul3A_1692 : i32 to vector<16xi32>
        %mul3A_1694 = arith.muli %mul3A_1693, %get3A_1685 : vector<16xi32>
        %add3A_1695 = arith.addi %get3A_1688, %mul3A_1694 : vector<16xi32>
        %add3A_1696 = arith.constant 1 : i32
        %add3A_1697 = vector.broadcast %add3A_1696 : i32 to vector<16xi32>
        %add3A_1698 = arith.addi %get3A_1691, %add3A_1697 : vector<16xi32>
        %shift_right_arithmetic3A_1699 = arith.constant 1 : i32
        %shift_right_arithmetic3A_1700 = vector.broadcast %shift_right_arithmetic3A_1699 : i32 to vector<16xi32>
        %shift_right_arithmetic3A_1701 = arith.shrsi %add3A_1698, %shift_right_arithmetic3A_1700 : vector<16xi32>
        %mul3A_1702 = arith.constant 4 : i32
        %mul3A_1703 = vector.broadcast %mul3A_1702 : i32 to vector<16xi32>
        %mul3A_1704 = arith.muli %mul3A_1703, %shift_right_arithmetic3A_1701 : vector<16xi32>
        %add3A_1705 = arith.addi %add3A_1695, %mul3A_1704 : vector<16xi32>
        %swap3A_1706 = arith.constant 2 : i32
        %swap3A_1707 = arith.index_cast %swap3A_1706 : i32 to index
        %swap3A_1708 = arith.constant 16 : index
        %swap3A_1709 = tpu.vector_load %arg6[%swap3A_1707, %swap3A_1708] {strides = array<i32>} : memref<4x128xi32, #tpu.memory_space<vmem>>, vector<1x16xi32>,
        %swap3A_1710 = vector.shape_cast %swap3A_1709 : vector<1x16xi32> to vector<16xi32>
        %swap3A_1711 = vector.shape_cast %add3A_1705 : vector<16xi32> to vector<1x16xi32>
        tpu.vector_store %arg6[%swap3A_1707, %swap3A_1708], %swap3A_1711 {strides = array<i32>} : memref<4x128xi32, #tpu.memory_space<vmem>>, vector<1x16xi32>,
        %get3A_1712 = arith.constant 288 : index
        %get3A_1713 = tpu.vector_load %arg5[%get3A_1712] {strides = array<i32>} : memref<1536xi32, #tpu.memory_space<vmem>>, vector<16xi32>,
        %get3A_1714 = vector.shape_cast %get3A_1713 : vector<16xi32> to vector<16xi32>
        %get3A_1715 = arith.constant 800 : index
        %get3A_1716 = tpu.vector_load %arg5[%get3A_1715] {strides = array<i32>} : memref<1536xi32, #tpu.memory_space<vmem>>, vector<16xi32>,
        %get3A_1717 = vector.shape_cast %get3A_1716 : vector<16xi32> to vector<16xi32>
        %get3A_1718 = arith.constant 1312 : index
        %get3A_1719 = tpu.vector_load %arg5[%get3A_1718] {strides = array<i32>} : memref<1536xi32, #tpu.memory_space<vmem>>, vector<16xi32>,
        %get3A_1720 = vector.shape_cast %get3A_1719 : vector<16xi32> to vector<16xi32>
        %mul3A_1721 = arith.constant 2 : i32
        %mul3A_1722 = vector.broadcast %mul3A_1721 : i32 to vector<16xi32>
        %mul3A_1723 = arith.muli %mul3A_1722, %get3A_1714 : vector<16xi32>
        %add3A_1724 = arith.addi %get3A_1717, %mul3A_1723 : vector<16xi32>
        %add3A_1725 = arith.constant 1 : i32
        %add3A_1726 = vector.broadcast %add3A_1725 : i32 to vector<16xi32>
        %add3A_1727 = arith.addi %get3A_1720, %add3A_1726 : vector<16xi32>
        %shift_right_arithmetic3A_1728 = arith.constant 1 : i32
        %shift_right_arithmetic3A_1729 = vector.broadcast %shift_right_arithmetic3A_1728 : i32 to vector<16xi32>
        %shift_right_arithmetic3A_1730 = arith.shrsi %add3A_1727, %shift_right_arithmetic3A_1729 : vector<16xi32>
        %mul3A_1731 = arith.constant 4 : i32
        %mul3A_1732 = vector.broadcast %mul3A_1731 : i32 to vector<16xi32>
        %mul3A_1733 = arith.muli %mul3A_1732, %shift_right_arithmetic3A_1730 : vector<16xi32>
        %add3A_1734 = arith.addi %add3A_1724, %mul3A_1733 : vector<16xi32>
        %swap3A_1735 = arith.constant 2 : i32
        %swap3A_1736 = arith.index_cast %swap3A_1735 : i32 to index
        %swap3A_1737 = arith.constant 32 : index
        %swap3A_1738 = tpu.vector_load %arg6[%swap3A_1736, %swap3A_1737] {strides = array<i32>} : memref<4x128xi32, #tpu.memory_space<vmem>>, vector<1x16xi32>,
        %swap3A_1739 = vector.shape_cast %swap3A_1738 : vector<1x16xi32> to vector<16xi32>
        %swap3A_1740 = vector.shape_cast %add3A_1734 : vector<16xi32> to vector<1x16xi32>
        tpu.vector_store %arg6[%swap3A_1736, %swap3A_1737], %swap3A_1740 {strides = array<i32>} : memref<4x128xi32, #tpu.memory_space<vmem>>, vector<1x16xi32>,
        %get3A_1741 = arith.constant 304 : index
        %get3A_1742 = tpu.vector_load %arg5[%get3A_1741] {strides = array<i32>} : memref<1536xi32, #tpu.memory_space<vmem>>, vector<16xi32>,
        %get3A_1743 = vector.shape_cast %get3A_1742 : vector<16xi32> to vector<16xi32>
        %get3A_1744 = arith.constant 816 : index
        %get3A_1745 = tpu.vector_load %arg5[%get3A_1744] {strides = array<i32>} : memref<1536xi32, #tpu.memory_space<vmem>>, vector<16xi32>,
        %get3A_1746 = vector.shape_cast %get3A_1745 : vector<16xi32> to vector<16xi32>
        %get3A_1747 = arith.constant 1328 : index
        %get3A_1748 = tpu.vector_load %arg5[%get3A_1747] {strides = array<i32>} : memref<1536xi32, #tpu.memory_space<vmem>>, vector<16xi32>,
        %get3A_1749 = vector.shape_cast %get3A_1748 : vector<16xi32> to vector<16xi32>
        %mul3A_1750 = arith.constant 2 : i32
        %mul3A_1751 = vector.broadcast %mul3A_1750 : i32 to vector<16xi32>
        %mul3A_1752 = arith.muli %mul3A_1751, %get3A_1743 : vector<16xi32>
        %add3A_1753 = arith.addi %get3A_1746, %mul3A_1752 : vector<16xi32>
        %add3A_1754 = arith.constant 1 : i32
        %add3A_1755 = vector.broadcast %add3A_1754 : i32 to vector<16xi32>
        %add3A_1756 = arith.addi %get3A_1749, %add3A_1755 : vector<16xi32>
        %shift_right_arithmetic3A_1757 = arith.constant 1 : i32
        %shift_right_arithmetic3A_1758 = vector.broadcast %shift_right_arithmetic3A_1757 : i32 to vector<16xi32>
        %shift_right_arithmetic3A_1759 = arith.shrsi %add3A_1756, %shift_right_arithmetic3A_1758 : vector<16xi32>
        %mul3A_1760 = arith.constant 4 : i32
        %mul3A_1761 = vector.broadcast %mul3A_1760 : i32 to vector<16xi32>
        %mul3A_1762 = arith.muli %mul3A_1761, %shift_right_arithmetic3A_1759 : vector<16xi32>
        %add3A_1763 = arith.addi %add3A_1753, %mul3A_1762 : vector<16xi32>
        %swap3A_1764 = arith.constant 2 : i32
        %swap3A_1765 = arith.index_cast %swap3A_1764 : i32 to index
        %swap3A_1766 = arith.constant 48 : index
        %swap3A_1767 = tpu.vector_load %arg6[%swap3A_1765, %swap3A_1766] {strides = array<i32>} : memref<4x128xi32, #tpu.memory_space<vmem>>, vector<1x16xi32>,
        %swap3A_1768 = vector.shape_cast %swap3A_1767 : vector<1x16xi32> to vector<16xi32>
        %swap3A_1769 = vector.shape_cast %add3A_1763 : vector<16xi32> to vector<1x16xi32>
        tpu.vector_store %arg6[%swap3A_1765, %swap3A_1766], %swap3A_1769 {strides = array<i32>} : memref<4x128xi32, #tpu.memory_space<vmem>>, vector<1x16xi32>,
        %get3A_1770 = arith.constant 320 : index
        %get3A_1771 = tpu.vector_load %arg5[%get3A_1770] {strides = array<i32>} : memref<1536xi32, #tpu.memory_space<vmem>>, vector<16xi32>,
        %get3A_1772 = vector.shape_cast %get3A_1771 : vector<16xi32> to vector<16xi32>
        %get3A_1773 = arith.constant 832 : index
        %get3A_1774 = tpu.vector_load %arg5[%get3A_1773] {strides = array<i32>} : memref<1536xi32, #tpu.memory_space<vmem>>, vector<16xi32>,
        %get3A_1775 = vector.shape_cast %get3A_1774 : vector<16xi32> to vector<16xi32>
        %get3A_1776 = arith.constant 1344 : index
        %get3A_1777 = tpu.vector_load %arg5[%get3A_1776] {strides = array<i32>} : memref<1536xi32, #tpu.memory_space<vmem>>, vector<16xi32>,
        %get3A_1778 = vector.shape_cast %get3A_1777 : vector<16xi32> to vector<16xi32>
        %mul3A_1779 = arith.constant 2 : i32
        %mul3A_1780 = vector.broadcast %mul3A_1779 : i32 to vector<16xi32>
        %mul3A_1781 = arith.muli %mul3A_1780, %get3A_1772 : vector<16xi32>
        %add3A_1782 = arith.addi %get3A_1775, %mul3A_1781 : vector<16xi32>
        %add3A_1783 = arith.constant 1 : i32
        %add3A_1784 = vector.broadcast %add3A_1783 : i32 to vector<16xi32>
        %add3A_1785 = arith.addi %get3A_1778, %add3A_1784 : vector<16xi32>
        %shift_right_arithmetic3A_1786 = arith.constant 1 : i32
        %shift_right_arithmetic3A_1787 = vector.broadcast %shift_right_arithmetic3A_1786 : i32 to vector<16xi32>
        %shift_right_arithmetic3A_1788 = arith.shrsi %add3A_1785, %shift_right_arithmetic3A_1787 : vector<16xi32>
        %mul3A_1789 = arith.constant 4 : i32
        %mul3A_1790 = vector.broadcast %mul3A_1789 : i32 to vector<16xi32>
        %mul3A_1791 = arith.muli %mul3A_1790, %shift_right_arithmetic3A_1788 : vector<16xi32>
        %add3A_1792 = arith.addi %add3A_1782, %mul3A_1791 : vector<16xi32>
        %swap3A_1793 = arith.constant 2 : i32
        %swap3A_1794 = arith.index_cast %swap3A_1793 : i32 to index
        %swap3A_1795 = arith.constant 64 : index
        %swap3A_1796 = tpu.vector_load %arg6[%swap3A_1794, %swap3A_1795] {strides = array<i32>} : memref<4x128xi32, #tpu.memory_space<vmem>>, vector<1x16xi32>,
        %swap3A_1797 = vector.shape_cast %swap3A_1796 : vector<1x16xi32> to vector<16xi32>
        %swap3A_1798 = vector.shape_cast %add3A_1792 : vector<16xi32> to vector<1x16xi32>
        tpu.vector_store %arg6[%swap3A_1794, %swap3A_1795], %swap3A_1798 {strides = array<i32>} : memref<4x128xi32, #tpu.memory_space<vmem>>, vector<1x16xi32>,
        %get3A_1799 = arith.constant 336 : index
        %get3A_1800 = tpu.vector_load %arg5[%get3A_1799] {strides = array<i32>} : memref<1536xi32, #tpu.memory_space<vmem>>, vector<16xi32>,
        %get3A_1801 = vector.shape_cast %get3A_1800 : vector<16xi32> to vector<16xi32>
        %get3A_1802 = arith.constant 848 : index
        %get3A_1803 = tpu.vector_load %arg5[%get3A_1802] {strides = array<i32>} : memref<1536xi32, #tpu.memory_space<vmem>>, vector<16xi32>,
        %get3A_1804 = vector.shape_cast %get3A_1803 : vector<16xi32> to vector<16xi32>
        %get3A_1805 = arith.constant 1360 : index
        %get3A_1806 = tpu.vector_load %arg5[%get3A_1805] {strides = array<i32>} : memref<1536xi32, #tpu.memory_space<vmem>>, vector<16xi32>,
        %get3A_1807 = vector.shape_cast %get3A_1806 : vector<16xi32> to vector<16xi32>
        %mul3A_1808 = arith.constant 2 : i32
        %mul3A_1809 = vector.broadcast %mul3A_1808 : i32 to vector<16xi32>
        %mul3A_1810 = arith.muli %mul3A_1809, %get3A_1801 : vector<16xi32>
        %add3A_1811 = arith.addi %get3A_1804, %mul3A_1810 : vector<16xi32>
        %add3A_1812 = arith.constant 1 : i32
        %add3A_1813 = vector.broadcast %add3A_1812 : i32 to vector<16xi32>
        %add3A_1814 = arith.addi %get3A_1807, %add3A_1813 : vector<16xi32>
        %shift_right_arithmetic3A_1815 = arith.constant 1 : i32
        %shift_right_arithmetic3A_1816 = vector.broadcast %shift_right_arithmetic3A_1815 : i32 to vector<16xi32>
        %shift_right_arithmetic3A_1817 = arith.shrsi %add3A_1814, %shift_right_arithmetic3A_1816 : vector<16xi32>
        %mul3A_1818 = arith.constant 4 : i32
        %mul3A_1819 = vector.broadcast %mul3A_1818 : i32 to vector<16xi32>
        %mul3A_1820 = arith.muli %mul3A_1819, %shift_right_arithmetic3A_1817 : vector<16xi32>
        %add3A_1821 = arith.addi %add3A_1811, %mul3A_1820 : vector<16xi32>
        %swap3A_1822 = arith.constant 2 : i32
        %swap3A_1823 = arith.index_cast %swap3A_1822 : i32 to index
        %swap3A_1824 = arith.constant 80 : index
        %swap3A_1825 = tpu.vector_load %arg6[%swap3A_1823, %swap3A_1824] {strides = array<i32>} : memref<4x128xi32, #tpu.memory_space<vmem>>, vector<1x16xi32>,
        %swap3A_1826 = vector.shape_cast %swap3A_1825 : vector<1x16xi32> to vector<16xi32>
        %swap3A_1827 = vector.shape_cast %add3A_1821 : vector<16xi32> to vector<1x16xi32>
        tpu.vector_store %arg6[%swap3A_1823, %swap3A_1824], %swap3A_1827 {strides = array<i32>} : memref<4x128xi32, #tpu.memory_space<vmem>>, vector<1x16xi32>,
        %get3A_1828 = arith.constant 352 : index
        %get3A_1829 = tpu.vector_load %arg5[%get3A_1828] {strides = array<i32>} : memref<1536xi32, #tpu.memory_space<vmem>>, vector<16xi32>,
        %get3A_1830 = vector.shape_cast %get3A_1829 : vector<16xi32> to vector<16xi32>
        %get3A_1831 = arith.constant 864 : index
        %get3A_1832 = tpu.vector_load %arg5[%get3A_1831] {strides = array<i32>} : memref<1536xi32, #tpu.memory_space<vmem>>, vector<16xi32>,
        %get3A_1833 = vector.shape_cast %get3A_1832 : vector<16xi32> to vector<16xi32>
        %get3A_1834 = arith.constant 1376 : index
        %get3A_1835 = tpu.vector_load %arg5[%get3A_1834] {strides = array<i32>} : memref<1536xi32, #tpu.memory_space<vmem>>, vector<16xi32>,
        %get3A_1836 = vector.shape_cast %get3A_1835 : vector<16xi32> to vector<16xi32>
        %mul3A_1837 = arith.constant 2 : i32
        %mul3A_1838 = vector.broadcast %mul3A_1837 : i32 to vector<16xi32>
        %mul3A_1839 = arith.muli %mul3A_1838, %get3A_1830 : vector<16xi32>
        %add3A_1840 = arith.addi %get3A_1833, %mul3A_1839 : vector<16xi32>
        %add3A_1841 = arith.constant 1 : i32
        %add3A_1842 = vector.broadcast %add3A_1841 : i32 to vector<16xi32>
        %add3A_1843 = arith.addi %get3A_1836, %add3A_1842 : vector<16xi32>
        %shift_right_arithmetic3A_1844 = arith.constant 1 : i32
        %shift_right_arithmetic3A_1845 = vector.broadcast %shift_right_arithmetic3A_1844 : i32 to vector<16xi32>
        %shift_right_arithmetic3A_1846 = arith.shrsi %add3A_1843, %shift_right_arithmetic3A_1845 : vector<16xi32>
        %mul3A_1847 = arith.constant 4 : i32
        %mul3A_1848 = vector.broadcast %mul3A_1847 : i32 to vector<16xi32>
        %mul3A_1849 = arith.muli %mul3A_1848, %shift_right_arithmetic3A_1846 : vector<16xi32>
        %add3A_1850 = arith.addi %add3A_1840, %mul3A_1849 : vector<16xi32>
        %swap3A_1851 = arith.constant 2 : i32
        %swap3A_1852 = arith.index_cast %swap3A_1851 : i32 to index
        %swap3A_1853 = arith.constant 96 : index
        %swap3A_1854 = tpu.vector_load %arg6[%swap3A_1852, %swap3A_1853] {strides = array<i32>} : memref<4x128xi32, #tpu.memory_space<vmem>>, vector<1x16xi32>,
        %swap3A_1855 = vector.shape_cast %swap3A_1854 : vector<1x16xi32> to vector<16xi32>
        %swap3A_1856 = vector.shape_cast %add3A_1850 : vector<16xi32> to vector<1x16xi32>
        tpu.vector_store %arg6[%swap3A_1852, %swap3A_1853], %swap3A_1856 {strides = array<i32>} : memref<4x128xi32, #tpu.memory_space<vmem>>, vector<1x16xi32>,
        %get3A_1857 = arith.constant 368 : index
        %get3A_1858 = tpu.vector_load %arg5[%get3A_1857] {strides = array<i32>} : memref<1536xi32, #tpu.memory_space<vmem>>, vector<16xi32>,
        %get3A_1859 = vector.shape_cast %get3A_1858 : vector<16xi32> to vector<16xi32>
        %get3A_1860 = arith.constant 880 : index
        %get3A_1861 = tpu.vector_load %arg5[%get3A_1860] {strides = array<i32>} : memref<1536xi32, #tpu.memory_space<vmem>>, vector<16xi32>,
        %get3A_1862 = vector.shape_cast %get3A_1861 : vector<16xi32> to vector<16xi32>
        %get3A_1863 = arith.constant 1392 : index
        %get3A_1864 = tpu.vector_load %arg5[%get3A_1863] {strides = array<i32>} : memref<1536xi32, #tpu.memory_space<vmem>>, vector<16xi32>,
        %get3A_1865 = vector.shape_cast %get3A_1864 : vector<16xi32> to vector<16xi32>
        %mul3A_1866 = arith.constant 2 : i32
        %mul3A_1867 = vector.broadcast %mul3A_1866 : i32 to vector<16xi32>
        %mul3A_1868 = arith.muli %mul3A_1867, %get3A_1859 : vector<16xi32>
        %add3A_1869 = arith.addi %get3A_1862, %mul3A_1868 : vector<16xi32>
        %add3A_1870 = arith.constant 1 : i32
        %add3A_1871 = vector.broadcast %add3A_1870 : i32 to vector<16xi32>
        %add3A_1872 = arith.addi %get3A_1865, %add3A_1871 : vector<16xi32>
        %shift_right_arithmetic3A_1873 = arith.constant 1 : i32
        %shift_right_arithmetic3A_1874 = vector.broadcast %shift_right_arithmetic3A_1873 : i32 to vector<16xi32>
        %shift_right_arithmetic3A_1875 = arith.shrsi %add3A_1872, %shift_right_arithmetic3A_1874 : vector<16xi32>
        %mul3A_1876 = arith.constant 4 : i32
        %mul3A_1877 = vector.broadcast %mul3A_1876 : i32 to vector<16xi32>
        %mul3A_1878 = arith.muli %mul3A_1877, %shift_right_arithmetic3A_1875 : vector<16xi32>
        %add3A_1879 = arith.addi %add3A_1869, %mul3A_1878 : vector<16xi32>
        %swap3A_1880 = arith.constant 2 : i32
        %swap3A_1881 = arith.index_cast %swap3A_1880 : i32 to index
        %swap3A_1882 = arith.constant 112 : index
        %swap3A_1883 = tpu.vector_load %arg6[%swap3A_1881, %swap3A_1882] {strides = array<i32>} : memref<4x128xi32, #tpu.memory_space<vmem>>, vector<1x16xi32>,
        %swap3A_1884 = vector.shape_cast %swap3A_1883 : vector<1x16xi32> to vector<16xi32>
        %swap3A_1885 = vector.shape_cast %add3A_1879 : vector<16xi32> to vector<1x16xi32>
        tpu.vector_store %arg6[%swap3A_1881, %swap3A_1882], %swap3A_1885 {strides = array<i32>} : memref<4x128xi32, #tpu.memory_space<vmem>>, vector<1x16xi32>,
        %get3A_1886 = arith.constant 384 : index
        %get3A_1887 = tpu.vector_load %arg5[%get3A_1886] {strides = array<i32>} : memref<1536xi32, #tpu.memory_space<vmem>>, vector<16xi32>,
        %get3A_1888 = vector.shape_cast %get3A_1887 : vector<16xi32> to vector<16xi32>
        %get3A_1889 = arith.constant 896 : index
        %get3A_1890 = tpu.vector_load %arg5[%get3A_1889] {strides = array<i32>} : memref<1536xi32, #tpu.memory_space<vmem>>, vector<16xi32>,
        %get3A_1891 = vector.shape_cast %get3A_1890 : vector<16xi32> to vector<16xi32>
        %get3A_1892 = arith.constant 1408 : index
        %get3A_1893 = tpu.vector_load %arg5[%get3A_1892] {strides = array<i32>} : memref<1536xi32, #tpu.memory_space<vmem>>, vector<16xi32>,
        %get3A_1894 = vector.shape_cast %get3A_1893 : vector<16xi32> to vector<16xi32>
        %mul3A_1895 = arith.constant 2 : i32
        %mul3A_1896 = vector.broadcast %mul3A_1895 : i32 to vector<16xi32>
        %mul3A_1897 = arith.muli %mul3A_1896, %get3A_1888 : vector<16xi32>
        %add3A_1898 = arith.addi %get3A_1891, %mul3A_1897 : vector<16xi32>
        %add3A_1899 = arith.constant 1 : i32
        %add3A_1900 = vector.broadcast %add3A_1899 : i32 to vector<16xi32>
        %add3A_1901 = arith.addi %get3A_1894, %add3A_1900 : vector<16xi32>
        %shift_right_arithmetic3A_1902 = arith.constant 1 : i32
        %shift_right_arithmetic3A_1903 = vector.broadcast %shift_right_arithmetic3A_1902 : i32 to vector<16xi32>
        %shift_right_arithmetic3A_1904 = arith.shrsi %add3A_1901, %shift_right_arithmetic3A_1903 : vector<16xi32>
        %mul3A_1905 = arith.constant 4 : i32
        %mul3A_1906 = vector.broadcast %mul3A_1905 : i32 to vector<16xi32>
        %mul3A_1907 = arith.muli %mul3A_1906, %shift_right_arithmetic3A_1904 : vector<16xi32>
        %add3A_1908 = arith.addi %add3A_1898, %mul3A_1907 : vector<16xi32>
        %swap3A_1909 = arith.constant 3 : i32
        %swap3A_1910 = arith.index_cast %swap3A_1909 : i32 to index
        %swap3A_1911 = arith.constant 0 : index
        %swap3A_1912 = tpu.vector_load %arg6[%swap3A_1910, %swap3A_1911] {strides = array<i32>} : memref<4x128xi32, #tpu.memory_space<vmem>>, vector<1x16xi32>,
        %swap3A_1913 = vector.shape_cast %swap3A_1912 : vector<1x16xi32> to vector<16xi32>
        %swap3A_1914 = vector.shape_cast %add3A_1908 : vector<16xi32> to vector<1x16xi32>
        tpu.vector_store %arg6[%swap3A_1910, %swap3A_1911], %swap3A_1914 {strides = array<i32>} : memref<4x128xi32, #tpu.memory_space<vmem>>, vector<1x16xi32>,
        %get3A_1915 = arith.constant 400 : index
        %get3A_1916 = tpu.vector_load %arg5[%get3A_1915] {strides = array<i32>} : memref<1536xi32, #tpu.memory_space<vmem>>, vector<16xi32>,
        %get3A_1917 = vector.shape_cast %get3A_1916 : vector<16xi32> to vector<16xi32>
        %get3A_1918 = arith.constant 912 : index
        %get3A_1919 = tpu.vector_load %arg5[%get3A_1918] {strides = array<i32>} : memref<1536xi32, #tpu.memory_space<vmem>>, vector<16xi32>,
        %get3A_1920 = vector.shape_cast %get3A_1919 : vector<16xi32> to vector<16xi32>
        %get3A_1921 = arith.constant 1424 : index
        %get3A_1922 = tpu.vector_load %arg5[%get3A_1921] {strides = array<i32>} : memref<1536xi32, #tpu.memory_space<vmem>>, vector<16xi32>,
        %get3A_1923 = vector.shape_cast %get3A_1922 : vector<16xi32> to vector<16xi32>
        %mul3A_1924 = arith.constant 2 : i32
        %mul3A_1925 = vector.broadcast %mul3A_1924 : i32 to vector<16xi32>
        %mul3A_1926 = arith.muli %mul3A_1925, %get3A_1917 : vector<16xi32>
        %add3A_1927 = arith.addi %get3A_1920, %mul3A_1926 : vector<16xi32>
        %add3A_1928 = arith.constant 1 : i32
        %add3A_1929 = vector.broadcast %add3A_1928 : i32 to vector<16xi32>
        %add3A_1930 = arith.addi %get3A_1923, %add3A_1929 : vector<16xi32>
        %shift_right_arithmetic3A_1931 = arith.constant 1 : i32
        %shift_right_arithmetic3A_1932 = vector.broadcast %shift_right_arithmetic3A_1931 : i32 to vector<16xi32>
        %shift_right_arithmetic3A_1933 = arith.shrsi %add3A_1930, %shift_right_arithmetic3A_1932 : vector<16xi32>
        %mul3A_1934 = arith.constant 4 : i32
        %mul3A_1935 = vector.broadcast %mul3A_1934 : i32 to vector<16xi32>
        %mul3A_1936 = arith.muli %mul3A_1935, %shift_right_arithmetic3A_1933 : vector<16xi32>
        %add3A_1937 = arith.addi %add3A_1927, %mul3A_1936 : vector<16xi32>
        %swap3A_1938 = arith.constant 3 : i32
        %swap3A_1939 = arith.index_cast %swap3A_1938 : i32 to index
        %swap3A_1940 = arith.constant 16 : index
        %swap3A_1941 = tpu.vector_load %arg6[%swap3A_1939, %swap3A_1940] {strides = array<i32>} : memref<4x128xi32, #tpu.memory_space<vmem>>, vector<1x16xi32>,
        %swap3A_1942 = vector.shape_cast %swap3A_1941 : vector<1x16xi32> to vector<16xi32>
        %swap3A_1943 = vector.shape_cast %add3A_1937 : vector<16xi32> to vector<1x16xi32>
        tpu.vector_store %arg6[%swap3A_1939, %swap3A_1940], %swap3A_1943 {strides = array<i32>} : memref<4x128xi32, #tpu.memory_space<vmem>>, vector<1x16xi32>,
        %get3A_1944 = arith.constant 416 : index
        %get3A_1945 = tpu.vector_load %arg5[%get3A_1944] {strides = array<i32>} : memref<1536xi32, #tpu.memory_space<vmem>>, vector<16xi32>,
        %get3A_1946 = vector.shape_cast %get3A_1945 : vector<16xi32> to vector<16xi32>
        %get3A_1947 = arith.constant 928 : index
        %get3A_1948 = tpu.vector_load %arg5[%get3A_1947] {strides = array<i32>} : memref<1536xi32, #tpu.memory_space<vmem>>, vector<16xi32>,
        %get3A_1949 = vector.shape_cast %get3A_1948 : vector<16xi32> to vector<16xi32>
        %get3A_1950 = arith.constant 1440 : index
        %get3A_1951 = tpu.vector_load %arg5[%get3A_1950] {strides = array<i32>} : memref<1536xi32, #tpu.memory_space<vmem>>, vector<16xi32>,
        %get3A_1952 = vector.shape_cast %get3A_1951 : vector<16xi32> to vector<16xi32>
        %mul3A_1953 = arith.constant 2 : i32
        %mul3A_1954 = vector.broadcast %mul3A_1953 : i32 to vector<16xi32>
        %mul3A_1955 = arith.muli %mul3A_1954, %get3A_1946 : vector<16xi32>
        %add3A_1956 = arith.addi %get3A_1949, %mul3A_1955 : vector<16xi32>
        %add3A_1957 = arith.constant 1 : i32
        %add3A_1958 = vector.broadcast %add3A_1957 : i32 to vector<16xi32>
        %add3A_1959 = arith.addi %get3A_1952, %add3A_1958 : vector<16xi32>
        %shift_right_arithmetic3A_1960 = arith.constant 1 : i32
        %shift_right_arithmetic3A_1961 = vector.broadcast %shift_right_arithmetic3A_1960 : i32 to vector<16xi32>
        %shift_right_arithmetic3A_1962 = arith.shrsi %add3A_1959, %shift_right_arithmetic3A_1961 : vector<16xi32>
        %mul3A_1963 = arith.constant 4 : i32
        %mul3A_1964 = vector.broadcast %mul3A_1963 : i32 to vector<16xi32>
        %mul3A_1965 = arith.muli %mul3A_1964, %shift_right_arithmetic3A_1962 : vector<16xi32>
        %add3A_1966 = arith.addi %add3A_1956, %mul3A_1965 : vector<16xi32>
        %swap3A_1967 = arith.constant 3 : i32
        %swap3A_1968 = arith.index_cast %swap3A_1967 : i32 to index
        %swap3A_1969 = arith.constant 32 : index
        %swap3A_1970 = tpu.vector_load %arg6[%swap3A_1968, %swap3A_1969] {strides = array<i32>} : memref<4x128xi32, #tpu.memory_space<vmem>>, vector<1x16xi32>,
        %swap3A_1971 = vector.shape_cast %swap3A_1970 : vector<1x16xi32> to vector<16xi32>
        %swap3A_1972 = vector.shape_cast %add3A_1966 : vector<16xi32> to vector<1x16xi32>
        tpu.vector_store %arg6[%swap3A_1968, %swap3A_1969], %swap3A_1972 {strides = array<i32>} : memref<4x128xi32, #tpu.memory_space<vmem>>, vector<1x16xi32>,
        %get3A_1973 = arith.constant 432 : index
        %get3A_1974 = tpu.vector_load %arg5[%get3A_1973] {strides = array<i32>} : memref<1536xi32, #tpu.memory_space<vmem>>, vector<16xi32>,
        %get3A_1975 = vector.shape_cast %get3A_1974 : vector<16xi32> to vector<16xi32>
        %get3A_1976 = arith.constant 944 : index
        %get3A_1977 = tpu.vector_load %arg5[%get3A_1976] {strides = array<i32>} : memref<1536xi32, #tpu.memory_space<vmem>>, vector<16xi32>,
        %get3A_1978 = vector.shape_cast %get3A_1977 : vector<16xi32> to vector<16xi32>
        %get3A_1979 = arith.constant 1456 : index
        %get3A_1980 = tpu.vector_load %arg5[%get3A_1979] {strides = array<i32>} : memref<1536xi32, #tpu.memory_space<vmem>>, vector<16xi32>,
        %get3A_1981 = vector.shape_cast %get3A_1980 : vector<16xi32> to vector<16xi32>
        %mul3A_1982 = arith.constant 2 : i32
        %mul3A_1983 = vector.broadcast %mul3A_1982 : i32 to vector<16xi32>
        %mul3A_1984 = arith.muli %mul3A_1983, %get3A_1975 : vector<16xi32>
        %add3A_1985 = arith.addi %get3A_1978, %mul3A_1984 : vector<16xi32>
        %add3A_1986 = arith.constant 1 : i32
        %add3A_1987 = vector.broadcast %add3A_1986 : i32 to vector<16xi32>
        %add3A_1988 = arith.addi %get3A_1981, %add3A_1987 : vector<16xi32>
        %shift_right_arithmetic3A_1989 = arith.constant 1 : i32
        %shift_right_arithmetic3A_1990 = vector.broadcast %shift_right_arithmetic3A_1989 : i32 to vector<16xi32>
        %shift_right_arithmetic3A_1991 = arith.shrsi %add3A_1988, %shift_right_arithmetic3A_1990 : vector<16xi32>
        %mul3A_1992 = arith.constant 4 : i32
        %mul3A_1993 = vector.broadcast %mul3A_1992 : i32 to vector<16xi32>
        %mul3A_1994 = arith.muli %mul3A_1993, %shift_right_arithmetic3A_1991 : vector<16xi32>
        %add3A_1995 = arith.addi %add3A_1985, %mul3A_1994 : vector<16xi32>
        %swap3A_1996 = arith.constant 3 : i32
        %swap3A_1997 = arith.index_cast %swap3A_1996 : i32 to index
        %swap3A_1998 = arith.constant 48 : index
        %swap3A_1999 = tpu.vector_load %arg6[%swap3A_1997, %swap3A_1998] {strides = array<i32>} : memref<4x128xi32, #tpu.memory_space<vmem>>, vector<1x16xi32>,
        %swap3A_2000 = vector.shape_cast %swap3A_1999 : vector<1x16xi32> to vector<16xi32>
        %swap3A_2001 = vector.shape_cast %add3A_1995 : vector<16xi32> to vector<1x16xi32>
        tpu.vector_store %arg6[%swap3A_1997, %swap3A_1998], %swap3A_2001 {strides = array<i32>} : memref<4x128xi32, #tpu.memory_space<vmem>>, vector<1x16xi32>,
        %get3A_2002 = arith.constant 448 : index
        %get3A_2003 = tpu.vector_load %arg5[%get3A_2002] {strides = array<i32>} : memref<1536xi32, #tpu.memory_space<vmem>>, vector<16xi32>,
        %get3A_2004 = vector.shape_cast %get3A_2003 : vector<16xi32> to vector<16xi32>
        %get3A_2005 = arith.constant 960 : index
        %get3A_2006 = tpu.vector_load %arg5[%get3A_2005] {strides = array<i32>} : memref<1536xi32, #tpu.memory_space<vmem>>, vector<16xi32>,
        %get3A_2007 = vector.shape_cast %get3A_2006 : vector<16xi32> to vector<16xi32>
        %get3A_2008 = arith.constant 1472 : index
        %get3A_2009 = tpu.vector_load %arg5[%get3A_2008] {strides = array<i32>} : memref<1536xi32, #tpu.memory_space<vmem>>, vector<16xi32>,
        %get3A_2010 = vector.shape_cast %get3A_2009 : vector<16xi32> to vector<16xi32>
        %mul3A_2011 = arith.constant 2 : i32
        %mul3A_2012 = vector.broadcast %mul3A_2011 : i32 to vector<16xi32>
        %mul3A_2013 = arith.muli %mul3A_2012, %get3A_2004 : vector<16xi32>
        %add3A_2014 = arith.addi %get3A_2007, %mul3A_2013 : vector<16xi32>
        %add3A_2015 = arith.constant 1 : i32
        %add3A_2016 = vector.broadcast %add3A_2015 : i32 to vector<16xi32>
        %add3A_2017 = arith.addi %get3A_2010, %add3A_2016 : vector<16xi32>
        %shift_right_arithmetic3A_2018 = arith.constant 1 : i32
        %shift_right_arithmetic3A_2019 = vector.broadcast %shift_right_arithmetic3A_2018 : i32 to vector<16xi32>
        %shift_right_arithmetic3A_2020 = arith.shrsi %add3A_2017, %shift_right_arithmetic3A_2019 : vector<16xi32>
        %mul3A_2021 = arith.constant 4 : i32
        %mul3A_2022 = vector.broadcast %mul3A_2021 : i32 to vector<16xi32>
        %mul3A_2023 = arith.muli %mul3A_2022, %shift_right_arithmetic3A_2020 : vector<16xi32>
        %add3A_2024 = arith.addi %add3A_2014, %mul3A_2023 : vector<16xi32>
        %swap3A_2025 = arith.constant 3 : i32
        %swap3A_2026 = arith.index_cast %swap3A_2025 : i32 to index
        %swap3A_2027 = arith.constant 64 : index
        %swap3A_2028 = tpu.vector_load %arg6[%swap3A_2026, %swap3A_2027] {strides = array<i32>} : memref<4x128xi32, #tpu.memory_space<vmem>>, vector<1x16xi32>,
        %swap3A_2029 = vector.shape_cast %swap3A_2028 : vector<1x16xi32> to vector<16xi32>
        %swap3A_2030 = vector.shape_cast %add3A_2024 : vector<16xi32> to vector<1x16xi32>
        tpu.vector_store %arg6[%swap3A_2026, %swap3A_2027], %swap3A_2030 {strides = array<i32>} : memref<4x128xi32, #tpu.memory_space<vmem>>, vector<1x16xi32>,
        %get3A_2031 = arith.constant 464 : index
        %get3A_2032 = tpu.vector_load %arg5[%get3A_2031] {strides = array<i32>} : memref<1536xi32, #tpu.memory_space<vmem>>, vector<16xi32>,
        %get3A_2033 = vector.shape_cast %get3A_2032 : vector<16xi32> to vector<16xi32>
        %get3A_2034 = arith.constant 976 : index
        %get3A_2035 = tpu.vector_load %arg5[%get3A_2034] {strides = array<i32>} : memref<1536xi32, #tpu.memory_space<vmem>>, vector<16xi32>,
        %get3A_2036 = vector.shape_cast %get3A_2035 : vector<16xi32> to vector<16xi32>
        %get3A_2037 = arith.constant 1488 : index
        %get3A_2038 = tpu.vector_load %arg5[%get3A_2037] {strides = array<i32>} : memref<1536xi32, #tpu.memory_space<vmem>>, vector<16xi32>,
        %get3A_2039 = vector.shape_cast %get3A_2038 : vector<16xi32> to vector<16xi32>
        %mul3A_2040 = arith.constant 2 : i32
        %mul3A_2041 = vector.broadcast %mul3A_2040 : i32 to vector<16xi32>
        %mul3A_2042 = arith.muli %mul3A_2041, %get3A_2033 : vector<16xi32>
        %add3A_2043 = arith.addi %get3A_2036, %mul3A_2042 : vector<16xi32>
        %add3A_2044 = arith.constant 1 : i32
        %add3A_2045 = vector.broadcast %add3A_2044 : i32 to vector<16xi32>
        %add3A_2046 = arith.addi %get3A_2039, %add3A_2045 : vector<16xi32>
        %shift_right_arithmetic3A_2047 = arith.constant 1 : i32
        %shift_right_arithmetic3A_2048 = vector.broadcast %shift_right_arithmetic3A_2047 : i32 to vector<16xi32>
        %shift_right_arithmetic3A_2049 = arith.shrsi %add3A_2046, %shift_right_arithmetic3A_2048 : vector<16xi32>
        %mul3A_2050 = arith.constant 4 : i32
        %mul3A_2051 = vector.broadcast %mul3A_2050 : i32 to vector<16xi32>
        %mul3A_2052 = arith.muli %mul3A_2051, %shift_right_arithmetic3A_2049 : vector<16xi32>
        %add3A_2053 = arith.addi %add3A_2043, %mul3A_2052 : vector<16xi32>
        %swap3A_2054 = arith.constant 3 : i32
        %swap3A_2055 = arith.index_cast %swap3A_2054 : i32 to index
        %swap3A_2056 = arith.constant 80 : index
        %swap3A_2057 = tpu.vector_load %arg6[%swap3A_2055, %swap3A_2056] {strides = array<i32>} : memref<4x128xi32, #tpu.memory_space<vmem>>, vector<1x16xi32>,
        %swap3A_2058 = vector.shape_cast %swap3A_2057 : vector<1x16xi32> to vector<16xi32>
        %swap3A_2059 = vector.shape_cast %add3A_2053 : vector<16xi32> to vector<1x16xi32>
        tpu.vector_store %arg6[%swap3A_2055, %swap3A_2056], %swap3A_2059 {strides = array<i32>} : memref<4x128xi32, #tpu.memory_space<vmem>>, vector<1x16xi32>,
        %get3A_2060 = arith.constant 480 : index
        %get3A_2061 = tpu.vector_load %arg5[%get3A_2060] {strides = array<i32>} : memref<1536xi32, #tpu.memory_space<vmem>>, vector<16xi32>,
        %get3A_2062 = vector.shape_cast %get3A_2061 : vector<16xi32> to vector<16xi32>
        %get3A_2063 = arith.constant 992 : index
        %get3A_2064 = tpu.vector_load %arg5[%get3A_2063] {strides = array<i32>} : memref<1536xi32, #tpu.memory_space<vmem>>, vector<16xi32>,
        %get3A_2065 = vector.shape_cast %get3A_2064 : vector<16xi32> to vector<16xi32>
        %get3A_2066 = arith.constant 1504 : index
        %get3A_2067 = tpu.vector_load %arg5[%get3A_2066] {strides = array<i32>} : memref<1536xi32, #tpu.memory_space<vmem>>, vector<16xi32>,
        %get3A_2068 = vector.shape_cast %get3A_2067 : vector<16xi32> to vector<16xi32>
        %mul3A_2069 = arith.constant 2 : i32
        %mul3A_2070 = vector.broadcast %mul3A_2069 : i32 to vector<16xi32>
        %mul3A_2071 = arith.muli %mul3A_2070, %get3A_2062 : vector<16xi32>
        %add3A_2072 = arith.addi %get3A_2065, %mul3A_2071 : vector<16xi32>
        %add3A_2073 = arith.constant 1 : i32
        %add3A_2074 = vector.broadcast %add3A_2073 : i32 to vector<16xi32>
        %add3A_2075 = arith.addi %get3A_2068, %add3A_2074 : vector<16xi32>
        %shift_right_arithmetic3A_2076 = arith.constant 1 : i32
        %shift_right_arithmetic3A_2077 = vector.broadcast %shift_right_arithmetic3A_2076 : i32 to vector<16xi32>
        %shift_right_arithmetic3A_2078 = arith.shrsi %add3A_2075, %shift_right_arithmetic3A_2077 : vector<16xi32>
        %mul3A_2079 = arith.constant 4 : i32
        %mul3A_2080 = vector.broadcast %mul3A_2079 : i32 to vector<16xi32>
        %mul3A_2081 = arith.muli %mul3A_2080, %shift_right_arithmetic3A_2078 : vector<16xi32>
        %add3A_2082 = arith.addi %add3A_2072, %mul3A_2081 : vector<16xi32>
        %swap3A_2083 = arith.constant 3 : i32
        %swap3A_2084 = arith.index_cast %swap3A_2083 : i32 to index
        %swap3A_2085 = arith.constant 96 : index
        %swap3A_2086 = tpu.vector_load %arg6[%swap3A_2084, %swap3A_2085] {strides = array<i32>} : memref<4x128xi32, #tpu.memory_space<vmem>>, vector<1x16xi32>,
        %swap3A_2087 = vector.shape_cast %swap3A_2086 : vector<1x16xi32> to vector<16xi32>
        %swap3A_2088 = vector.shape_cast %add3A_2082 : vector<16xi32> to vector<1x16xi32>
        tpu.vector_store %arg6[%swap3A_2084, %swap3A_2085], %swap3A_2088 {strides = array<i32>} : memref<4x128xi32, #tpu.memory_space<vmem>>, vector<1x16xi32>,
        %get3A_2089 = arith.constant 496 : index
        %get3A_2090 = tpu.vector_load %arg5[%get3A_2089] {strides = array<i32>} : memref<1536xi32, #tpu.memory_space<vmem>>, vector<16xi32>,
        %get3A_2091 = vector.shape_cast %get3A_2090 : vector<16xi32> to vector<16xi32>
        %get3A_2092 = arith.constant 1008 : index
        %get3A_2093 = tpu.vector_load %arg5[%get3A_2092] {strides = array<i32>} : memref<1536xi32, #tpu.memory_space<vmem>>, vector<16xi32>,
        %get3A_2094 = vector.shape_cast %get3A_2093 : vector<16xi32> to vector<16xi32>
        %get3A_2095 = arith.constant 1520 : index
        %get3A_2096 = tpu.vector_load %arg5[%get3A_2095] {strides = array<i32>} : memref<1536xi32, #tpu.memory_space<vmem>>, vector<16xi32>,
        %get3A_2097 = vector.shape_cast %get3A_2096 : vector<16xi32> to vector<16xi32>
        %mul3A_2098 = arith.constant 2 : i32
        %mul3A_2099 = vector.broadcast %mul3A_2098 : i32 to vector<16xi32>
        %mul3A_2100 = arith.muli %mul3A_2099, %get3A_2091 : vector<16xi32>
        %add3A_2101 = arith.addi %get3A_2094, %mul3A_2100 : vector<16xi32>
        %add3A_2102 = arith.constant 1 : i32
        %add3A_2103 = vector.broadcast %add3A_2102 : i32 to vector<16xi32>
        %add3A_2104 = arith.addi %get3A_2097, %add3A_2103 : vector<16xi32>
        %shift_right_arithmetic3A_2105 = arith.constant 1 : i32
        %shift_right_arithmetic3A_2106 = vector.broadcast %shift_right_arithmetic3A_2105 : i32 to vector<16xi32>
        %shift_right_arithmetic3A_2107 = arith.shrsi %add3A_2104, %shift_right_arithmetic3A_2106 : vector<16xi32>
        %mul3A_2108 = arith.constant 4 : i32
        %mul3A_2109 = vector.broadcast %mul3A_2108 : i32 to vector<16xi32>
        %mul3A_2110 = arith.muli %mul3A_2109, %shift_right_arithmetic3A_2107 : vector<16xi32>
        %add3A_2111 = arith.addi %add3A_2101, %mul3A_2110 : vector<16xi32>
        %swap3A_2112 = arith.constant 3 : i32
        %swap3A_2113 = arith.index_cast %swap3A_2112 : i32 to index
        %swap3A_2114 = arith.constant 112 : index
        %swap3A_2115 = tpu.vector_load %arg6[%swap3A_2113, %swap3A_2114] {strides = array<i32>} : memref<4x128xi32, #tpu.memory_space<vmem>>, vector<1x16xi32>,
        %swap3A_2116 = vector.shape_cast %swap3A_2115 : vector<1x16xi32> to vector<16xi32>
        %swap3A_2117 = vector.shape_cast %add3A_2111 : vector<16xi32> to vector<1x16xi32>
        tpu.vector_store %arg6[%swap3A_2113, %swap3A_2114], %swap3A_2117 {strides = array<i32>} : memref<4x128xi32, #tpu.memory_space<vmem>>, vector<1x16xi32>,
        %mul3A_2118 = arith.constant 512 : i32
        %mul3A_2119 = arith.muli %add3A_1059, %mul3A_2118 : i32
        %add3A_2120 = arith.constant 0 : i32
        %add3A_2121 = arith.addi %mul3A_2119, %add3A_2120 : i32
        %dma_wait3A_2122 = arith.constant 0 : i32
        %dma_wait3A_2123 = arith.constant 0 : i32
        %dma_wait3A_2124 = arith.constant 0 : i32
        %dma_wait3A_2125 = tpu.memref_slice %arg7[%dma_wait3A_2122, %dma_wait3A_2123, %dma_wait3A_2124] : memref<4x128x128xf32, #tpu.memory_space<vmem>> -> memref<1x128x128xf32, #tpu.memory_space<vmem>>
        %dma_wait3A_2126 = tpu.memref_squeeze %dma_wait3A_2125 : memref<1x128x128xf32, #tpu.memory_space<vmem>> -> memref<128x128xf32, #tpu.memory_space<vmem>>
        %dma_wait3A_2127 = arith.constant 0 : i32
        %dma_wait3A_2128 = tpu.memref_slice %arg4[%add3A_2121, %dma_wait3A_2127] : memref<524288x128xf32, #tpu.memory_space<hbm>> -> memref<128x128xf32, #tpu.memory_space<hbm>>
        %dma_wait3A_2129 = arith.constant 0 : i32
        %dma_wait3A_2130 = tpu.memref_slice %arg4[%add3A_2121, %dma_wait3A_2129] : memref<524288x128xf32, #tpu.memory_space<hbm>> -> memref<128x128xf32, #tpu.memory_space<hbm>>
        %dma_wait3A_2131 = arith.constant 0 : i32
        %dma_wait3A_2132 = arith.constant 0 : i32
        %dma_wait3A_2133 = tpu.memref_slice %arg7[%dma_wait3A_2122, %dma_wait3A_2131, %dma_wait3A_2132] : memref<4x128x128xf32, #tpu.memory_space<vmem>> -> memref<1x128x128xf32, #tpu.memory_space<vmem>>
        %dma_wait3A_2134 = tpu.memref_squeeze %dma_wait3A_2133 : memref<1x128x128xf32, #tpu.memory_space<vmem>> -> memref<128x128xf32, #tpu.memory_space<vmem>>
        tpu.wait_dma2 semaphore(%arg14 : memref<!tpu.dma_semaphore, #tpu.memory_space<semaphore_mem>>) src(%dma_wait3A_2134 : memref<128x128xf32, #tpu.memory_space<vmem>>) dst(%dma_wait3A_2130 : memref<128x128xf32, #tpu.memory_space<hbm>>)
        %dma_start3A_2135 = arith.constant 0 : i32
        %dma_start3A_2136 = arith.constant 0 : i32
        %dma_start3A_2137 = arith.constant 0 : i32
        %dma_start3A_2138 = arith.constant 0 : i32
        %dma_start3A_2139 = tpu.memref_slice %arg7[%dma_start3A_2136, %dma_start3A_2137, %dma_start3A_2138] : memref<4x128x128xf32, #tpu.memory_space<vmem>> -> memref<1x128x128xf32, #tpu.memory_space<vmem>>
        %dma_start3A_2140 = tpu.memref_squeeze %dma_start3A_2139 : memref<1x128x128xf32, #tpu.memory_space<vmem>> -> memref<128x128xf32, #tpu.memory_space<vmem>>
        %dma_start3A_2141 = arith.constant 0 : i32
        %dma_start3A_2142 = tpu.memref_slice %arg6[%dma_start3A_2135, %dma_start3A_2141] : memref<4x128xi32, #tpu.memory_space<vmem>> -> memref<1x128xi32, #tpu.memory_space<vmem>>
        %dma_start3A_2143 = tpu.memref_squeeze %dma_start3A_2142 : memref<1x128xi32, #tpu.memory_space<vmem>> -> memref<128xi32, #tpu.memory_space<vmem>>
        %dma_start3A_2144 = arith.constant 0 : i32
        %dma_start3A_2145 = arith.constant 0 : i32
        %dma_start3A_2146 = tpu.memref_slice %arg8[%dma_start3A_2144, %dma_start3A_2145] : memref<8x128xf32, #tpu.memory_space<vmem_shared>> -> memref<8x128xf32, #tpu.memory_space<vmem_shared>>
        tpu.enqueue_indirect_dma source(%dma_start3A_2146 : memref<8x128xf32, #tpu.memory_space<vmem_shared>>) target(%dma_start3A_2140 : memref<128x128xf32, #tpu.memory_space<vmem>>) offsets(%dma_start3A_2143 : memref<128xi32, #tpu.memory_space<vmem>>) semaphore(%arg10 : memref<!tpu.dma_semaphore, #tpu.memory_space<semaphore_mem>>)
        %mul3A_2147 = arith.constant 512 : i32
        %mul3A_2148 = arith.muli %add3A_1059, %mul3A_2147 : i32
        %add3A_2149 = arith.constant 128 : i32
        %add3A_2150 = arith.addi %mul3A_2148, %add3A_2149 : i32
        %dma_wait3A_2151 = arith.constant 1 : i32
        %dma_wait3A_2152 = arith.constant 0 : i32
        %dma_wait3A_2153 = arith.constant 0 : i32
        %dma_wait3A_2154 = tpu.memref_slice %arg7[%dma_wait3A_2151, %dma_wait3A_2152, %dma_wait3A_2153] : memref<4x128x128xf32, #tpu.memory_space<vmem>> -> memref<1x128x128xf32, #tpu.memory_space<vmem>>
        %dma_wait3A_2155 = tpu.memref_squeeze %dma_wait3A_2154 : memref<1x128x128xf32, #tpu.memory_space<vmem>> -> memref<128x128xf32, #tpu.memory_space<vmem>>
        %dma_wait3A_2156 = arith.constant 0 : i32
        %dma_wait3A_2157 = tpu.memref_slice %arg4[%add3A_2150, %dma_wait3A_2156] : memref<524288x128xf32, #tpu.memory_space<hbm>> -> memref<128x128xf32, #tpu.memory_space<hbm>>
        %dma_wait3A_2158 = arith.constant 0 : i32
        %dma_wait3A_2159 = tpu.memref_slice %arg4[%add3A_2150, %dma_wait3A_2158] : memref<524288x128xf32, #tpu.memory_space<hbm>> -> memref<128x128xf32, #tpu.memory_space<hbm>>
        %dma_wait3A_2160 = arith.constant 0 : i32
        %dma_wait3A_2161 = arith.constant 0 : i32
        %dma_wait3A_2162 = tpu.memref_slice %arg7[%dma_wait3A_2151, %dma_wait3A_2160, %dma_wait3A_2161] : memref<4x128x128xf32, #tpu.memory_space<vmem>> -> memref<1x128x128xf32, #tpu.memory_space<vmem>>
        %dma_wait3A_2163 = tpu.memref_squeeze %dma_wait3A_2162 : memref<1x128x128xf32, #tpu.memory_space<vmem>> -> memref<128x128xf32, #tpu.memory_space<vmem>>
        tpu.wait_dma2 semaphore(%arg15 : memref<!tpu.dma_semaphore, #tpu.memory_space<semaphore_mem>>) src(%dma_wait3A_2163 : memref<128x128xf32, #tpu.memory_space<vmem>>) dst(%dma_wait3A_2159 : memref<128x128xf32, #tpu.memory_space<hbm>>)
        %dma_start3A_2164 = arith.constant 1 : i32
        %dma_start3A_2165 = arith.constant 1 : i32
        %dma_start3A_2166 = arith.constant 0 : i32
        %dma_start3A_2167 = arith.constant 0 : i32
        %dma_start3A_2168 = tpu.memref_slice %arg7[%dma_start3A_2165, %dma_start3A_2166, %dma_start3A_2167] : memref<4x128x128xf32, #tpu.memory_space<vmem>> -> memref<1x128x128xf32, #tpu.memory_space<vmem>>
        %dma_start3A_2169 = tpu.memref_squeeze %dma_start3A_2168 : memref<1x128x128xf32, #tpu.memory_space<vmem>> -> memref<128x128xf32, #tpu.memory_space<vmem>>
        %dma_start3A_2170 = arith.constant 0 : i32
        %dma_start3A_2171 = tpu.memref_slice %arg6[%dma_start3A_2164, %dma_start3A_2170] : memref<4x128xi32, #tpu.memory_space<vmem>> -> memref<1x128xi32, #tpu.memory_space<vmem>>
        %dma_start3A_2172 = tpu.memref_squeeze %dma_start3A_2171 : memref<1x128xi32, #tpu.memory_space<vmem>> -> memref<128xi32, #tpu.memory_space<vmem>>
        %dma_start3A_2173 = arith.constant 0 : i32
        %dma_start3A_2174 = arith.constant 0 : i32
        %dma_start3A_2175 = tpu.memref_slice %arg8[%dma_start3A_2173, %dma_start3A_2174] : memref<8x128xf32, #tpu.memory_space<vmem_shared>> -> memref<8x128xf32, #tpu.memory_space<vmem_shared>>
        tpu.enqueue_indirect_dma source(%dma_start3A_2175 : memref<8x128xf32, #tpu.memory_space<vmem_shared>>) target(%dma_start3A_2169 : memref<128x128xf32, #tpu.memory_space<vmem>>) offsets(%dma_start3A_2172 : memref<128xi32, #tpu.memory_space<vmem>>) semaphore(%arg11 : memref<!tpu.dma_semaphore, #tpu.memory_space<semaphore_mem>>)
        %mul3A_2176 = arith.constant 512 : i32
        %mul3A_2177 = arith.muli %add3A_1059, %mul3A_2176 : i32
        %add3A_2178 = arith.constant 256 : i32
        %add3A_2179 = arith.addi %mul3A_2177, %add3A_2178 : i32
        %dma_wait3A_2180 = arith.constant 2 : i32
        %dma_wait3A_2181 = arith.constant 0 : i32
        %dma_wait3A_2182 = arith.constant 0 : i32
        %dma_wait3A_2183 = tpu.memref_slice %arg7[%dma_wait3A_2180, %dma_wait3A_2181, %dma_wait3A_2182] : memref<4x128x128xf32, #tpu.memory_space<vmem>> -> memref<1x128x128xf32, #tpu.memory_space<vmem>>
        %dma_wait3A_2184 = tpu.memref_squeeze %dma_wait3A_2183 : memref<1x128x128xf32, #tpu.memory_space<vmem>> -> memref<128x128xf32, #tpu.memory_space<vmem>>
        %dma_wait3A_2185 = arith.constant 0 : i32
        %dma_wait3A_2186 = tpu.memref_slice %arg4[%add3A_2179, %dma_wait3A_2185] : memref<524288x128xf32, #tpu.memory_space<hbm>> -> memref<128x128xf32, #tpu.memory_space<hbm>>
        %dma_wait3A_2187 = arith.constant 0 : i32
        %dma_wait3A_2188 = tpu.memref_slice %arg4[%add3A_2179, %dma_wait3A_2187] : memref<524288x128xf32, #tpu.memory_space<hbm>> -> memref<128x128xf32, #tpu.memory_space<hbm>>
        %dma_wait3A_2189 = arith.constant 0 : i32
        %dma_wait3A_2190 = arith.constant 0 : i32
        %dma_wait3A_2191 = tpu.memref_slice %arg7[%dma_wait3A_2180, %dma_wait3A_2189, %dma_wait3A_2190] : memref<4x128x128xf32, #tpu.memory_space<vmem>> -> memref<1x128x128xf32, #tpu.memory_space<vmem>>
        %dma_wait3A_2192 = tpu.memref_squeeze %dma_wait3A_2191 : memref<1x128x128xf32, #tpu.memory_space<vmem>> -> memref<128x128xf32, #tpu.memory_space<vmem>>
        tpu.wait_dma2 semaphore(%arg16 : memref<!tpu.dma_semaphore, #tpu.memory_space<semaphore_mem>>) src(%dma_wait3A_2192 : memref<128x128xf32, #tpu.memory_space<vmem>>) dst(%dma_wait3A_2188 : memref<128x128xf32, #tpu.memory_space<hbm>>)
        %dma_start3A_2193 = arith.constant 2 : i32
        %dma_start3A_2194 = arith.constant 2 : i32
        %dma_start3A_2195 = arith.constant 0 : i32
        %dma_start3A_2196 = arith.constant 0 : i32
        %dma_start3A_2197 = tpu.memref_slice %arg7[%dma_start3A_2194, %dma_start3A_2195, %dma_start3A_2196] : memref<4x128x128xf32, #tpu.memory_space<vmem>> -> memref<1x128x128xf32, #tpu.memory_space<vmem>>
        %dma_start3A_2198 = tpu.memref_squeeze %dma_start3A_2197 : memref<1x128x128xf32, #tpu.memory_space<vmem>> -> memref<128x128xf32, #tpu.memory_space<vmem>>
        %dma_start3A_2199 = arith.constant 0 : i32
        %dma_start3A_2200 = tpu.memref_slice %arg6[%dma_start3A_2193, %dma_start3A_2199] : memref<4x128xi32, #tpu.memory_space<vmem>> -> memref<1x128xi32, #tpu.memory_space<vmem>>
        %dma_start3A_2201 = tpu.memref_squeeze %dma_start3A_2200 : memref<1x128xi32, #tpu.memory_space<vmem>> -> memref<128xi32, #tpu.memory_space<vmem>>
        %dma_start3A_2202 = arith.constant 0 : i32
        %dma_start3A_2203 = arith.constant 0 : i32
        %dma_start3A_2204 = tpu.memref_slice %arg8[%dma_start3A_2202, %dma_start3A_2203] : memref<8x128xf32, #tpu.memory_space<vmem_shared>> -> memref<8x128xf32, #tpu.memory_space<vmem_shared>>
        tpu.enqueue_indirect_dma source(%dma_start3A_2204 : memref<8x128xf32, #tpu.memory_space<vmem_shared>>) target(%dma_start3A_2198 : memref<128x128xf32, #tpu.memory_space<vmem>>) offsets(%dma_start3A_2201 : memref<128xi32, #tpu.memory_space<vmem>>) semaphore(%arg12 : memref<!tpu.dma_semaphore, #tpu.memory_space<semaphore_mem>>)
        %mul3A_2205 = arith.constant 512 : i32
        %mul3A_2206 = arith.muli %add3A_1059, %mul3A_2205 : i32
        %add3A_2207 = arith.constant 384 : i32
        %add3A_2208 = arith.addi %mul3A_2206, %add3A_2207 : i32
        %dma_wait3A_2209 = arith.constant 3 : i32
        %dma_wait3A_2210 = arith.constant 0 : i32
        %dma_wait3A_2211 = arith.constant 0 : i32
        %dma_wait3A_2212 = tpu.memref_slice %arg7[%dma_wait3A_2209, %dma_wait3A_2210, %dma_wait3A_2211] : memref<4x128x128xf32, #tpu.memory_space<vmem>> -> memref<1x128x128xf32, #tpu.memory_space<vmem>>
        %dma_wait3A_2213 = tpu.memref_squeeze %dma_wait3A_2212 : memref<1x128x128xf32, #tpu.memory_space<vmem>> -> memref<128x128xf32, #tpu.memory_space<vmem>>
        %dma_wait3A_2214 = arith.constant 0 : i32
        %dma_wait3A_2215 = tpu.memref_slice %arg4[%add3A_2208, %dma_wait3A_2214] : memref<524288x128xf32, #tpu.memory_space<hbm>> -> memref<128x128xf32, #tpu.memory_space<hbm>>
        %dma_wait3A_2216 = arith.constant 0 : i32
        %dma_wait3A_2217 = tpu.memref_slice %arg4[%add3A_2208, %dma_wait3A_2216] : memref<524288x128xf32, #tpu.memory_space<hbm>> -> memref<128x128xf32, #tpu.memory_space<hbm>>
        %dma_wait3A_2218 = arith.constant 0 : i32
        %dma_wait3A_2219 = arith.constant 0 : i32
        %dma_wait3A_2220 = tpu.memref_slice %arg7[%dma_wait3A_2209, %dma_wait3A_2218, %dma_wait3A_2219] : memref<4x128x128xf32, #tpu.memory_space<vmem>> -> memref<1x128x128xf32, #tpu.memory_space<vmem>>
        %dma_wait3A_2221 = tpu.memref_squeeze %dma_wait3A_2220 : memref<1x128x128xf32, #tpu.memory_space<vmem>> -> memref<128x128xf32, #tpu.memory_space<vmem>>
        tpu.wait_dma2 semaphore(%arg17 : memref<!tpu.dma_semaphore, #tpu.memory_space<semaphore_mem>>) src(%dma_wait3A_2221 : memref<128x128xf32, #tpu.memory_space<vmem>>) dst(%dma_wait3A_2217 : memref<128x128xf32, #tpu.memory_space<hbm>>)
        %dma_start3A_2222 = arith.constant 3 : i32
        %dma_start3A_2223 = arith.constant 3 : i32
        %dma_start3A_2224 = arith.constant 0 : i32
        %dma_start3A_2225 = arith.constant 0 : i32
        %dma_start3A_2226 = tpu.memref_slice %arg7[%dma_start3A_2223, %dma_start3A_2224, %dma_start3A_2225] : memref<4x128x128xf32, #tpu.memory_space<vmem>> -> memref<1x128x128xf32, #tpu.memory_space<vmem>>
        %dma_start3A_2227 = tpu.memref_squeeze %dma_start3A_2226 : memref<1x128x128xf32, #tpu.memory_space<vmem>> -> memref<128x128xf32, #tpu.memory_space<vmem>>
        %dma_start3A_2228 = arith.constant 0 : i32
        %dma_start3A_2229 = tpu.memref_slice %arg6[%dma_start3A_2222, %dma_start3A_2228] : memref<4x128xi32, #tpu.memory_space<vmem>> -> memref<1x128xi32, #tpu.memory_space<vmem>>
        %dma_start3A_2230 = tpu.memref_squeeze %dma_start3A_2229 : memref<1x128xi32, #tpu.memory_space<vmem>> -> memref<128xi32, #tpu.memory_space<vmem>>
        %dma_start3A_2231 = arith.constant 0 : i32
        %dma_start3A_2232 = arith.constant 0 : i32
        %dma_start3A_2233 = tpu.memref_slice %arg8[%dma_start3A_2231, %dma_start3A_2232] : memref<8x128xf32, #tpu.memory_space<vmem_shared>> -> memref<8x128xf32, #tpu.memory_space<vmem_shared>>
        tpu.enqueue_indirect_dma source(%dma_start3A_2233 : memref<8x128xf32, #tpu.memory_space<vmem_shared>>) target(%dma_start3A_2227 : memref<128x128xf32, #tpu.memory_space<vmem>>) offsets(%dma_start3A_2230 : memref<128xi32, #tpu.memory_space<vmem>>) semaphore(%arg13 : memref<!tpu.dma_semaphore, #tpu.memory_space<semaphore_mem>>)
      } else {
      }
    }
    %scan3A_986 = arith.constant 32 : i32
    %add3A_987 = arith.constant 32 : i32
    %add3A_988 = arith.addi %mul3A_2, %add3A_987 : i32
    %sub3A = arith.constant 1 : i32
    %sub3A_989 = arith.subi %add3A_988, %sub3A : i32
    %mul3A_990 = arith.constant 512 : i32
    %mul3A_991 = arith.muli %sub3A_989, %mul3A_990 : i32
    %add3A_992 = arith.constant 0 : i32
    %add3A_993 = arith.addi %mul3A_991, %add3A_992 : i32
    %dma_wait3A_994 = arith.constant 0 : i32
    %dma_wait3A_995 = arith.constant 0 : i32
    %dma_wait3A_996 = arith.constant 0 : i32
    %dma_wait3A_997 = tpu.memref_slice %arg7[%dma_wait3A_994, %dma_wait3A_995, %dma_wait3A_996] : memref<4x128x128xf32, #tpu.memory_space<vmem>> -> memref<1x128x128xf32, #tpu.memory_space<vmem>>
    %dma_wait3A_998 = tpu.memref_squeeze %dma_wait3A_997 : memref<1x128x128xf32, #tpu.memory_space<vmem>> -> memref<128x128xf32, #tpu.memory_space<vmem>>
    %dma_wait3A_999 = arith.constant 0 : i32
    %dma_wait3A_1000 = tpu.memref_slice %arg4[%add3A_993, %dma_wait3A_999] : memref<524288x128xf32, #tpu.memory_space<hbm>> -> memref<128x128xf32, #tpu.memory_space<hbm>>
    %dma_wait3A_1001 = arith.constant 0 : i32
    %dma_wait3A_1002 = tpu.memref_slice %arg4[%add3A_993, %dma_wait3A_1001] : memref<524288x128xf32, #tpu.memory_space<hbm>> -> memref<128x128xf32, #tpu.memory_space<hbm>>
    %dma_wait3A_1003 = arith.constant 0 : i32
    %dma_wait3A_1004 = arith.constant 0 : i32
    %dma_wait3A_1005 = tpu.memref_slice %arg7[%dma_wait3A_994, %dma_wait3A_1003, %dma_wait3A_1004] : memref<4x128x128xf32, #tpu.memory_space<vmem>> -> memref<1x128x128xf32, #tpu.memory_space<vmem>>
    %dma_wait3A_1006 = tpu.memref_squeeze %dma_wait3A_1005 : memref<1x128x128xf32, #tpu.memory_space<vmem>> -> memref<128x128xf32, #tpu.memory_space<vmem>>
    tpu.wait_dma2 semaphore(%arg14 : memref<!tpu.dma_semaphore, #tpu.memory_space<semaphore_mem>>) src(%dma_wait3A_1006 : memref<128x128xf32, #tpu.memory_space<vmem>>) dst(%dma_wait3A_1002 : memref<128x128xf32, #tpu.memory_space<hbm>>)
    %mul3A_1007 = arith.constant 512 : i32
    %mul3A_1008 = arith.muli %sub3A_989, %mul3A_1007 : i32
    %add3A_1009 = arith.constant 128 : i32
    %add3A_1010 = arith.addi %mul3A_1008, %add3A_1009 : i32
    %dma_wait3A_1011 = arith.constant 1 : i32
    %dma_wait3A_1012 = arith.constant 0 : i32
    %dma_wait3A_1013 = arith.constant 0 : i32
    %dma_wait3A_1014 = tpu.memref_slice %arg7[%dma_wait3A_1011, %dma_wait3A_1012, %dma_wait3A_1013] : memref<4x128x128xf32, #tpu.memory_space<vmem>> -> memref<1x128x128xf32, #tpu.memory_space<vmem>>
    %dma_wait3A_1015 = tpu.memref_squeeze %dma_wait3A_1014 : memref<1x128x128xf32, #tpu.memory_space<vmem>> -> memref<128x128xf32, #tpu.memory_space<vmem>>
    %dma_wait3A_1016 = arith.constant 0 : i32
    %dma_wait3A_1017 = tpu.memref_slice %arg4[%add3A_1010, %dma_wait3A_1016] : memref<524288x128xf32, #tpu.memory_space<hbm>> -> memref<128x128xf32, #tpu.memory_space<hbm>>
    %dma_wait3A_1018 = arith.constant 0 : i32
    %dma_wait3A_1019 = tpu.memref_slice %arg4[%add3A_1010, %dma_wait3A_1018] : memref<524288x128xf32, #tpu.memory_space<hbm>> -> memref<128x128xf32, #tpu.memory_space<hbm>>
    %dma_wait3A_1020 = arith.constant 0 : i32
    %dma_wait3A_1021 = arith.constant 0 : i32
    %dma_wait3A_1022 = tpu.memref_slice %arg7[%dma_wait3A_1011, %dma_wait3A_1020, %dma_wait3A_1021] : memref<4x128x128xf32, #tpu.memory_space<vmem>> -> memref<1x128x128xf32, #tpu.memory_space<vmem>>
    %dma_wait3A_1023 = tpu.memref_squeeze %dma_wait3A_1022 : memref<1x128x128xf32, #tpu.memory_space<vmem>> -> memref<128x128xf32, #tpu.memory_space<vmem>>
    tpu.wait_dma2 semaphore(%arg15 : memref<!tpu.dma_semaphore, #tpu.memory_space<semaphore_mem>>) src(%dma_wait3A_1023 : memref<128x128xf32, #tpu.memory_space<vmem>>) dst(%dma_wait3A_1019 : memref<128x128xf32, #tpu.memory_space<hbm>>)
    %mul3A_1024 = arith.constant 512 : i32
    %mul3A_1025 = arith.muli %sub3A_989, %mul3A_1024 : i32
    %add3A_1026 = arith.constant 256 : i32
    %add3A_1027 = arith.addi %mul3A_1025, %add3A_1026 : i32
    %dma_wait3A_1028 = arith.constant 2 : i32
    %dma_wait3A_1029 = arith.constant 0 : i32
    %dma_wait3A_1030 = arith.constant 0 : i32
    %dma_wait3A_1031 = tpu.memref_slice %arg7[%dma_wait3A_1028, %dma_wait3A_1029, %dma_wait3A_1030] : memref<4x128x128xf32, #tpu.memory_space<vmem>> -> memref<1x128x128xf32, #tpu.memory_space<vmem>>
    %dma_wait3A_1032 = tpu.memref_squeeze %dma_wait3A_1031 : memref<1x128x128xf32, #tpu.memory_space<vmem>> -> memref<128x128xf32, #tpu.memory_space<vmem>>
    %dma_wait3A_1033 = arith.constant 0 : i32
    %dma_wait3A_1034 = tpu.memref_slice %arg4[%add3A_1027, %dma_wait3A_1033] : memref<524288x128xf32, #tpu.memory_space<hbm>> -> memref<128x128xf32, #tpu.memory_space<hbm>>
    %dma_wait3A_1035 = arith.constant 0 : i32
    %dma_wait3A_1036 = tpu.memref_slice %arg4[%add3A_1027, %dma_wait3A_1035] : memref<524288x128xf32, #tpu.memory_space<hbm>> -> memref<128x128xf32, #tpu.memory_space<hbm>>
    %dma_wait3A_1037 = arith.constant 0 : i32
    %dma_wait3A_1038 = arith.constant 0 : i32
    %dma_wait3A_1039 = tpu.memref_slice %arg7[%dma_wait3A_1028, %dma_wait3A_1037, %dma_wait3A_1038] : memref<4x128x128xf32, #tpu.memory_space<vmem>> -> memref<1x128x128xf32, #tpu.memory_space<vmem>>
    %dma_wait3A_1040 = tpu.memref_squeeze %dma_wait3A_1039 : memref<1x128x128xf32, #tpu.memory_space<vmem>> -> memref<128x128xf32, #tpu.memory_space<vmem>>
    tpu.wait_dma2 semaphore(%arg16 : memref<!tpu.dma_semaphore, #tpu.memory_space<semaphore_mem>>) src(%dma_wait3A_1040 : memref<128x128xf32, #tpu.memory_space<vmem>>) dst(%dma_wait3A_1036 : memref<128x128xf32, #tpu.memory_space<hbm>>)
    %mul3A_1041 = arith.constant 512 : i32
    %mul3A_1042 = arith.muli %sub3A_989, %mul3A_1041 : i32
    %add3A_1043 = arith.constant 384 : i32
    %add3A_1044 = arith.addi %mul3A_1042, %add3A_1043 : i32
    %dma_wait3A_1045 = arith.constant 3 : i32
    %dma_wait3A_1046 = arith.constant 0 : i32
    %dma_wait3A_1047 = arith.constant 0 : i32
    %dma_wait3A_1048 = tpu.memref_slice %arg7[%dma_wait3A_1045, %dma_wait3A_1046, %dma_wait3A_1047] : memref<4x128x128xf32, #tpu.memory_space<vmem>> -> memref<1x128x128xf32, #tpu.memory_space<vmem>>
    %dma_wait3A_1049 = tpu.memref_squeeze %dma_wait3A_1048 : memref<1x128x128xf32, #tpu.memory_space<vmem>> -> memref<128x128xf32, #tpu.memory_space<vmem>>
    %dma_wait3A_1050 = arith.constant 0 : i32
    %dma_wait3A_1051 = tpu.memref_slice %arg4[%add3A_1044, %dma_wait3A_1050] : memref<524288x128xf32, #tpu.memory_space<hbm>> -> memref<128x128xf32, #tpu.memory_space<hbm>>
    %dma_wait3A_1052 = arith.constant 0 : i32
    %dma_wait3A_1053 = tpu.memref_slice %arg4[%add3A_1044, %dma_wait3A_1052] : memref<524288x128xf32, #tpu.memory_space<hbm>> -> memref<128x128xf32, #tpu.memory_space<hbm>>
    %dma_wait3A_1054 = arith.constant 0 : i32
    %dma_wait3A_1055 = arith.constant 0 : i32
    %dma_wait3A_1056 = tpu.memref_slice %arg7[%dma_wait3A_1045, %dma_wait3A_1054, %dma_wait3A_1055] : memref<4x128x128xf32, #tpu.memory_space<vmem>> -> memref<1x128x128xf32, #tpu.memory_space<vmem>>
    %dma_wait3A_1057 = tpu.memref_squeeze %dma_wait3A_1056 : memref<1x128x128xf32, #tpu.memory_space<vmem>> -> memref<128x128xf32, #tpu.memory_space<vmem>>
    tpu.wait_dma2 semaphore(%arg17 : memref<!tpu.dma_semaphore, #tpu.memory_space<semaphore_mem>>) src(%dma_wait3A_1057 : memref<128x128xf32, #tpu.memory_space<vmem>>) dst(%dma_wait3A_1053 : memref<128x128xf32, #tpu.memory_space<hbm>>)
    return
  }
}

</mosaic_0001>

<sc_bundles>
// kernel: kernel.3.cloned.1.call-start
scs
__scs_entry_jumppad:
0x0: {  	(pc) =	sbr.rel $0x88, $3  }
0x1: {  	(tag) =	ssettag $0x0;
	lr =	simm.s32 $0x1  }
0x2: {  	[smem:$0x3F9F] =	sst lr;
	_ =	strace $0xD0000000  }
0x3: {  	_ = 	snop  }
0x4: {  	_ = 	snop  }
0x5: {  	_ = 	snop  }
0x6: {  	_ = 	snop  }
0x7: {  	_ = 	snop  }
__scs_overlays_trampoline_lowered:
0x8: {  	[smem:$0x3FAE] =	sst s0  }
0x9: {  	[smem:$0x3FAF] =	sst s1  }
0xa: {  	[smem:$0x3FB0] =	sst s2  }
0xb: {  	[smem:$0x3FB1] =	sst s3  }
0xc: {  	[smem:$0x3FB2] =	sst s4  }
0xd: {  	[smem:$0x3FB3] =	sst s5  }
0xe: {  	[smem:$0x3FB4] =	sst s6  }
0xf: {  	[smem:$0x3FB5] =	sst s7  }
0x10: {  	[smem:$0x3FB6] =	sst s8  }
0x11: {  	[smem:$0x3FB7] =	sst s9;
	s0 =	simm.s32 @!p0 $0x0  }
0x12: {  	s1 =	sld [smem:$0x3F9D];
	s0 =	simm.s32 @p0 $0x1  }
0x13: {  	[smem:$0x3FB8] =	sst s0;
	s0 =	simm.s32 @!p1 $0x0  }
0x14: {  	s2 =	sld [smem:$0x3F9C];
	s0 =	simm.s32 @p1 $0x1  }
0x15: {  	[smem:$0x3FB9] =	sst s0;
	s0 =	simm.s32 @!p2 $0x0  }
0x16: {  	s3 =	sld [smem:$0x3FDB];
	s0 =	simm.s32 @p2 $0x1  }
0x17: {  	s4 =	simm.s32 $0x1BF5;
	[smem:$0x3FBB] =	sst s0  }
0x18: {  	s0 =	sld [smem:$0x3F9E];
	_ =	swait.ge [sflag:s4], $0x0  }
0x19: {  	s7 =	sld [smem:$0x3F9F]  }
0x1a: {  	s8 =	sadd.s32 $0xFFFFE003, lr  }
0x1b: {  	s9 =	sadd.s32 $0xFFFFFEF7, lr;
	s5 =	simm.s32 $0xFFFFFFFF;
	p2 =	slt.u32 s8, $0xFFFFF086  }
0x1c: {  	p1 =	slt.u32 s9, $0xF7A;
	s5 =	simm.s32 @!p2 $0x0  }
0x1d: {  	s5 =	simm.s32 @p1 $0x1;
	p0 =	seq.s32 s7, s2  }
0x1e: {  	s7 =	smul.u32 @!p0 $0xF7A, s2;
	p2 =	seq.s32 @!p0 s5, $0x0  }
0x1f: {  	s9 =	smul.u32 $0xF7A, s1;
	s8 =	simm.s32 @!p0 $0x1BF5;
	p2 =	por !p2, p0  }
0x20: {  	[sflag:s8] =	ssyncset.s32 @!p0 $0xFFFFF086;
	s6 =	sadd.s32 @!p0 s3, s7;
	s7 =	simm.s32 @!p0 $0x108  }
0x21: {  	s3 =	sadd.s32 s3, s9;
	s6 =	sadd.s32 @!p0 $0x88, s6;
	s7 =	simm.s32 @p2 $0x1082  }
0x22: {  	[simem:s7], [sflag:s8] =	dma.local @!p0 [hbm:s6], $0xF7A  }
0x23: {  	s9 =	sor.u32 $0xD0000000, s2;
	s6 =	simm.s32 $0x108;
	_ =	swait.ge @!p0 [sflag:s8], $0x0  }
0x24: {  	s3 =	sadd.s32 $0x88, s3;
	s6 =	simm.s32 @!p1 $0x1082;
	[sflag:s4] =	ssyncset.s32 $0xFFFFF086  }
0x25: {  	[simem:s6], [sflag:s4] =	dma.local [hbm:s3], $0xF7A  }
0x26: {  	[smem:$0x3F9F] =	sst s1;
	(tag) =	ssettag s2;
	_ =	strace s9  }
0x27: {  	s1 =	sld [smem:$0x3FAF]  }
0x28: {  	s2 =	sld [smem:$0x3FB0]  }
0x29: {  	s4 =	sld [smem:$0x3FB2]  }
0x2a: {  	p0 =	seq.s32 s5, $0x0;
	s5 =	sld [smem:$0x3FB3]  }
0x2b: {  	s6 =	sld [smem:$0x3FB4]  }
0x2c: {  	s7 =	sld [smem:$0x3FB5]  }
0x2d: {  	s3 =	simm.s32 $0x108;
	s8 =	sld [smem:$0x3FB6]  }
0x2e: {  	s3 =	simm.s32 @!p0 $0x1082;
	s9 =	sld [smem:$0x3FB7]  }
0x2f: {  	lr =	sadd.s32 s0, s3;
	s0 =	sld [smem:$0x3FAE]  }
0x30: {  	s3 =	sld [smem:$0x3FB1]  }
0x31: {  	[smem:$0x3FBA] =	sst s10  }
0x32: {  	s10 =	sld [smem:$0x3FB8];
	_ =	sdelay $0x3  }
0x33: {  	p0 =	seq.s32 s10, $0x1;
	s10 =	sld [smem:$0x3FBA];
	_ =	sdelay $0x3  }
0x34: {  	[smem:$0x3FBA] =	sst s10  }
0x35: {  	s10 =	sld [smem:$0x3FB9];
	_ =	sdelay $0x3  }
0x36: {  	p1 =	seq.s32 s10, $0x1;
	s10 =	sld [smem:$0x3FBA];
	_ =	sdelay $0x3  }
0x37: {  	[smem:$0x3FBA] =	sst s10  }
0x38: {  	s10 =	sld [smem:$0x3FBB]  }
0x39: {  	_ = 	snop;
	(pc) =	sbr.ind lr, $3  }
0x3a: {  	_ = 	snop  }
0x3b: {  	_ = 	snop  }
0x3c: {  	p2 =	seq.s32 s10, $0x1;
	s10 =	sld [smem:$0x3FBA]  }
0x3d: {  	_ =	shalt  }
0x3e: {  	_ =	shalt  }
0x3f: {  	_ =	shalt  }
0x40: {  	_ =	shalt  }
0x41: {  	_ =	shalt  }
0x42: {  	_ =	shalt  }
0x43: {  	_ =	shalt  }
0x44: {  	_ =	shalt  }
0x45: {  	_ =	shalt  }
0x46: {  	_ =	shalt  }
0x47: {  	_ =	shalt  }
0x48: {  	_ =	shalt  }
0x49: {  	_ =	shalt  }
0x4a: {  	_ =	shalt  }
0x4b: {  	_ =	shalt  }
0x4c: {  	_ =	shalt  }
0x4d: {  	_ =	shalt  }
0x4e: {  	_ =	shalt  }
0x4f: {  	_ =	shalt  }
0x50: {  	_ =	shalt  }
0x51: {  	_ =	shalt  }
0x52: {  	_ =	shalt  }
0x53: {  	_ =	shalt  }
0x54: {  	_ =	shalt  }
0x55: {  	_ =	shalt  }
0x56: {  	_ =	shalt  }
0x57: {  	_ =	shalt  }
0x58: {  	_ =	shalt  }
0x59: {  	_ =	shalt  }
0x5a: {  	_ =	shalt  }
0x5b: {  	_ =	shalt  }
0x5c: {  	_ =	shalt  }
0x5d: {  	_ =	shalt  }
0x5e: {  	_ =	shalt  }
0x5f: {  	_ =	shalt  }
0x60: {  	_ =	shalt  }
0x61: {  	_ =	shalt  }
0x62: {  	_ =	shalt  }
0x63: {  	_ =	shalt  }
0x64: {  	_ =	shalt  }
0x65: {  	_ =	shalt  }
0x66: {  	_ =	shalt  }
0x67: {  	_ =	shalt  }
0x68: {  	_ =	shalt  }
0x69: {  	_ =	shalt  }
0x6a: {  	_ =	shalt  }
0x6b: {  	_ =	shalt  }
0x6c: {  	_ =	shalt  }
0x6d: {  	_ =	shalt  }
0x6e: {  	_ =	shalt  }
0x6f: {  	_ =	shalt  }
0x70: {  	_ =	shalt  }
0x71: {  	_ =	shalt  }
0x72: {  	_ =	shalt  }
0x73: {  	_ =	shalt  }
0x74: {  	_ =	shalt  }
0x75: {  	_ =	shalt  }
0x76: {  	_ =	shalt  }
0x77: {  	_ =	shalt  }
0x78: {  	_ =	shalt  }
0x79: {  	_ =	shalt  }
0x7a: {  	_ =	shalt  }
0x7b: {  	_ =	shalt  }
0x7c: {  	_ =	shalt  }
0x7d: {  	_ =	shalt  }
0x7e: {  	_ =	shalt  }
0x7f: {  	_ =	shalt  }
0x80: {  	_ =	shalt  }
0x81: {  	_ =	shalt  }
0x82: {  	_ =	shalt  }
0x83: {  	_ =	shalt  }
0x84: {  	_ =	shalt  }
0x85: {  	_ =	shalt  }
0x86: {  	_ =	shalt  }
0x87: {  	_ =	shalt  }
.Lfunc_end0:
.L_simem_size_0:
called_computation_lowered:
.L_overlay_start_0:
0x88: {  	s2 =	sld [smem:$0x3FD9]  }
0x89: {  	s3 =	sld [smem:$0x3FFE];
	_ =	sdelay $0x1  }
0x8a: {  	s1 =	srdreg.scid  }
0x8b: {  	s0 =	sand.u32 $0x1, s1  }
0x8c: {  	s17 =	sshll.u32 s0, $0xA;
	s2 =	sadd.s32 s3, s2  }
0x8d: {  	s2 =	sadd.s32 s2, s17  }
0x8e: {  	[smem:$0x3FC6] =	sst s2  }
0x8f: {  	_ = 	snop  }
0x90: {  	s2 =	sld [smem:$0x3FC8]  }
0x91: {  	s18 =	sld [smem:$0x3FD0];
	(tm) =	ssettm $0x1  }
0x92: {  	s4 =	sld [smem:$0x3FFB];
	_ =	sdelay $0x3  }
0x93: {  	_ =	strace s4  }
0x94: {  	s4 =	sld [smem:$0x3FFC];
	_ =	sdelay $0x3  }
0x95: {  	_ =	strace s4  }
0x96: {  	s4 =	sld [smem:$0x3FFD];
	_ =	sdelay $0x3  }
0x97: {  	_ =	strace s4  }
0x98: {  	_ =	strace $0x8FFFFFFF  }
0x99: {  	s19 =	sld [smem:$0x3FDB];
	_ =	sdelay $0x1  }
0x9a: {  	s5 =	simm.s32 $_scs_section_size  }
0x9b: {  	s6 =	simm.s32 $_size__tile_overlayer_lowered;
	s7 =	simm.s32 $_tile_overlayer_lowered  }
0x9c: {  	s22 =	simm.s32 $0x1BFF;
	s21 =	sshll.u32 s7, $0x1;
	s4 =	sadd.s32 s5, s19  }
0x9d: {  	s8 =	simm.s32 $0x0;
	s20 =	sshll.u32 s6, $0x1;
	s6 =	sadd.s32 s21, s4  }
0x9e: {  	[timem:s8], [sflag:s22] =	dma.local [hbm:s6], s20  }
0x9f: {  	_ =	swait.ge [sflag:s22], s20  }
0xa0: {  	s5 =	ssub.s32 $0x0, s20;
	[sflag:s22] =	ssyncset.done $0x0  }
0xa1: {  	[sflag:s22] =	ssyncadd.s32 s5;
	_ =	sdelay $0x1  }
0xa2: {  	s23 =	simm.s32 $0x1B8B  }
0xa3: {  	_ =	swait.ge [sflag:s23], $0x1  }
0xa4: {  	[sflag:s23] =	ssyncset.done $0x0  }
0xa5: {  	s25 =	simm.s32 $0x1B8E;
	s24 =	sld [smem:$0x3FFE];
	[sflag:s23] =	ssyncadd.s32 $0xFFFFFFFF  }
0xa6: {  	s26 =	simm.s32 $execute0_lowered;
	[smem:$0x3FD2] =	sst s25  }
0xa7: {  	s6 =	sshll.u32 s26, $0x1;
	_ =	strace $0x80000046;
	[dreg:$0x1] =	wrdreg $0xFFFFFFFF  }
0xa8: {  	s28 =	simm.s32 $_size_execute0_lowered;
	s4 =	sadd.s32 s4, s6;
	[dreg:$0x0] =	wrdreg $0x0  }
0xa9: {  	s6 =	sshll.u32 s28, $0x1;
	[dreg:$0x2] =	wrdreg s4  }
0xaa: {  	[dreg:$0x3] =	wrdreg s6  }
0xab: {  	[dreg:$0x4] =	wrdreg $0xC0  }
0xac: {  	_ =	task [dreg:s8], $0x5FFFF  }
0xad: {  	[dreg:$0x1] =	wrdreg $0xFFFFFFFF  }
0xae: {  	[dreg:$0x0] =	wrdreg $0x60  }
0xaf: {  	[dreg:$0x2] =	wrdreg s24  }
0xb0: {  	[dreg:$0x3] =	wrdreg s2  }
0xb1: {  	[dreg:$0x4] =	wrdreg s18  }
0xb2: {  	[dreg:$0x5] =	wrdreg $0x108000  }
0xb3: {  	[dreg:$0x6] =	wrdreg $0x9  }
0xb4: {  	_ =	task.clear_ibuf [dreg:s8], $0x7FFFF;
	_ =	strace $0x90000046  }
0xb5: {  	s29 =	simm.s32 $0x9;
	_ =	strace $0x80000048  }
0xb6: {  	_ =	swait.ge [sflag:s29], $0x1  }
0xb7: {  	[sflag:s29] =	ssyncadd.s32 $0xFFFFFFFF  }
0xb8: {  	_ =	strace $0x90000048  }
0xb9: {  	_ =	sfence  }
0xba: {  	s30 =	sld [smem:$0x0];
	_ =	sdelay $0x2  }
0xbb: {  	s31 =	sshll.u32 s1, $0xD;
	s1 =	sshrl.u32 s1, $0x2  }
0xbc: {  	s3 =	sand.u32 $0x4000, s31;
	s1 =	sadd.s32 s1, s30  }
0xbd: {  	s0 =	sor.u32 s3, s0;
	s1 =	sshll.u32 s1, $0x11  }
0xbe: {  	s0 =	sor.u32 s1, s0  }
0xbf: {  	s0 =	sadd.s32 $0x8F2B, s0  }
0xc0: {  	[sflag:s0] =	ssyncadd.remote.s32 $0x1  }
0xc1: {  	_ =	sfence.sel $0xFFFF  }
0xc2: {  	[dreg:$0x0] =	wrdreg $0xFFFFFFFF;
	(pc) =	sbr.abs _section_cstart, $3  }
0xc3: {  	[dreg:$0x1] =	wrdreg $0xFFFFFFFF  }
0xc4: {  	_ =	task.clear_ibuf [dreg:s8], $0x2FFFF;
	_ =	strace $0x9FFFFFFF  }
0xc5: {  	(tm) =	ssettm $0x7FFFFFFF  }
tec
execute0_lowered:
.L_overlay_start_1:
0x0: {  	(tag) =	ssettag $0x1  }
0x1: {  	s4 =	rddreg [dreg:$0x0]  }
0x2: {  	s7 =	rddreg [dreg:$0x2]  }
0x3: {  	s2 =	rddreg [dreg:$0x3];
	s5 =	srdreg.scid  }
0x4: {  	s8 =	stileid.u32;
	s3 =	simm.s32 $0x0;
	s12 =	simm.s32 $0x800  }
0x5: {  	s13 =	simm.s32 $0x680;
	s14 =	simm.s32 $0x4800;
	s15 =	simm.s32 $0x700  }
0x6: {  	s16 =	simm.s32 $0x8800;
	s17 =	simm.s32 $0x780;
	s18 =	simm.s32 $0xC800  }
0x7: {  	s19 =	simm.s32 $0x2;
	s20 =	simm.s32 $0x3;
	s21 =	simm.s32 $0x4  }
0x8: {  	s22 =	simm.s32 $0x5;
	s23 =	simm.s32 $0x6;
	s24 =	simm.s32 $0x7  }
0x9: {  	s28 =	simm.s32 $0x0;
	s9 =	sand.u32 $0x1, s5;
	s25 =	smul.u32 $0x18000, s8  }
0xa: {  	[smem:$0x7FF] =	sst s3;
	s6 =	sshll.u32 s8, $0x1;
	s26 =	sadd.s32 $0x400, s4  }
0xb: {  	s31 =	sshll.u32 s8, $0x13;
	p0 =	sne.s32 s8, $0x0;
	s10 =	smul.u32 $0xC000, s9  }
0xc: {  	_ =	strace $0x80000047;
	s6 =	sor.u32 s9, s6;
	s11 =	ssub.s32 $0x2, s9  }
0xd: {  	s7 =	sadd.s32 s31, s7;
	s9 =	sshll.u32 s9, $0x12;
	s8 =	sshrl.u32 @!p0 s2, $0x3  }
0xe: {  	s6 =	smul.u32 $0x1800, s6;
	s29 =	sshrl.u32 s11, $0x1;
	s7 =	sadd.s32 s9, s7  }
0xf: {  	s9 =	simm.s32 $0x1;
	s5 =	sadd.s32 s10, s25;
	s11 =	ssub.s32 s11, s29  }
0x10: {  	s10 =	simm.s32 $0x80;
	s25 =	simm.s32 $0x8;
	s5 =	sor.u32 $0x600, s5  }
0x11: {  	s4 =	sadd.s32 s26, s6;
	s30 =	sshrl.u32 s5, $0x3;
	s5 =	smax.u32 s11, $0x1  }
0x12: {  	s11 =	simm.s32 $0x600;
	s6 =	sadd.s32 s30, s26;
	s26 =	simm.s32 $0x9  }
.LBB2_1:
0x13: {  	s29 =	simm.s32 @!p0 $0x1C0A;
	s0 =	rddreg [dreg:$0x1]  }
0x14: {  	[spmem:s8], [sflag:s29] =	dma.local @!p0 [hbm:s0], $0x80  }
0x15: {  	s29 =	simm.s32 @!p0 $0xA  }
0x16: {  	_ =	swait.ge @!p0 [sflag:s29], $0x80  }
0x17: {  	[sflag:s29] =	ssyncset.done @!p0 $0x0  }
0x18: {  	[sflag:s29] =	ssyncadd.s32 @!p0 $0xFFFFFF80  }
0x19: {  	[tilespmem:s3], [sflag:$0x1] =	stream.linear.gather [hbm4b:s4+s3], $0x600, $0x38;
	[tilespmem:$0x10840] =	vst v63  }
0x1a: {  	_ =	swait.ge [sflag:s9], $0x600  }
0x1b: {  	[sflag:s9] =	ssyncset.done $0x0  }
0x1c: {  	[sflag:s9] =	ssyncadd.s32 $0xFFFFFA00  }
0x1d: {  	v0 =	vld [tilespmem:$0x0]  }
0x1e: {  	v1 =	vld [tilespmem:$0x200]  }
0x1f: {  	v2 =	vld [tilespmem:$0x400]  }
0x20: {  	v3 =	vld [tilespmem:$0x10]  }
0x21: {  	v4 =	vld [tilespmem:$0x210]  }
0x22: {  	v5 =	vld [tilespmem:$0x410]  }
0x23: {  	v6 =	vld [tilespmem:$0x20]  }
0x24: {  	v7 =	vld [tilespmem:$0x220]  }
0x25: {  	v8 =	vld [tilespmem:$0x420]  }
0x26: {  	v9 =	vld [tilespmem:$0x30]  }
0x27: {  	v10 =	vld [tilespmem:$0x230]  }
0x28: {  	v11 =	vld [tilespmem:$0x430]  }
0x29: {  	v12 =	vld [tilespmem:$0x40]  }
0x2a: {  	v13 =	vld [tilespmem:$0x240]  }
0x2b: {  	v14 =	vld [tilespmem:$0x440]  }
0x2c: {  	v15 =	vld [tilespmem:$0x50]  }
0x2d: {  	v16 =	vld [tilespmem:$0x250]  }
0x2e: {  	v17 =	vld [tilespmem:$0x450]  }
0x2f: {  	v18 =	vld [tilespmem:$0x60]  }
0x30: {  	v19 =	vld [tilespmem:$0x260]  }
0x31: {  	v20 =	vld [tilespmem:$0x460]  }
0x32: {  	v21 =	vld [tilespmem:$0x70]  }
0x33: {  	v22 =	vld [tilespmem:$0x270]  }
0x34: {  	v23 =	vld [tilespmem:$0x470]  }
0x35: {  	v24 =	vld [tilespmem:$0x80]  }
0x36: {  	v25 =	vld [tilespmem:$0x280]  }
0x37: {  	v26 =	vld [tilespmem:$0x480]  }
0x38: {  	v27 =	vld [tilespmem:$0x90]  }
0x39: {  	v28 =	vld [tilespmem:$0x290]  }
0x3a: {  	v29 =	vld [tilespmem:$0x490]  }
0x3b: {  	v30 =	vld [tilespmem:$0xA0]  }
0x3c: {  	v31 =	vld [tilespmem:$0x2A0]  }
0x3d: {  	v32 =	vld [tilespmem:$0x4A0]  }
0x3e: {  	v33 =	vld [tilespmem:$0xB0]  }
0x3f: {  	v34 =	vld [tilespmem:$0x2B0]  }
0x40: {  	v35 =	vld [tilespmem:$0x4B0]  }
0x41: {  	v36 =	vld [tilespmem:$0xC0]  }
0x42: {  	v37 =	vld [tilespmem:$0x2C0]  }
0x43: {  	v38 =	vld [tilespmem:$0xD0]  }
0x44: {  	v39 =	vld [tilespmem:$0x4D0];
	v0 =	vshll.u32 v0, $0x1;
	v2 =	vshll.u32 v2, $0x1  }
0x45: {  	v48 =	vld [tilespmem:$0x4F0];
	v60 =	vshll.u32 v5, $0x1;
	v3 =	vshll.u32 v3, $0x1;
	v62 =	vshll.u32 v6, $0x1  }
0x46: {  	v53 =	vld [tilespmem:$0x500];
	v63 =	vshll.u32 v8, $0x1;
	v43 =	vshll.u32 v11, $0x1;
	v9 =	vshll.u32 v9, $0x1  }
0x47: {  	v41 =	vld [tilespmem:$0x140];
	v45 =	vshll.u32 v12, $0x1;
	v46 =	vshll.u32 v14, $0x1;
	v47 =	vshll.u32 v17, $0x1  }
0x48: {  	v57 =	vld [tilespmem:$0x510];
	v15 =	vshll.u32 v15, $0x1;
	v50 =	vshll.u32 v18, $0x1;
	v51 =	vshll.u32 v20, $0x1  }
0x49: {  	v5 =	vld [tilespmem:$0x4C0];
	v52 =	vshll.u32 v23, $0x1;
	v21 =	vshll.u32 v21, $0x1;
	v55 =	vshll.u32 v24, $0x1  }
0x4a: {  	v8 =	vld [tilespmem:$0xE0];
	v56 =	vshll.u32 v26, $0x1;
	v58 =	vshll.u32 v29, $0x1;
	v27 =	vshll.u32 v27, $0x1  }
0x4b: {  	v11 =	vld [tilespmem:$0x2E0];
	v33 =	vshll.u32 v33, $0x1;
	v42 =	vshll.u32 v36, $0x1;
	v6 =	vshll.u32 v39, $0x1  }
0x4c: {  	v12 =	vld [tilespmem:$0xF0];
	v48 =	vshll.u32 v48, $0x1;
	v41 =	vshll.u32 v41, $0x1;
	v0 =	vadd.s32 v0, v1  }
0x4d: {  	v14 =	vld [tilespmem:$0x2F0];
	v59 =	vadd.s32 $0x2, v2;
	v2 =	vadd.s32 $0x2, v60;
	v61 =	vadd.s32 v3, v4  }
0x4e: {  	v18 =	vld [tilespmem:$0x300];
	v4 =	vadd.s32 $0x2, v63;
	v44 =	vadd.s32 v9, v10;
	v10 =	vadd.s32 $0x2, v46  }
0x4f: {  	v23 =	vld [tilespmem:$0x110];
	v49 =	vadd.s32 v15, v16;
	v16 =	vadd.s32 $0x2, v51;
	v54 =	vadd.s32 v21, v22  }
0x50: {  	v26 =	vld [tilespmem:$0x120];
	v22 =	vadd.s32 $0x2, v56;
	v60 =	vshll.u32 v30, $0x1;
	v40 =	vadd.s32 v33, v34  }
0x51: {  	v29 =	vld [tilespmem:$0x320];
	v6 =	vadd.s32 $0x2, v6;
	v1 =	vand.u32 $0xFFFFFFFC, v59;
	v2 =	vand.u32 $0xFFFFFFFC, v2  }
0x52: {  	v17 =	vld [tilespmem:$0x160];
	v4 =	vand.u32 $0xFFFFFFFC, v4;
	v10 =	vand.u32 $0xFFFFFFFC, v10;
	v16 =	vand.u32 $0xFFFFFFFC, v16  }
0x53: {  	v20 =	vld [tilespmem:$0x370];
	v22 =	vand.u32 $0xFFFFFFFC, v22;
	v59 =	vadd.s32 v27, v28;
	v6 =	vand.u32 $0xFFFFFFFC, v6  }
0x54: {  	v3 =	vld [tilespmem:$0x2D0];
	v0 =	vadd.s32 v1, v0;
	v1 =	vadd.s32 v2, v61;
	v2 =	vadd.s32 v62, v7  }
0x55: {  	v9 =	vld [tilespmem:$0x4E0];
	v7 =	vadd.s32 $0x2, v43;
	v61 =	vshll.u32 v32, $0x1;
	v62 =	vshll.u32 v35, $0x1  }
0x56: {  	v15 =	vld [tilespmem:$0x100];
	v2 =	vadd.s32 v4, v2;
	v7 =	vand.u32 $0xFFFFFFFC, v7;
	v28 =	vadd.s32 $0x2, v61  }
0x57: {  	v21 =	vld [tilespmem:$0x310];
	v4 =	vadd.s32 v7, v44;
	v7 =	vadd.s32 v45, v13;
	v13 =	vadd.s32 $0x2, v47  }
0x58: {  	v30 =	vld [tilespmem:$0x130];
	v28 =	vand.u32 $0xFFFFFFFC, v28;
	v5 =	vshll.u32 v5, $0x1;
	v44 =	vshll.u32 v38, $0x1  }
0x59: {  	v63 =	vld [tilespmem:$0x530];
	v45 =	vshll.u32 v8, $0x1;
	v12 =	vshll.u32 v12, $0x1;
	v7 =	vadd.s32 v10, v7  }
0x5a: {  	v34 =	vld [tilespmem:$0x340];
	v13 =	vand.u32 $0xFFFFFFFC, v13;
	v5 =	vadd.s32 $0x2, v5;
	v3 =	vadd.s32 v44, v3  }
0x5b: {  	v56 =	vld [tilespmem:$0x570];
	v46 =	vshll.u32 v9, $0x1;
	v51 =	vshll.u32 v15, $0x1;
	v10 =	vadd.s32 v13, v49  }
0x5c: {  	v27 =	vld [tilespmem:$0x520];
	v13 =	vadd.s32 v50, v19;
	v19 =	vadd.s32 $0x2, v52;
	v5 =	vand.u32 $0xFFFFFFFC, v5  }
0x5d: {  	v32 =	vld [tilespmem:$0x330];
	v3 =	vadd.s32 v6, v3;
	v6 =	vadd.s32 v45, v11;
	v8 =	vadd.s32 $0x2, v46  }
0x5e: {  	v43 =	vld [tilespmem:$0x540];
	v11 =	vadd.s32 $0x2, v48;
	v49 =	vadd.s32 v12, v14;
	v52 =	vshll.u32 v53, $0x1  }
0x5f: {  	v38 =	vld [tilespmem:$0x150];
	v53 =	vshll.u32 v57, $0x1;
	[tilespmem:$0x640] =	vst v7;
	v7 =	vadd.s32 v41, v34;
	v13 =	vadd.s32 v16, v13  }
0x60: {  	v47 =	vld [tilespmem:$0x550];
	v19 =	vand.u32 $0xFFFFFFFC, v19;
	v8 =	vand.u32 $0xFFFFFFFC, v8;
	v11 =	vand.u32 $0xFFFFFFFC, v11  }
0x61: {  	v15 =	vld [tilespmem:$0x170];
	v14 =	vadd.s32 $0x2, v52;
	v16 =	vadd.s32 v19, v54;
	v19 =	vadd.s32 v55, v25  }
0x62: {  	v44 =	vld [tilespmem:$0x1A0];
	v25 =	vadd.s32 $0x2, v58;
	v6 =	vadd.s32 v8, v6;
	v8 =	vadd.s32 v11, v49  }
0x63: {  	v50 =	vld [tilespmem:$0x560];
	v11 =	vadd.s32 v51, v18;
	v54 =	vand.u32 $0xFFFFFFFC, v14;
	v55 =	vshll.u32 v23, $0x1  }
0x64: {  	v46 =	vld [tilespmem:$0x3A0];
	v18 =	vadd.s32 $0x2, v53;
	v49 =	vshll.u32 v17, $0x1;
	v51 =	vshll.u32 v56, $0x1  }
0x65: {  	[tilespmem:$0x600] =	vst v0;
	v48 =	vld [tilespmem:$0x5A0];
	v19 =	vadd.s32 v22, v19;
	v25 =	vand.u32 $0xFFFFFFFC, v25;
	v0 =	vadd.s32 v54, v11  }
0x66: {  	v52 =	vld [tilespmem:$0x3B0];
	v57 =	vadd.s32 v55, v21;
	v58 =	vand.u32 $0xFFFFFFFC, v18;
	v9 =	vshll.u32 v47, $0x1  }
0x67: {  	v14 =	vld [tilespmem:$0x180];
	v45 =	vshll.u32 v38, $0x1;
	v55 =	vadd.s32 $0x2, v51;
	v22 =	vadd.s32 v25, v59  }
0x68: {  	[tilespmem:$0x610] =	vst v1;
	v56 =	vld [tilespmem:$0x5B0];
	v25 =	vadd.s32 v60, v31;
	v31 =	vadd.s32 $0x2, v62;
	v1 =	vadd.s32 v58, v57  }
0x69: {  	[tilespmem:$0x620] =	vst v2;
	v18 =	vld [tilespmem:$0x380];
	v59 =	vshll.u32 v26, $0x1;
	v60 =	vshll.u32 v27, $0x1;
	v62 =	vshll.u32 v63, $0x1  }
0x6a: {  	[tilespmem:$0x630] =	vst v4;
	v38 =	vld [tilespmem:$0x1E0];
	v9 =	vadd.s32 $0x2, v9;
	v54 =	vshll.u32 v15, $0x1;
	v33 =	vshll.u32 v44, $0x1  }
0x6b: {  	[tilespmem:$0x650] =	vst v10;
	v63 =	vld [tilespmem:$0x580];
	v25 =	vadd.s32 v28, v25;
	v31 =	vand.u32 $0xFFFFFFFC, v31;
	v2 =	vadd.s32 v59, v29  }
0x6c: {  	[tilespmem:$0x6D0] =	vst v3;
	v61 =	vadd.s32 $0x2, v60;
	v29 =	vshll.u32 v30, $0x1;
	v11 =	vadd.s32 $0x2, v62;
	v30 =	vld [tilespmem:$0x190]  }
0x6d: {  	[tilespmem:$0x660] =	vst v13;
	v9 =	vand.u32 $0xFFFFFFFC, v9;
	v12 =	vshll.u32 v50, $0x1;
	v50 =	vld [tilespmem:$0x1B0];
	v58 =	vadd.s32 v54, v20  }
0x6e: {  	[tilespmem:$0x670] =	vst v16;
	v59 =	vand.u32 $0xFFFFFFFC, v55;
	v60 =	vld [tilespmem:$0x1C0];
	v34 =	vshll.u32 v48, $0x1;
	v28 =	vadd.s32 v31, v40  }
0x6f: {  	[tilespmem:$0x6E0] =	vst v6;
	v31 =	vadd.s32 v42, v37;
	v37 =	vld [tilespmem:$0x360];
	v4 =	vand.u32 $0xFFFFFFFC, v61;
	v35 =	vadd.s32 v29, v32  }
0x70: {  	[tilespmem:$0x6F0] =	vst v8;
	v39 =	vand.u32 $0xFFFFFFFC, v11;
	v40 =	vld [tilespmem:$0x390];
	v42 =	vshll.u32 v43, $0x1;
	v12 =	vadd.s32 $0x2, v12  }
0x71: {  	v43 =	vld [tilespmem:$0x590];
	[tilespmem:$0x6A0] =	vst v25;
	v36 =	vadd.s32 $0x2, v34;
	v5 =	vadd.s32 v5, v31;
	v2 =	vadd.s32 v4, v2  }
0x72: {  	v25 =	vld [tilespmem:$0x5C0];
	v4 =	vadd.s32 v39, v35;
	v11 =	vadd.s32 $0x2, v42;
	v53 =	vand.u32 $0xFFFFFFFC, v12;
	[tilespmem:$0x6C0] =	vst v5  }
0x73: {  	v29 =	vld [tilespmem:$0x1D0];
	v61 =	vshll.u32 v14, $0x1;
	v11 =	vand.u32 $0xFFFFFFFC, v11;
	v5 =	vadd.s32 v59, v58;
	[tilespmem:$0x720] =	vst v2  }
0x74: {  	v32 =	vld [tilespmem:$0x3D0];
	v6 =	vadd.s32 v61, v18;
	[tilespmem:$0x730] =	vst v4;
	v2 =	vadd.s32 v33, v46;
	v4 =	vand.u32 $0xFFFFFFFC, v36  }
0x75: {  	[tilespmem:$0x680] =	vst v19;
	v31 =	vld [tilespmem:$0x350];
	v55 =	vshll.u32 v38, $0x1;
	v7 =	vadd.s32 v11, v7;
	v62 =	vshll.u32 v63, $0x1  }
0x76: {  	[tilespmem:$0x6B0] =	vst v28;
	v35 =	vld [tilespmem:$0x5D0];
	v2 =	vadd.s32 v4, v2;
	v20 =	vadd.s32 $0x2, v62;
	v28 =	vshll.u32 v30, $0x1  }
0x77: {  	[tilespmem:$0x700] =	vst v0;
	v42 =	vld [tilespmem:$0x5E0];
	v39 =	vshll.u32 v50, $0x1;
	v44 =	vshll.u32 v60, $0x1;
	v11 =	vadd.s32 v49, v37  }
0x78: {  	[tilespmem:$0x690] =	vst v22;
	v21 =	vshll.u32 v43, $0x1;
	v27 =	vand.u32 $0xFFFFFFFC, v20;
	v30 =	vadd.s32 v28, v40  }
0x79: {  	[tilespmem:$0x710] =	vst v1;
	v46 =	vld [tilespmem:$0x5F0];
	v37 =	vshll.u32 v56, $0x1;
	v41 =	vadd.s32 v39, v52;
	v51 =	vshll.u32 v29, $0x1  }
0x7a: {  	v63 =	vld [tilespmem:$0x3C0];
	[tilespmem:$0x770] =	vst v5;
	v47 =	vadd.s32 v45, v31;
	v57 =	vadd.s32 v53, v11;
	v11 =	vadd.s32 $0x2, v21  }
0x7b: {  	[tilespmem:$0x740] =	vst v7;
	v0 =	vadd.s32 v27, v6;
	v6 =	vadd.s32 $0x2, v37;
	v45 =	vshll.u32 v25, $0x1  }
0x7c: {  	[tilespmem:$0x7A0] =	vst v2;
	v40 =	vld [tilespmem:$0x3E0];
	v48 =	vshll.u32 v35, $0x1;
	v53 =	vadd.s32 v51, v32;
	v56 =	vshll.u32 v42, $0x1  }
0x7d: {  	v49 =	vld [tilespmem:$0x1F0];
	v9 =	vadd.s32 v9, v47;
	v31 =	vand.u32 $0xFFFFFFFC, v11;
	v6 =	vand.u32 $0xFFFFFFFC, v6;
	[tilespmem:$0x760] =	vst v57  }
0x7e: {  	v52 =	vld [tilespmem:$0x3F0];
	v47 =	vadd.s32 $0x2, v45;
	[tilespmem:$0x780] =	vst v0;
	v57 =	vadd.s32 $0x2, v56;
	v58 =	vshll.u32 v46, $0x1  }
0x7f: {  	v1 =	vadd.s32 v31, v30;
	[tilespmem:$0x750] =	vst v9;
	v43 =	vadd.s32 v6, v41;
	v4 =	vadd.s32 v44, v63  }
0x80: {  	v50 =	vand.u32 $0xFFFFFFFC, v47;
	v6 =	vadd.s32 $0x2, v48;
	v59 =	vand.u32 $0xFFFFFFFC, v57;
	[tilespmem:$0x790] =	vst v1  }
0x81: {  	v0 =	vadd.s32 v50, v4;
	v54 =	vand.u32 $0xFFFFFFFC, v6;
	[tilespmem:$0x7B0] =	vst v43;
	v4 =	vadd.s32 $0x2, v58  }
0x82: {  	v1 =	vadd.s32 v54, v53;
	v2 =	vadd.s32 v55, v40;
	[tilespmem:$0x7C0] =	vst v0;
	v60 =	vshll.u32 v49, $0x1  }
0x83: {  	v62 =	vand.u32 $0xFFFFFFFC, v4;
	[tilespmem:$0x7D0] =	vst v1;
	v0 =	vadd.s32 v59, v2;
	v61 =	vadd.s32 v60, v52  }
0x84: {  	[tilespmem:$0x7E0] =	vst v0;
	v63 =	vadd.s32 v62, v61  }
0x85: {  	[tilespmem:$0x7F0] =	vst v63  }
0x86: {  	[bflag:$0x0] =	sbarrier.arrive $0xFFFF  }
0x87: {  	[tilespmem:s12], [sflag:$0x2] =	stream.indirect.gather [spmem:s2], $0x80, s11, s10, $0xb8;
	[tilespmem:$0x10840] =	vst v63  }
0x88: {  	_ = 	snop  }
0x89: {  	[tilespmem:s14], [sflag:$0x3] =	stream.indirect.gather [spmem:s2], $0x80, s13, s10, $0xb8;
	[tilespmem:$0x10840] =	vst v63  }
0x8a: {  	_ = 	snop  }
0x8b: {  	[tilespmem:s16], [sflag:$0x4] =	stream.indirect.gather [spmem:s2], $0x80, s15, s10, $0xb8;
	[tilespmem:$0x10840] =	vst v63  }
0x8c: {  	s30 =	simm.s32 $0x0;
	s29 =	smov.u32 s6  }
0x8d: {  	[tilespmem:s18], [sflag:$0x5] =	stream.indirect.gather [spmem:s2], $0x80, s17, s10, $0xb8;
	[tilespmem:$0x10840] =	vst v63  }
.LBB2_2:
0x8e: {  	_ =	swait.ge [sflag:s19], $0x4000  }
0x8f: {  	[sflag:s19] =	ssyncset.done $0x0  }
0x90: {  	s31 =	sadd.s32 s30, s7;
	[sflag:s19] =	ssyncadd.s32 $0xFFFFC000  }
0x91: {  	[hbm4b:s31+s3] =	stream.linear.scatter [tilespmem:s12], [sflag:$0x6], $0x4000, $0x38;
	[tilespmem:$0x10840] =	vst v63  }
0x92: {  	_ =	swait.ge [sflag:s20], $0x4000  }
0x93: {  	[sflag:s20] =	ssyncset.done $0x0  }
0x94: {  	s0 =	sadd.s32 $0x800, s31;
	[sflag:s20] =	ssyncadd.s32 $0xFFFFC000  }
0x95: {  	[hbm4b:s0+s3] =	stream.linear.scatter [tilespmem:s14], [sflag:$0x7], $0x4000, $0x38;
	[tilespmem:$0x10840] =	vst v63  }
0x96: {  	_ =	swait.ge [sflag:s21], $0x4000  }
0x97: {  	[sflag:s21] =	ssyncset.done $0x0  }
0x98: {  	s1 =	sadd.s32 $0x1000, s31;
	[sflag:s21] =	ssyncadd.s32 $0xFFFFC000  }
0x99: {  	[hbm4b:s1+s3] =	stream.linear.scatter [tilespmem:s16], [sflag:$0x8], $0x4000, $0x38;
	[tilespmem:$0x10840] =	vst v63  }
0x9a: {  	_ =	swait.ge [sflag:s22], $0x4000  }
0x9b: {  	[sflag:s22] =	ssyncset.done $0x0  }
0x9c: {  	p1 =	seq.s32 s30, $0x3E000;
	s31 =	sadd.s32 $0x1800, s31;
	[sflag:s22] =	ssyncadd.s32 $0xFFFFC000  }
0x9d: {  	[hbm4b:s31+s3] =	stream.linear.scatter [tilespmem:s18], [sflag:$0x9], $0x4000, $0x38;
	[tilespmem:$0x10840] =	vst v63  }
0x9e: {  	s0 =	simm.s32 @!p1 $0x0  }
0x9f: {  	[tilespmem:s0], [sflag:$0x1] =	stream.linear.gather @!p1 [hbm4b:s29+s0], $0x600, $0x38;
	[tilespmem:$0x10840] =	vst v63  }
0xa0: {  	s0 =	simm.s32 @!p1 $0x1  }
0xa1: {  	_ =	swait.ge @!p1 [sflag:s0], $0x600  }
0xa2: {  	[sflag:s0] =	ssyncset.done @!p1 $0x0  }
0xa3: {  	[sflag:s0] =	ssyncadd.s32 @!p1 $0xFFFFFA00  }
0xa4: {  	v0 =	vld @!p1 [tilespmem:$0x0]  }
0xa5: {  	v1 =	vld @!p1 [tilespmem:$0x200]  }
0xa6: {  	v2 =	vld @!p1 [tilespmem:$0x400]  }
0xa7: {  	v3 =	vld @!p1 [tilespmem:$0x10]  }
0xa8: {  	v4 =	vld @!p1 [tilespmem:$0x210]  }
0xa9: {  	v5 =	vld @!p1 [tilespmem:$0x410]  }
0xaa: {  	v6 =	vld @!p1 [tilespmem:$0x20]  }
0xab: {  	v7 =	vld @!p1 [tilespmem:$0x220]  }
0xac: {  	v8 =	vld @!p1 [tilespmem:$0x420]  }
0xad: {  	v9 =	vld @!p1 [tilespmem:$0x30]  }
0xae: {  	v10 =	vld @!p1 [tilespmem:$0x230]  }
0xaf: {  	v11 =	vld @!p1 [tilespmem:$0x430]  }
0xb0: {  	v12 =	vld @!p1 [tilespmem:$0x40]  }
0xb1: {  	v13 =	vld @!p1 [tilespmem:$0x240]  }
0xb2: {  	v14 =	vld @!p1 [tilespmem:$0x440]  }
0xb3: {  	v15 =	vld @!p1 [tilespmem:$0x50]  }
0xb4: {  	v16 =	vld @!p1 [tilespmem:$0x250]  }
0xb5: {  	v17 =	vld @!p1 [tilespmem:$0x450]  }
0xb6: {  	v18 =	vld @!p1 [tilespmem:$0x60]  }
0xb7: {  	v19 =	vld @!p1 [tilespmem:$0x260]  }
0xb8: {  	v20 =	vld @!p1 [tilespmem:$0x460]  }
0xb9: {  	v21 =	vld @!p1 [tilespmem:$0x70]  }
0xba: {  	v22 =	vld @!p1 [tilespmem:$0x270]  }
0xbb: {  	v23 =	vld @!p1 [tilespmem:$0x470]  }
0xbc: {  	v24 =	vld @!p1 [tilespmem:$0x80]  }
0xbd: {  	v25 =	vld @!p1 [tilespmem:$0x280]  }
0xbe: {  	v26 =	vld @!p1 [tilespmem:$0x480]  }
0xbf: {  	v27 =	vld @!p1 [tilespmem:$0x90]  }
0xc0: {  	v28 =	vld @!p1 [tilespmem:$0x290]  }
0xc1: {  	v29 =	vld @!p1 [tilespmem:$0x490]  }
0xc2: {  	v30 =	vld @!p1 [tilespmem:$0xA0]  }
0xc3: {  	v31 =	vld @!p1 [tilespmem:$0x2A0]  }
0xc4: {  	v32 =	vld @!p1 [tilespmem:$0x4A0]  }
0xc5: {  	v33 =	vld @!p1 [tilespmem:$0xB0]  }
0xc6: {  	v34 =	vld @!p1 [tilespmem:$0x2B0]  }
0xc7: {  	v35 =	vld @!p1 [tilespmem:$0x4B0]  }
0xc8: {  	v36 =	vld @!p1 [tilespmem:$0xC0];
	v0 =	vshll.u32 @!p1 v0, $0x1;
	v2 =	vshll.u32 @!p1 v2, $0x1  }
0xc9: {  	v37 =	vld @!p1 [tilespmem:$0x2C0];
	v3 =	vshll.u32 @!p1 v3, $0x1;
	v9 =	vshll.u32 @!p1 v9, $0x1;
	v15 =	vshll.u32 @!p1 v15, $0x1  }
0xca: {  	v38 =	vld @!p1 [tilespmem:$0xD0];
	v21 =	vshll.u32 @!p1 v21, $0x1;
	v0 =	vadd.s32 @!p1 v0, v1;
	v1 =	vadd.s32 @!p1 $0x2, v2  }
0xcb: {  	v27 =	vshll.u32 @!p1 v27, $0x1;
	v2 =	vshll.u32 @!p1 v5, $0x1;
	v5 =	vld @!p1 [tilespmem:$0x4C0];
	v1 =	vand.u32 @!p1 $0xFFFFFFFC, v1  }
0xcc: {  	v2 =	vadd.s32 @!p1 $0x2, v2;
	v0 =	vadd.s32 @!p1 v1, v0;
	v1 =	vadd.s32 @!p1 v3, v4;
	v3 =	vld @!p1 [tilespmem:$0x2D0]  }
0xcd: {  	v33 =	vshll.u32 @!p1 v33, $0x1;
	v2 =	vand.u32 @!p1 $0xFFFFFFFC, v2;
	v4 =	vshll.u32 @!p1 v8, $0x1;
	v8 =	vld @!p1 [tilespmem:$0xE0]  }
0xce: {  	v1 =	vadd.s32 @!p1 v2, v1;
	v2 =	vshll.u32 @!p1 v6, $0x1;
	v6 =	vld @!p1 [tilespmem:$0x4D0];
	v4 =	vadd.s32 @!p1 $0x2, v4  }
0xcf: {  	v2 =	vadd.s32 @!p1 v2, v7;
	v7 =	vshll.u32 @!p1 v11, $0x1;
	v4 =	vand.u32 @!p1 $0xFFFFFFFC, v4;
	v11 =	vld @!p1 [tilespmem:$0x2E0]  }
0xd0: {  	v7 =	vadd.s32 @!p1 $0x2, v7;
	v2 =	vadd.s32 @!p1 v4, v2;
	v4 =	vadd.s32 @!p1 v9, v10;
	v9 =	vld @!p1 [tilespmem:$0x4E0]  }
0xd1: {  	v10 =	vshll.u32 @!p1 v14, $0x1;
	v14 =	vld @!p1 [tilespmem:$0x2F0];
	v5 =	vshll.u32 @!p1 v5, $0x1;
	v7 =	vand.u32 @!p1 $0xFFFFFFFC, v7  }
0xd2: {  	v10 =	vadd.s32 @!p1 $0x2, v10;
	v4 =	vadd.s32 @!p1 v7, v4;
	v7 =	vshll.u32 @!p1 v12, $0x1;
	v12 =	vld @!p1 [tilespmem:$0xF0]  }
0xd3: {  	v10 =	vand.u32 @!p1 $0xFFFFFFFC, v10;
	v7 =	vadd.s32 @!p1 v7, v13;
	v13 =	vshll.u32 @!p1 v17, $0x1;
	v17 =	vld @!p1 [tilespmem:$0x4F0]  }
0xd4: {  	v13 =	vadd.s32 @!p1 $0x2, v13;
	v7 =	vadd.s32 @!p1 v10, v7;
	v10 =	vadd.s32 @!p1 v15, v16;
	v15 =	vld @!p1 [tilespmem:$0x100]  }
0xd5: {  	v5 =	vadd.s32 @!p1 $0x2, v5;
	v16 =	vshll.u32 @!p1 v20, $0x1;
	v20 =	vld @!p1 [tilespmem:$0x500];
	v13 =	vand.u32 @!p1 $0xFFFFFFFC, v13  }
0xd6: {  	v5 =	vand.u32 @!p1 $0xFFFFFFFC, v5;
	v10 =	vadd.s32 @!p1 v13, v10;
	v13 =	vshll.u32 @!p1 v18, $0x1;
	v18 =	vld @!p1 [tilespmem:$0x300]  }
0xd7: {  	v16 =	vadd.s32 @!p1 $0x2, v16;
	v13 =	vadd.s32 @!p1 v13, v19;
	v19 =	vshll.u32 @!p1 v23, $0x1;
	v23 =	vld @!p1 [tilespmem:$0x110]  }
0xd8: {  	v6 =	vshll.u32 @!p1 v6, $0x1;
	v16 =	vand.u32 @!p1 $0xFFFFFFFC, v16;
	[tilespmem:$0x650] =	vst @!p1 v10;
	v10 =	vld @!p1 [tilespmem:$0x390];
	v19 =	vadd.s32 @!p1 $0x2, v19  }
0xd9: {  	v13 =	vadd.s32 @!p1 v16, v13;
	v16 =	vadd.s32 @!p1 v21, v22;
	v21 =	vld @!p1 [tilespmem:$0x310];
	v19 =	vand.u32 @!p1 $0xFFFFFFFC, v19  }
0xda: {  	v22 =	vshll.u32 @!p1 v26, $0x1;
	v26 =	vld @!p1 [tilespmem:$0x120];
	v16 =	vadd.s32 @!p1 v19, v16;
	v19 =	vshll.u32 @!p1 v24, $0x1  }
0xdb: {  	v22 =	vadd.s32 @!p1 $0x2, v22;
	[tilespmem:$0x660] =	vst @!p1 v13;
	v13 =	vld @!p1 [tilespmem:$0x590];
	v19 =	vadd.s32 @!p1 v19, v25;
	v25 =	vshll.u32 @!p1 v29, $0x1  }
0xdc: {  	v6 =	vadd.s32 @!p1 $0x2, v6;
	v24 =	vld @!p1 [tilespmem:$0x510];
	v22 =	vand.u32 @!p1 $0xFFFFFFFC, v22;
	v25 =	vadd.s32 @!p1 $0x2, v25  }
0xdd: {  	v29 =	vld @!p1 [tilespmem:$0x320];
	v19 =	vadd.s32 @!p1 v22, v19;
	v22 =	vadd.s32 @!p1 v27, v28;
	v25 =	vand.u32 @!p1 $0xFFFFFFFC, v25  }
0xde: {  	[tilespmem:$0x670] =	vst @!p1 v16;
	v16 =	vld @!p1 [tilespmem:$0x1A0];
	v28 =	vshll.u32 @!p1 v32, $0x1;
	v22 =	vadd.s32 @!p1 v25, v22;
	v25 =	vshll.u32 @!p1 v30, $0x1  }
0xdf: {  	v28 =	vadd.s32 @!p1 $0x2, v28;
	v30 =	vld @!p1 [tilespmem:$0x130];
	v25 =	vadd.s32 @!p1 v25, v31;
	v31 =	vshll.u32 @!p1 v35, $0x1  }
0xe0: {  	v6 =	vand.u32 @!p1 $0xFFFFFFFC, v6;
	v27 =	vld @!p1 [tilespmem:$0x520];
	v28 =	vand.u32 @!p1 $0xFFFFFFFC, v28;
	v31 =	vadd.s32 @!p1 $0x2, v31  }
0xe1: {  	v32 =	vld @!p1 [tilespmem:$0x330];
	v25 =	vadd.s32 @!p1 v28, v25;
	v28 =	vadd.s32 @!p1 v33, v34;
	v31 =	vand.u32 @!p1 $0xFFFFFFFC, v31  }
0xe2: {  	[tilespmem:$0x620] =	vst @!p1 v2;
	v2 =	vshll.u32 @!p1 v26, $0x1;
	v26 =	vld @!p1 [tilespmem:$0x3A0];
	v28 =	vadd.s32 @!p1 v31, v28;
	v31 =	vshll.u32 @!p1 v36, $0x1  }
0xe3: {  	v12 =	vshll.u32 @!p1 v12, $0x1;
	v35 =	vld @!p1 [tilespmem:$0x530];
	v31 =	vadd.s32 @!p1 v31, v37;
	v37 =	vshll.u32 @!p1 v38, $0x1  }
0xe4: {  	[tilespmem:$0x640] =	vst @!p1 v7;
	v33 =	vld @!p1 [tilespmem:$0x140];
	v2 =	vadd.s32 @!p1 v2, v29;
	v7 =	vshll.u32 @!p1 v30, $0x1;
	v3 =	vadd.s32 @!p1 v37, v3  }
0xe5: {  	v38 =	vld @!p1 [tilespmem:$0x150];
	v3 =	vadd.s32 @!p1 v6, v3;
	v6 =	vshll.u32 @!p1 v8, $0x1;
	v8 =	vshll.u32 @!p1 v9, $0x1  }
0xe6: {  	v34 =	vld @!p1 [tilespmem:$0x340];
	v6 =	vadd.s32 @!p1 v6, v11;
	v8 =	vadd.s32 @!p1 $0x2, v8;
	v11 =	vshll.u32 @!p1 v17, $0x1  }
0xe7: {  	v5 =	vadd.s32 @!p1 v5, v31;
	v9 =	vld @!p1 [tilespmem:$0x550];
	v8 =	vand.u32 @!p1 $0xFFFFFFFC, v8;
	v11 =	vadd.s32 @!p1 $0x2, v11  }
0xe8: {  	v36 =	vld @!p1 [tilespmem:$0x540];
	v6 =	vadd.s32 @!p1 v8, v6;
	v8 =	vadd.s32 @!p1 v12, v14;
	v11 =	vand.u32 @!p1 $0xFFFFFFFC, v11  }
0xe9: {  	v31 =	vld @!p1 [tilespmem:$0x350];
	v14 =	vshll.u32 @!p1 v20, $0x1;
	v8 =	vadd.s32 @!p1 v11, v8;
	v11 =	vshll.u32 @!p1 v15, $0x1  }
0xea: {  	[tilespmem:$0x680] =	vst @!p1 v19;
	v12 =	vld @!p1 [tilespmem:$0x560];
	v19 =	vshll.u32 @!p1 v38, $0x1;
	v14 =	vadd.s32 @!p1 $0x2, v14;
	v11 =	vadd.s32 @!p1 v11, v18  }
0xeb: {  	[tilespmem:$0x600] =	vst @!p1 v0;
	v37 =	vld @!p1 [tilespmem:$0x360];
	v18 =	vshll.u32 @!p1 v24, $0x1;
	v0 =	vand.u32 @!p1 $0xFFFFFFFC, v14;
	v14 =	vshll.u32 @!p1 v23, $0x1  }
0xec: {  	v23 =	vld @!p1 [tilespmem:$0x570];
	v9 =	vshll.u32 @!p1 v9, $0x1;
	v18 =	vadd.s32 @!p1 $0x2, v18;
	v0 =	vadd.s32 @!p1 v0, v11  }
0xed: {  	[tilespmem:$0x610] =	vst @!p1 v1;
	v17 =	vld @!p1 [tilespmem:$0x160];
	v1 =	vadd.s32 @!p1 v14, v21;
	v9 =	vadd.s32 @!p1 $0x2, v9;
	v11 =	vand.u32 @!p1 $0xFFFFFFFC, v18  }
0xee: {  	v20 =	vld @!p1 [tilespmem:$0x370];
	v9 =	vand.u32 @!p1 $0xFFFFFFFC, v9;
	v1 =	vadd.s32 @!p1 v11, v1;
	v11 =	vshll.u32 @!p1 v27, $0x1  }
0xef: {  	[tilespmem:$0x630] =	vst @!p1 v4;
	v15 =	vld @!p1 [tilespmem:$0x170];
	v12 =	vshll.u32 @!p1 v12, $0x1;
	v4 =	vadd.s32 @!p1 $0x2, v11;
	v11 =	vshll.u32 @!p1 v35, $0x1  }
0xf0: {  	[tilespmem:$0x690] =	vst @!p1 v22;
	v24 =	vld @!p1 [tilespmem:$0x190];
	v12 =	vadd.s32 @!p1 $0x2, v12;
	v4 =	vand.u32 @!p1 $0xFFFFFFFC, v4;
	v11 =	vadd.s32 @!p1 $0x2, v11  }
0xf1: {  	[tilespmem:$0x6C0] =	vst @!p1 v5;
	v14 =	vld @!p1 [tilespmem:$0x180];
	v22 =	vshll.u32 @!p1 v23, $0x1;
	v5 =	vand.u32 @!p1 $0xFFFFFFFC, v12;
	v2 =	vadd.s32 @!p1 v4, v2  }
0xf2: {  	v21 =	vld @!p1 [tilespmem:$0x580];
	v4 =	vadd.s32 @!p1 v7, v32;
	v7 =	vand.u32 @!p1 $0xFFFFFFFC, v11;
	v11 =	vshll.u32 @!p1 v36, $0x1  }
0xf3: {  	v18 =	vld @!p1 [tilespmem:$0x380];
	v4 =	vadd.s32 @!p1 v7, v4;
	v7 =	vshll.u32 @!p1 v33, $0x1;
	v11 =	vadd.s32 @!p1 $0x2, v11  }
0xf4: {  	v23 =	vld @!p1 [tilespmem:$0x3B0];
	v12 =	vshll.u32 @!p1 v15, $0x1;
	v7 =	vadd.s32 @!p1 v7, v34;
	v11 =	vand.u32 @!p1 $0xFFFFFFFC, v11  }
0xf5: {  	v15 =	vadd.s32 @!p1 $0x2, v22;
	v22 =	vld @!p1 [tilespmem:$0x5B0];
	v7 =	vadd.s32 @!p1 v11, v7;
	v11 =	vadd.s32 @!p1 v19, v31  }
0xf6: {  	[tilespmem:$0x6E0] =	vst @!p1 v6;
	v6 =	vshll.u32 @!p1 v14, $0x1;
	v14 =	vld @!p1 [tilespmem:$0x3C0];
	v9 =	vadd.s32 @!p1 v9, v11;
	v11 =	vshll.u32 @!p1 v17, $0x1  }
0xf7: {  	[tilespmem:$0x720] =	vst @!p1 v2;
	v2 =	vshll.u32 @!p1 v16, $0x1;
	v16 =	vld @!p1 [tilespmem:$0x3E0];
	v11 =	vadd.s32 @!p1 v11, v37  }
0xf8: {  	[tilespmem:$0x6D0] =	vst @!p1 v3;
	v19 =	vld @!p1 [tilespmem:$0x5A0];
	v3 =	vadd.s32 @!p1 v5, v11;
	v5 =	vadd.s32 @!p1 v12, v20;
	v11 =	vand.u32 @!p1 $0xFFFFFFFC, v15  }
0xf9: {  	[tilespmem:$0x6A0] =	vst @!p1 v25;
	v17 =	vld @!p1 [tilespmem:$0x1B0];
	v5 =	vadd.s32 @!p1 v11, v5;
	v11 =	vshll.u32 @!p1 v21, $0x1  }
0xfa: {  	[tilespmem:$0x6F0] =	vst @!p1 v8;
	v6 =	vadd.s32 @!p1 v6, v18;
	v12 =	vld @!p1 [tilespmem:$0x1C0];
	v8 =	vadd.s32 @!p1 $0x2, v11;
	v11 =	vshll.u32 @!p1 v13, $0x1  }
0xfb: {  	[tilespmem:$0x700] =	vst @!p1 v0;
	v15 =	vld @!p1 [tilespmem:$0x1D0];
	v0 =	vand.u32 @!p1 $0xFFFFFFFC, v8;
	v8 =	vshll.u32 @!p1 v24, $0x1;
	v11 =	vadd.s32 @!p1 $0x2, v11  }
0xfc: {  	[tilespmem:$0x710] =	vst @!p1 v1;
	v13 =	vld @!p1 [tilespmem:$0x5C0];
	v0 =	vadd.s32 @!p1 v0, v6;
	v1 =	vadd.s32 @!p1 v8, v10;
	v6 =	vand.u32 @!p1 $0xFFFFFFFC, v11  }
0xfd: {  	[tilespmem:$0x6B0] =	vst @!p1 v28;
	v10 =	vld @!p1 [tilespmem:$0x5D0];
	v1 =	vadd.s32 @!p1 v6, v1;
	v6 =	vshll.u32 @!p1 v19, $0x1  }
0xfe: {  	[tilespmem:$0x730] =	vst @!p1 v4;
	v2 =	vadd.s32 @!p1 v2, v26;
	v8 =	vld @!p1 [tilespmem:$0x3D0];
	v4 =	vadd.s32 @!p1 $0x2, v6;
	v6 =	vshll.u32 @!p1 v22, $0x1  }
0xff: {  	[tilespmem:$0x740] =	vst @!p1 v7;
	v7 =	vshll.u32 @!p1 v17, $0x1;
	v11 =	vld @!p1 [tilespmem:$0x1E0];
	v4 =	vand.u32 @!p1 $0xFFFFFFFC, v4;
	v6 =	vadd.s32 @!p1 $0x2, v6  }
0x100: {  	[tilespmem:$0x750] =	vst @!p1 v9;
	v2 =	vadd.s32 @!p1 v4, v2;
	v4 =	vadd.s32 @!p1 v7, v23;
	v6 =	vand.u32 @!p1 $0xFFFFFFFC, v6;
	v7 =	vld @!p1 [tilespmem:$0x5E0]  }
0x101: {  	v9 =	vld @!p1 [tilespmem:$0x5F0];
	[tilespmem:$0x760] =	vst @!p1 v3;
	v3 =	vadd.s32 @!p1 v6, v4;
	v4 =	vshll.u32 @!p1 v12, $0x1;
	v6 =	vshll.u32 @!p1 v13, $0x1  }
0x102: {  	[tilespmem:$0x770] =	vst @!p1 v5;
	v4 =	vadd.s32 @!p1 v4, v14;
	v5 =	vadd.s32 @!p1 $0x2, v6;
	v6 =	vshll.u32 @!p1 v10, $0x1;
	v10 =	vld @!p1 [tilespmem:$0x1F0]  }
0x103: {  	[tilespmem:$0x780] =	vst @!p1 v0;
	v12 =	vld @!p1 [tilespmem:$0x3F0];
	v0 =	vand.u32 @!p1 $0xFFFFFFFC, v5;
	v5 =	vshll.u32 @!p1 v15, $0x1;
	v6 =	vadd.s32 @!p1 $0x2, v6  }
0x104: {  	[tilespmem:$0x790] =	vst @!p1 v1;
	v0 =	vadd.s32 @!p1 v0, v4;
	v1 =	vadd.s32 @!p1 v5, v8;
	v4 =	vand.u32 @!p1 $0xFFFFFFFC, v6  }
0x105: {  	[tilespmem:$0x7A0] =	vst @!p1 v2;
	v2 =	vshll.u32 @!p1 v11, $0x1;
	v1 =	vadd.s32 @!p1 v4, v1;
	v4 =	vshll.u32 @!p1 v7, $0x1  }
0x106: {  	[tilespmem:$0x7B0] =	vst @!p1 v3;
	v2 =	vadd.s32 @!p1 v2, v16;
	v3 =	vadd.s32 @!p1 $0x2, v4;
	v4 =	vshll.u32 @!p1 v9, $0x1  }
0x107: {  	[tilespmem:$0x7C0] =	vst @!p1 v0;
	v0 =	vand.u32 @!p1 $0xFFFFFFFC, v3;
	v3 =	vshll.u32 @!p1 v10, $0x1;
	v4 =	vadd.s32 @!p1 $0x2, v4  }
0x108: {  	[tilespmem:$0x7D0] =	vst @!p1 v1;
	v0 =	vadd.s32 @!p1 v0, v2;
	v1 =	vadd.s32 @!p1 v3, v12;
	v2 =	vand.u32 @!p1 $0xFFFFFFFC, v4  }
0x109: {  	[tilespmem:$0x7E0] =	vst @!p1 v0;
	v0 =	vadd.s32 @!p1 v2, v1  }
0x10a: {  	s0 =	simm.s32 @!p1 $0x6;
	[tilespmem:$0x7F0] =	vst @!p1 v0  }
0x10b: {  	_ =	swait.ge @!p1 [sflag:s0], $0x4000  }
0x10c: {  	s1 =	simm.s32 @!p1 $0x800;
	[sflag:s0] =	ssyncset.done @!p1 $0x0  }
0x10d: {  	s31 =	simm.s32 @!p1 $0x600;
	[sflag:s0] =	ssyncadd.s32 @!p1 $0xFFFFC000;
	s0 =	simm.s32 @!p1 $0x80  }
0x10e: {  	[tilespmem:s1], [sflag:$0x2] =	stream.indirect.gather @!p1 [spmem:s2], $0x80, s31, s0, $0xb8;
	[tilespmem:$0x10840] =	vst v63  }
0x10f: {  	s1 =	simm.s32 @!p1 $0x7  }
0x110: {  	_ =	swait.ge @!p1 [sflag:s1], $0x4000  }
0x111: {  	[sflag:s1] =	ssyncset.done @!p1 $0x0  }
0x112: {  	s31 =	simm.s32 @!p1 $0x4800;
	[sflag:s1] =	ssyncadd.s32 @!p1 $0xFFFFC000;
	s1 =	simm.s32 @!p1 $0x680  }
0x113: {  	[tilespmem:s31], [sflag:$0x3] =	stream.indirect.gather @!p1 [spmem:s2], $0x80, s1, s0, $0xb8;
	[tilespmem:$0x10840] =	vst v63  }
0x114: {  	s30 =	sadd.s32 @!p1 $0x2000, s30;
	s1 =	simm.s32 @!p1 $0x8  }
0x115: {  	p2 =	sne.s32 @!p1 s30, $0x40000;
	_ =	swait.ge @!p1 [sflag:s1], $0x4000  }
0x116: {  	p2 =	por p1, !p2;
	[sflag:s1] =	ssyncset.done @!p1 $0x0  }
0x117: {  	s31 =	simm.s32 @!p1 $0x8800;
	[sflag:s1] =	ssyncadd.s32 @!p1 $0xFFFFC000;
	s1 =	simm.s32 @!p1 $0x700  }
0x118: {  	[tilespmem:s31], [sflag:$0x4] =	stream.indirect.gather @!p1 [spmem:s2], $0x80, s1, s0, $0xb8;
	[tilespmem:$0x10840] =	vst v63  }
.Ltmp0:
0x119: {  	s1 =	simm.s32 @!p1 $0x9;
	(pc) =	sbr.rel @!p2 .LBB2_2-.Ltmp0, $4  }
0x11a: {  	_ =	swait.ge @!p1 [sflag:s1], $0x4000  }
0x11b: {  	s29 =	sadd.s32 @!p1 $0xC0, s29;
	[sflag:s1] =	ssyncset.done @!p1 $0x0  }
0x11c: {  	s31 =	simm.s32 @!p1 $0xC800;
	[sflag:s1] =	ssyncadd.s32 @!p1 $0xFFFFC000;
	s1 =	simm.s32 @!p1 $0x780  }
0x11d: {  	[tilespmem:s31], [sflag:$0x5] =	stream.indirect.gather @!p1 [spmem:s2], $0x80, s1, s0, $0xb8;
	[tilespmem:$0x10840] =	vst v63  }
0x11e: {  	_ =	swait.ge [sflag:s23], $0x4000  }
0x11f: {  	[sflag:s23] =	ssyncset.done $0x0  }
0x120: {  	[sflag:s23] =	ssyncadd.s32 $0xFFFFC000  }
0x121: {  	_ =	swait.ge [sflag:s24], $0x4000  }
0x122: {  	[sflag:s24] =	ssyncset.done $0x0  }
0x123: {  	s28 =	sadd.s32 $0x1, s28;
	[sflag:s24] =	ssyncadd.s32 $0xFFFFC000  }
0x124: {  	p1 =	sne.s32 s28, s5;
	_ =	swait.ge [sflag:s25], $0x4000  }
.Ltmp1:
0x125: {  	[sflag:s25] =	ssyncset.done $0x0;
	(pc) =	sbr.rel @p1 .LBB2_1-.Ltmp1, $4  }
0x126: {  	[sflag:s25] =	ssyncadd.s32 $0xFFFFC000  }
0x127: {  	_ =	swait.ge [sflag:s26], $0x4000  }
0x128: {  	[sflag:s26] =	ssyncset.done $0x0  }
0x129: {  	[sflag:s26] =	ssyncadd.s32 $0xFFFFC000  }
0x12a: {  	_ =	sfence.sel $0x180000  }
0x12b: {  	[bflag:$0x0] =	sbarrier.arrive $0xFFFF  }
0x12c: {  	_ =	strace $0x90000047  }
0x12d: {  	[bflag:$0x2] =	sbarrier.arrive $0xFFFF  }
0x12e: {  	s0 =	rddreg [dreg:$0x4]  }
0x12f: {  	s0 =	sadd.s32 @!p0 $0x100000, s0  }
0x130: {  	[sflag:s0] =	ssyncadd.tile.s32 @!p0 $0x1;
	_ =	shalt  }
.Lfunc_end2:
_tile_overlayer_lowered:
.L_overlay_start_2:
0x131: {  	(tag) =	ssettag $0x2  }
0x132: {  	s0 =	rddreg [dreg:$0x0];
	s2 =	stileid.u32  }
0x133: {  	s1 =	rddreg [dreg:$0x1];
	p0 =	sne.s32 s2, $0x0  }
0x134: {  	s3 =	rddreg [dreg:$0x2];
	[bflag:$0x3] =	sbarrier.arrive $0xFFFF;
	s2 =	simm.s32 @!p0 $0x1C0A  }
0x135: {  	[timem:s3], [sflag:s2] =	dma.local @!p0 [hbm:s0], s1  }
0x136: {  	s0 =	simm.s32 @!p0 $0xA  }
0x137: {  	_ =	swait.ge @!p0 [sflag:s0], s1  }
0x138: {  	s1 =	ssub.s32 @!p0 $0x0, s1;
	[sflag:s0] =	ssyncset.done @!p0 $0x0  }
0x139: {  	[sflag:s0] =	ssyncadd.s32 @!p0 s1  }
0x13a: {  	[bflag:$0x3] =	sbarrier.arrive $0xFFFF  }
0x13b: {  	_ =	shalt  }

</sc_bundles>
